<compile_context>
chip_gen: v7x
topology: tpu7x:2x2x1
jax: 0.10.2.dev20260603
libtpu: 0.0.44.dev20260713+nightly
codegen_flags: <defaults>
</compile_context>

<pallas_src>
import functools

import jax
import jax.numpy as jnp
from jax import lax
from jax.experimental import pallas as pl
from jax.experimental.pallas import tpu as pltpu
from jax.experimental.pallas import tpu_sc as plsc

_B = 16384
_H = 19
_PLANE = _H * _H
_ROW = 5 * _PLANE
_NC = 2
_NS = 16
_NW = _NC * _NS
_GPW = _B // _NW
_CH = 32
_NCHUNK = _GPW // _CH
_L = 16


def _features_body(pos_hbm, out_hbm, pos_v, buf, sem):
    wid = lax.axis_index("s") * _NC + lax.axis_index("c")
    base = wid * _GPW
    lane = lax.iota(jnp.int32, _L)
    zeros_i = jnp.zeros((_L,), jnp.int32)
    ones_i = jnp.ones((_L,), jnp.int32)
    ones_f = jnp.full((_L,), 1.0, jnp.float32)
    zeros_f = jnp.zeros((_L,), jnp.float32)

    pltpu.sync_copy(pos_hbm.at[pl.ds(base, _GPW)], pos_v)

    def _fill_row(row, carry):
        def _fill(i, c):
            cols = i * _L + lane
            val = jnp.where(((cols >= 2 * _PLANE) & (cols < 3 * _PLANE))
                            | (cols >= 4 * _PLANE), ones_f, zeros_f)
            plsc.store_scatter(buf, [zeros_i + row, cols], val,
                               mask=cols < _ROW)
            return c

        return lax.fori_loop(0, (_ROW + _L - 1) // _L, _fill, carry)

    lax.fori_loop(0, _CH, _fill_row, 0)

    def _poke(row0, grp0, v_opp, v_legal):
        rows = row0 + lane
        g = grp0 + lane
        r = plsc.load_gather(pos_v, [g, zeros_i])
        c = plsc.load_gather(pos_v, [g, ones_i])
        p = r * _H + c
        plsc.store_scatter(buf, [rows, _PLANE + p], v_opp)
        plsc.store_scatter(buf, [rows, 2 * _PLANE + p], v_legal)

    dma = None
    for j in range(_NCHUNK):
        if dma is not None:
            dma.wait()
            for h in range(_CH // _L):
                _poke(h * _L, (j - 1) * _CH + h * _L, zeros_f, ones_f)
        for h in range(_CH // _L):
            _poke(h * _L, j * _CH + h * _L, ones_f, zeros_f)
        dma = pltpu.async_copy(
            buf, out_hbm.at[pl.ds(base + j * _CH, _CH)], sem)
    dma.wait()


_features = functools.partial(
    pl.kernel,
    out_type=jax.ShapeDtypeStruct((_B, _ROW), jnp.float32),
    mesh=plsc.VectorSubcoreMesh(core_axis_name="c", subcore_axis_name="s"),
    compiler_params=pltpu.CompilerParams(use_tc_tiling_on_sc=False,
                                         needs_layout_passes=False),
    scratch_types=[
        pltpu.VMEM((_GPW, 2), jnp.int32),
        pltpu.VMEM((_CH, _ROW), jnp.float32),
        pltpu.SemaphoreType.DMA,
    ],
)(_features_body)


def kernel(neighbor_kernel, pos):
    del neighbor_kernel
    flat = _features(pos)
    return flat.reshape(_B, 5, _H, _H)

# --- scband reference (transcript-rebuilt; emitter-appended) ---
"""Pipeline reference for scband-tensor-board-82600811036959 (READ-ONLY COPY).

The authoritative reference and input builder live on the scoring server;
editing this copy changes nothing except your own understanding.
"""

import jax, jax.numpy as jnp
import numpy as np

BATCH = 16384
BS = 19


def _conv(x, kernel):
    # x: [B, H, W] float; kernel: [1, 1, 3, 3]
    y = jax.lax.conv_general_dilated(x[:, None, :, :], kernel,
                                     window_strides=(1, 1),
                                     padding=((1, 1), (1, 1)))
    return y[:, 0]


def setup_inputs(seed: int = 0) -> dict:
    key = jax.random.key(seed)
    pos = jax.random.randint(key, (BATCH, 2), 0, BS, dtype=jnp.int32)
    neighbor_kernel = jnp.array([[0., 1., 0.], [1., 0., 1.], [0., 1., 0.]], dtype=jnp.float32)[None, None]
    return {"neighbor_kernel": neighbor_kernel, "pos": pos}


def reference(neighbor_kernel, pos):
    # Faithful translation of TensorBoard.step(pos) followed by TensorBoard.features()
    # starting from the freshly-initialized buffers (empty board, black to move).
    B = pos.shape[0]
    H = BS
    ids = jnp.arange(B)

    stones = jnp.zeros((B, 2, H, H), dtype=bool)
    is_pass = pos[:, 0] < 0
    play = ~is_pass
    r = jnp.clip(pos[:, 0], 0, H - 1)
    c = jnp.clip(pos[:, 1], 0, H - 1)
    who = jnp.zeros((B,), dtype=jnp.int32)  # current_player starts at 0 (BLACK)
    # place stones for playing games
    cur_vals = stones[ids, who, r, c]
    stones = stones.at[ids, who, r, c].set(jnp.where(play, True, cur_vals))
    # _captures: candidate neighbours are intersected with the opponent plane,
    # which is empty at the start of the game -> cand.any() is False -> early return.
    # ko_points remain -1 for every game.
    # current_player ^= 1 (applied unconditionally in step)
    current_player = jnp.ones((B,), dtype=jnp.int32)

    # features()
    cur = stones[ids, current_player].astype(jnp.float32)
    opp_b = stones[ids, 1 - current_player]
    opp = opp_b.astype(jnp.float32)
    empty_b = ~(stones[:, 0] | stones[:, 1])
    empty = empty_b.astype(jnp.float32)

    # legal_moves()
    lib_cnt = _conv(empty, neighbor_kernel)
    legal = empty_b & (lib_cnt > 0)
    opp_lib = _conv(opp, neighbor_kernel)
    weak = opp_b & (opp_lib == 1)
    adj_weak = _conv(weak.astype(jnp.float32), neighbor_kernel) > 0
    legal = legal | (empty_b & adj_weak)
    # ko_points are all -1 after a capture-free step -> no ko masking

    cur_lib = _conv(cur, neighbor_kernel) * empty
    turn = jnp.broadcast_to(current_player.astype(jnp.float32)[:, None, None], (B, H, H))
    return jnp.stack([cur, opp, legal.astype(jnp.float32), cur_lib, turn], axis=1)

if __name__ == "__main__":
    import jax
    _d = setup_inputs()
    print(jax.jit(kernel)(*tuple(_d.values())))

</pallas_src>

<mosaic_0001>
#map = affine_map<(d0, d1) -> (0, 0)>
module attributes {stable_mosaic.version = 14 : i64} {
  func.func @_features_body(%arg0: i32, %arg1: i32, %arg2: memref<16384x2xi32, #tpu.memory_space<hbm>>, %arg3: memref<16384x1805xf32, #tpu.memory_space<hbm>>, %arg4: memref<512x2xi32, #tpu.memory_space<vmem>>, %arg5: memref<32x1805xf32, #tpu.memory_space<vmem>>, %arg6: memref<!tpu.dma_semaphore, #tpu.memory_space<semaphore_mem>>) attributes {dimension_semantics = [#tpu.dimension_semantics<core_parallel>, #tpu.dimension_semantics<subcore_parallel>], iteration_bounds = array<i64: 2, 16>, scalar_prefetch = 0 : i64, scratch_operands = 3 : i64, tpu.core_type = #tpu.core_type<sc_vector_subcore>, window_params = [{transform_indices = #map}, {transform_indices = #map}]} {
    %mul3A = arith.constant 2 : i32
    %mul3A_0 = arith.muli %arg1, %mul3A : i32
    %add3A = arith.addi %mul3A_0, %arg0 : i32
    %mul3A_1 = arith.constant 512 : i32
    %mul3A_2 = arith.muli %add3A, %mul3A_1 : i32
    %iota3A = tpu.iota {dimensions = array<i32: 0>} : vector<16xi32>
    %broadcast_in_dim3A = arith.constant 0 : i32
    %broadcast_in_dim3A_3 = vector.broadcast %broadcast_in_dim3A : i32 to vector<16xi32>
    %broadcast_in_dim3A_4 = arith.constant 1 : i32
    %broadcast_in_dim3A_5 = vector.broadcast %broadcast_in_dim3A_4 : i32 to vector<16xi32>
    %broadcast_in_dim3A_6 = arith.constant 1.000000e+00 : f32
    %broadcast_in_dim3A_7 = vector.broadcast %broadcast_in_dim3A_6 : f32 to vector<16xf32>
    %broadcast_in_dim3A_8 = arith.constant 0.000000e+00 : f32
    %broadcast_in_dim3A_9 = vector.broadcast %broadcast_in_dim3A_8 : f32 to vector<16xf32>
    "tpu.region"() ({
      %run_scoped3A = tpu.sem_alloc : memref<!tpu.dma_semaphore, #tpu.memory_space<semaphore_mem>>
      %dma_start3A_1288 = arith.constant 0 : i32
      %dma_start3A_1289 = tpu.memref_slice %arg2[%mul3A_2, %dma_start3A_1288] : memref<16384x2xi32, #tpu.memory_space<hbm>> -> memref<512x2xi32, #tpu.memory_space<hbm>>
      %dma_start3A_1290 = arith.constant 0 : i32
      %dma_start3A_1291 = tpu.memref_slice %arg2[%mul3A_2, %dma_start3A_1290] : memref<16384x2xi32, #tpu.memory_space<hbm>> -> memref<512x2xi32, #tpu.memory_space<hbm>>
      tpu.enqueue_dma source(%dma_start3A_1291 : memref<512x2xi32, #tpu.memory_space<hbm>>) target(%arg4 : memref<512x2xi32, #tpu.memory_space<vmem>>) target_semaphore(%run_scoped3A : memref<!tpu.dma_semaphore, #tpu.memory_space<semaphore_mem>>)
      %dma_wait3A_1292 = arith.constant 0 : i32
      %dma_wait3A_1293 = tpu.memref_slice %arg2[%mul3A_2, %dma_wait3A_1292] : memref<16384x2xi32, #tpu.memory_space<hbm>> -> memref<512x2xi32, #tpu.memory_space<hbm>>
      %dma_wait3A_1294 = arith.constant 0 : i32
      %dma_wait3A_1295 = tpu.memref_slice %arg2[%mul3A_2, %dma_wait3A_1294] : memref<16384x2xi32, #tpu.memory_space<hbm>> -> memref<512x2xi32, #tpu.memory_space<hbm>>
      tpu.wait_dma2 semaphore(%run_scoped3A : memref<!tpu.dma_semaphore, #tpu.memory_space<semaphore_mem>>) src(%dma_wait3A_1295 : memref<512x2xi32, #tpu.memory_space<hbm>>) dst(%arg4 : memref<512x2xi32, #tpu.memory_space<vmem>>)
      tpu.yield
    }) : () -> ()
    %scan3A = arith.constant 0 : i32
    %scan3A_10 = arith.constant 0 : i32
    %scan3A_11 = arith.constant 32 : i32
    %scan3A_12 = arith.addi %scan3A_10, %scan3A_11 : i32
    %scan3A_13 = arith.constant 1 : i32
    scf.for %scan3A_1288 = %scan3A_10 to %scan3A_12 step %scan3A_13  : i32 {
      %scan3A_1289 = arith.constant 0 : i32
      %scan3A_1290 = arith.constant 113 : i32
      %scan3A_1291 = arith.addi %scan3A_1289, %scan3A_1290 : i32
      %scan3A_1292 = arith.constant 1 : i32
      scf.for %scan3A_1294 = %scan3A_1289 to %scan3A_1291 step %scan3A_1292  : i32 {
        %mul3A_1295 = arith.constant 16 : i32
        %mul3A_1296 = arith.muli %scan3A_1294, %mul3A_1295 : i32
        %add3A_1297 = vector.broadcast %mul3A_1296 : i32 to vector<16xi32>
        %add3A_1298 = arith.addi %add3A_1297, %iota3A : vector<16xi32>
        %ge3A = arith.constant 722 : i32
        %ge3A_1299 = vector.broadcast %ge3A : i32 to vector<16xi32>
        %ge3A_1300 = arith.cmpi sge, %add3A_1298, %ge3A_1299 : vector<16xi32>
        %lt3A = arith.constant 1083 : i32
        %lt3A_1301 = vector.broadcast %lt3A : i32 to vector<16xi32>
        %lt3A_1302 = arith.cmpi slt, %add3A_1298, %lt3A_1301 : vector<16xi32>
        %and3A = arith.andi %ge3A_1300, %lt3A_1302 : vector<16xi1>
        %ge3A_1303 = arith.constant 1444 : i32
        %ge3A_1304 = vector.broadcast %ge3A_1303 : i32 to vector<16xi32>
        %ge3A_1305 = arith.cmpi sge, %add3A_1298, %ge3A_1304 : vector<16xi32>
        %or3A = arith.ori %and3A, %ge3A_1305 : vector<16xi1>
        %select_n3A = arith.select %or3A, %broadcast_in_dim3A_7, %broadcast_in_dim3A_9 : vector<16xi1>, vector<16xf32>
        %add3A_1306 = vector.broadcast %scan3A_1288 : i32 to vector<16xi32>
        %add3A_1307 = arith.addi %broadcast_in_dim3A_3, %add3A_1306 : vector<16xi32>
        %lt3A_1308 = arith.constant 1805 : i32
        %lt3A_1309 = vector.broadcast %lt3A_1308 : i32 to vector<16xi32>
        %lt3A_1310 = arith.cmpi slt, %add3A_1298, %lt3A_1309 : vector<16xi32>
        tpu.vector_store_idx %arg5[%add3A_1307, %add3A_1298], %select_n3A masked %lt3A_1310 : memref<32x1805xf32, #tpu.memory_space<vmem>>[vector<16xi32>, vector<16xi32>], vector<16xf32>, vector<16xi1>
      }
      %scan3A_1293 = arith.constant 113 : i32
    }
    %scan3A_14 = arith.constant 32 : i32
    %add3A_15 = arith.constant 0 : i32
    %add3A_16 = vector.broadcast %add3A_15 : i32 to vector<16xi32>
    %add3A_17 = arith.addi %add3A_16, %iota3A : vector<16xi32>
    %add3A_18 = arith.constant 0 : i32
    %add3A_19 = vector.broadcast %add3A_18 : i32 to vector<16xi32>
    %add3A_20 = arith.addi %add3A_19, %iota3A : vector<16xi32>
    %gather3A = tpu.vector_load_idx %arg4[%add3A_20, %broadcast_in_dim3A_3] : memref<512x2xi32, #tpu.memory_space<vmem>>[vector<16xi32>, vector<16xi32>], vector<16xi32>,
    %gather3A_21 = tpu.vector_load_idx %arg4[%add3A_20, %broadcast_in_dim3A_5] : memref<512x2xi32, #tpu.memory_space<vmem>>[vector<16xi32>, vector<16xi32>], vector<16xi32>,
    %mul3A_22 = arith.constant 19 : i32
    %mul3A_23 = vector.broadcast %mul3A_22 : i32 to vector<16xi32>
    %mul3A_24 = arith.muli %gather3A, %mul3A_23 : vector<16xi32>
    %add3A_25 = arith.addi %mul3A_24, %gather3A_21 : vector<16xi32>
    %add3A_26 = arith.constant 361 : i32
    %add3A_27 = vector.broadcast %add3A_26 : i32 to vector<16xi32>
    %add3A_28 = arith.addi %add3A_27, %add3A_25 : vector<16xi32>
    tpu.vector_store_idx %arg5[%add3A_17, %add3A_28], %broadcast_in_dim3A_7 : memref<32x1805xf32, #tpu.memory_space<vmem>>[vector<16xi32>, vector<16xi32>], vector<16xf32>,
    %add3A_29 = arith.constant 722 : i32
    %add3A_30 = vector.broadcast %add3A_29 : i32 to vector<16xi32>
    %add3A_31 = arith.addi %add3A_30, %add3A_25 : vector<16xi32>
    tpu.vector_store_idx %arg5[%add3A_17, %add3A_31], %broadcast_in_dim3A_9 : memref<32x1805xf32, #tpu.memory_space<vmem>>[vector<16xi32>, vector<16xi32>], vector<16xf32>,
    %add3A_32 = arith.constant 16 : i32
    %add3A_33 = vector.broadcast %add3A_32 : i32 to vector<16xi32>
    %add3A_34 = arith.addi %add3A_33, %iota3A : vector<16xi32>
    %add3A_35 = arith.constant 16 : i32
    %add3A_36 = vector.broadcast %add3A_35 : i32 to vector<16xi32>
    %add3A_37 = arith.addi %add3A_36, %iota3A : vector<16xi32>
    %gather3A_38 = tpu.vector_load_idx %arg4[%add3A_37, %broadcast_in_dim3A_3] : memref<512x2xi32, #tpu.memory_space<vmem>>[vector<16xi32>, vector<16xi32>], vector<16xi32>,
    %gather3A_39 = tpu.vector_load_idx %arg4[%add3A_37, %broadcast_in_dim3A_5] : memref<512x2xi32, #tpu.memory_space<vmem>>[vector<16xi32>, vector<16xi32>], vector<16xi32>,
    %mul3A_40 = arith.constant 19 : i32
    %mul3A_41 = vector.broadcast %mul3A_40 : i32 to vector<16xi32>
    %mul3A_42 = arith.muli %gather3A_38, %mul3A_41 : vector<16xi32>
    %add3A_43 = arith.addi %mul3A_42, %gather3A_39 : vector<16xi32>
    %add3A_44 = arith.constant 361 : i32
    %add3A_45 = vector.broadcast %add3A_44 : i32 to vector<16xi32>
    %add3A_46 = arith.addi %add3A_45, %add3A_43 : vector<16xi32>
    tpu.vector_store_idx %arg5[%add3A_34, %add3A_46], %broadcast_in_dim3A_7 : memref<32x1805xf32, #tpu.memory_space<vmem>>[vector<16xi32>, vector<16xi32>], vector<16xf32>,
    %add3A_47 = arith.constant 722 : i32
    %add3A_48 = vector.broadcast %add3A_47 : i32 to vector<16xi32>
    %add3A_49 = arith.addi %add3A_48, %add3A_43 : vector<16xi32>
    tpu.vector_store_idx %arg5[%add3A_34, %add3A_49], %broadcast_in_dim3A_9 : memref<32x1805xf32, #tpu.memory_space<vmem>>[vector<16xi32>, vector<16xi32>], vector<16xf32>,
    %add3A_50 = arith.constant 0 : i32
    %add3A_51 = arith.addi %mul3A_2, %add3A_50 : i32
    %dma_start3A = arith.constant 0 : i32
    %dma_start3A_52 = tpu.memref_slice %arg3[%add3A_51, %dma_start3A] : memref<16384x1805xf32, #tpu.memory_space<hbm>> -> memref<32x1805xf32, #tpu.memory_space<hbm>>
    %dma_start3A_53 = arith.constant 0 : i32
    %dma_start3A_54 = tpu.memref_slice %arg3[%add3A_51, %dma_start3A_53] : memref<16384x1805xf32, #tpu.memory_space<hbm>> -> memref<32x1805xf32, #tpu.memory_space<hbm>>
    tpu.enqueue_dma source(%arg5 : memref<32x1805xf32, #tpu.memory_space<vmem>>) target(%dma_start3A_54 : memref<32x1805xf32, #tpu.memory_space<hbm>>) target_semaphore(%arg6 : memref<!tpu.dma_semaphore, #tpu.memory_space<semaphore_mem>>)
    %dma_wait3A = arith.constant 0 : i32
    %dma_wait3A_55 = tpu.memref_slice %arg3[%add3A_51, %dma_wait3A] : memref<16384x1805xf32, #tpu.memory_space<hbm>> -> memref<32x1805xf32, #tpu.memory_space<hbm>>
    %dma_wait3A_56 = arith.constant 0 : i32
    %dma_wait3A_57 = tpu.memref_slice %arg3[%add3A_51, %dma_wait3A_56] : memref<16384x1805xf32, #tpu.memory_space<hbm>> -> memref<32x1805xf32, #tpu.memory_space<hbm>>
    tpu.wait_dma2 semaphore(%arg6 : memref<!tpu.dma_semaphore, #tpu.memory_space<semaphore_mem>>) src(%arg5 : memref<32x1805xf32, #tpu.memory_space<vmem>>) dst(%dma_wait3A_57 : memref<32x1805xf32, #tpu.memory_space<hbm>>)
    %add3A_58 = arith.constant 0 : i32
    %add3A_59 = vector.broadcast %add3A_58 : i32 to vector<16xi32>
    %add3A_60 = arith.addi %add3A_59, %iota3A : vector<16xi32>
    %add3A_61 = arith.constant 0 : i32
    %add3A_62 = vector.broadcast %add3A_61 : i32 to vector<16xi32>
    %add3A_63 = arith.addi %add3A_62, %iota3A : vector<16xi32>
    %gather3A_64 = tpu.vector_load_idx %arg4[%add3A_63, %broadcast_in_dim3A_3] : memref<512x2xi32, #tpu.memory_space<vmem>>[vector<16xi32>, vector<16xi32>], vector<16xi32>,
    %gather3A_65 = tpu.vector_load_idx %arg4[%add3A_63, %broadcast_in_dim3A_5] : memref<512x2xi32, #tpu.memory_space<vmem>>[vector<16xi32>, vector<16xi32>], vector<16xi32>,
    %mul3A_66 = arith.constant 19 : i32
    %mul3A_67 = vector.broadcast %mul3A_66 : i32 to vector<16xi32>
    %mul3A_68 = arith.muli %gather3A_64, %mul3A_67 : vector<16xi32>
    %add3A_69 = arith.addi %mul3A_68, %gather3A_65 : vector<16xi32>
    %add3A_70 = arith.constant 361 : i32
    %add3A_71 = vector.broadcast %add3A_70 : i32 to vector<16xi32>
    %add3A_72 = arith.addi %add3A_71, %add3A_69 : vector<16xi32>
    tpu.vector_store_idx %arg5[%add3A_60, %add3A_72], %broadcast_in_dim3A_9 : memref<32x1805xf32, #tpu.memory_space<vmem>>[vector<16xi32>, vector<16xi32>], vector<16xf32>,
    %add3A_73 = arith.constant 722 : i32
    %add3A_74 = vector.broadcast %add3A_73 : i32 to vector<16xi32>
    %add3A_75 = arith.addi %add3A_74, %add3A_69 : vector<16xi32>
    tpu.vector_store_idx %arg5[%add3A_60, %add3A_75], %broadcast_in_dim3A_7 : memref<32x1805xf32, #tpu.memory_space<vmem>>[vector<16xi32>, vector<16xi32>], vector<16xf32>,
    %add3A_76 = arith.constant 16 : i32
    %add3A_77 = vector.broadcast %add3A_76 : i32 to vector<16xi32>
    %add3A_78 = arith.addi %add3A_77, %iota3A : vector<16xi32>
    %add3A_79 = arith.constant 16 : i32
    %add3A_80 = vector.broadcast %add3A_79 : i32 to vector<16xi32>
    %add3A_81 = arith.addi %add3A_80, %iota3A : vector<16xi32>
    %gather3A_82 = tpu.vector_load_idx %arg4[%add3A_81, %broadcast_in_dim3A_3] : memref<512x2xi32, #tpu.memory_space<vmem>>[vector<16xi32>, vector<16xi32>], vector<16xi32>,
    %gather3A_83 = tpu.vector_load_idx %arg4[%add3A_81, %broadcast_in_dim3A_5] : memref<512x2xi32, #tpu.memory_space<vmem>>[vector<16xi32>, vector<16xi32>], vector<16xi32>,
    %mul3A_84 = arith.constant 19 : i32
    %mul3A_85 = vector.broadcast %mul3A_84 : i32 to vector<16xi32>
    %mul3A_86 = arith.muli %gather3A_82, %mul3A_85 : vector<16xi32>
    %add3A_87 = arith.addi %mul3A_86, %gather3A_83 : vector<16xi32>
    %add3A_88 = arith.constant 361 : i32
    %add3A_89 = vector.broadcast %add3A_88 : i32 to vector<16xi32>
    %add3A_90 = arith.addi %add3A_89, %add3A_87 : vector<16xi32>
    tpu.vector_store_idx %arg5[%add3A_78, %add3A_90], %broadcast_in_dim3A_9 : memref<32x1805xf32, #tpu.memory_space<vmem>>[vector<16xi32>, vector<16xi32>], vector<16xf32>,
    %add3A_91 = arith.constant 722 : i32
    %add3A_92 = vector.broadcast %add3A_91 : i32 to vector<16xi32>
    %add3A_93 = arith.addi %add3A_92, %add3A_87 : vector<16xi32>
    tpu.vector_store_idx %arg5[%add3A_78, %add3A_93], %broadcast_in_dim3A_7 : memref<32x1805xf32, #tpu.memory_space<vmem>>[vector<16xi32>, vector<16xi32>], vector<16xf32>,
    %add3A_94 = arith.constant 0 : i32
    %add3A_95 = vector.broadcast %add3A_94 : i32 to vector<16xi32>
    %add3A_96 = arith.addi %add3A_95, %iota3A : vector<16xi32>
    %add3A_97 = arith.constant 32 : i32
    %add3A_98 = vector.broadcast %add3A_97 : i32 to vector<16xi32>
    %add3A_99 = arith.addi %add3A_98, %iota3A : vector<16xi32>
    %gather3A_100 = tpu.vector_load_idx %arg4[%add3A_99, %broadcast_in_dim3A_3] : memref<512x2xi32, #tpu.memory_space<vmem>>[vector<16xi32>, vector<16xi32>], vector<16xi32>,
    %gather3A_101 = tpu.vector_load_idx %arg4[%add3A_99, %broadcast_in_dim3A_5] : memref<512x2xi32, #tpu.memory_space<vmem>>[vector<16xi32>, vector<16xi32>], vector<16xi32>,
    %mul3A_102 = arith.constant 19 : i32
    %mul3A_103 = vector.broadcast %mul3A_102 : i32 to vector<16xi32>
    %mul3A_104 = arith.muli %gather3A_100, %mul3A_103 : vector<16xi32>
    %add3A_105 = arith.addi %mul3A_104, %gather3A_101 : vector<16xi32>
    %add3A_106 = arith.constant 361 : i32
    %add3A_107 = vector.broadcast %add3A_106 : i32 to vector<16xi32>
    %add3A_108 = arith.addi %add3A_107, %add3A_105 : vector<16xi32>
    tpu.vector_store_idx %arg5[%add3A_96, %add3A_108], %broadcast_in_dim3A_7 : memref<32x1805xf32, #tpu.memory_space<vmem>>[vector<16xi32>, vector<16xi32>], vector<16xf32>,
    %add3A_109 = arith.constant 722 : i32
    %add3A_110 = vector.broadcast %add3A_109 : i32 to vector<16xi32>
    %add3A_111 = arith.addi %add3A_110, %add3A_105 : vector<16xi32>
    tpu.vector_store_idx %arg5[%add3A_96, %add3A_111], %broadcast_in_dim3A_9 : memref<32x1805xf32, #tpu.memory_space<vmem>>[vector<16xi32>, vector<16xi32>], vector<16xf32>,
    %add3A_112 = arith.constant 16 : i32
    %add3A_113 = vector.broadcast %add3A_112 : i32 to vector<16xi32>
    %add3A_114 = arith.addi %add3A_113, %iota3A : vector<16xi32>
    %add3A_115 = arith.constant 48 : i32
    %add3A_116 = vector.broadcast %add3A_115 : i32 to vector<16xi32>
    %add3A_117 = arith.addi %add3A_116, %iota3A : vector<16xi32>
    %gather3A_118 = tpu.vector_load_idx %arg4[%add3A_117, %broadcast_in_dim3A_3] : memref<512x2xi32, #tpu.memory_space<vmem>>[vector<16xi32>, vector<16xi32>], vector<16xi32>,
    %gather3A_119 = tpu.vector_load_idx %arg4[%add3A_117, %broadcast_in_dim3A_5] : memref<512x2xi32, #tpu.memory_space<vmem>>[vector<16xi32>, vector<16xi32>], vector<16xi32>,
    %mul3A_120 = arith.constant 19 : i32
    %mul3A_121 = vector.broadcast %mul3A_120 : i32 to vector<16xi32>
    %mul3A_122 = arith.muli %gather3A_118, %mul3A_121 : vector<16xi32>
    %add3A_123 = arith.addi %mul3A_122, %gather3A_119 : vector<16xi32>
    %add3A_124 = arith.constant 361 : i32
    %add3A_125 = vector.broadcast %add3A_124 : i32 to vector<16xi32>
    %add3A_126 = arith.addi %add3A_125, %add3A_123 : vector<16xi32>
    tpu.vector_store_idx %arg5[%add3A_114, %add3A_126], %broadcast_in_dim3A_7 : memref<32x1805xf32, #tpu.memory_space<vmem>>[vector<16xi32>, vector<16xi32>], vector<16xf32>,
    %add3A_127 = arith.constant 722 : i32
    %add3A_128 = vector.broadcast %add3A_127 : i32 to vector<16xi32>
    %add3A_129 = arith.addi %add3A_128, %add3A_123 : vector<16xi32>
    tpu.vector_store_idx %arg5[%add3A_114, %add3A_129], %broadcast_in_dim3A_9 : memref<32x1805xf32, #tpu.memory_space<vmem>>[vector<16xi32>, vector<16xi32>], vector<16xf32>,
    %add3A_130 = arith.constant 32 : i32
    %add3A_131 = arith.addi %mul3A_2, %add3A_130 : i32
    %dma_start3A_132 = arith.constant 0 : i32
    %dma_start3A_133 = tpu.memref_slice %arg3[%add3A_131, %dma_start3A_132] : memref<16384x1805xf32, #tpu.memory_space<hbm>> -> memref<32x1805xf32, #tpu.memory_space<hbm>>
    %dma_start3A_134 = arith.constant 0 : i32
    %dma_start3A_135 = tpu.memref_slice %arg3[%add3A_131, %dma_start3A_134] : memref<16384x1805xf32, #tpu.memory_space<hbm>> -> memref<32x1805xf32, #tpu.memory_space<hbm>>
    tpu.enqueue_dma source(%arg5 : memref<32x1805xf32, #tpu.memory_space<vmem>>) target(%dma_start3A_135 : memref<32x1805xf32, #tpu.memory_space<hbm>>) target_semaphore(%arg6 : memref<!tpu.dma_semaphore, #tpu.memory_space<semaphore_mem>>)
    %dma_wait3A_136 = arith.constant 0 : i32
    %dma_wait3A_137 = tpu.memref_slice %arg3[%add3A_131, %dma_wait3A_136] : memref<16384x1805xf32, #tpu.memory_space<hbm>> -> memref<32x1805xf32, #tpu.memory_space<hbm>>
    %dma_wait3A_138 = arith.constant 0 : i32
    %dma_wait3A_139 = tpu.memref_slice %arg3[%add3A_131, %dma_wait3A_138] : memref<16384x1805xf32, #tpu.memory_space<hbm>> -> memref<32x1805xf32, #tpu.memory_space<hbm>>
    tpu.wait_dma2 semaphore(%arg6 : memref<!tpu.dma_semaphore, #tpu.memory_space<semaphore_mem>>) src(%arg5 : memref<32x1805xf32, #tpu.memory_space<vmem>>) dst(%dma_wait3A_139 : memref<32x1805xf32, #tpu.memory_space<hbm>>)
    %add3A_140 = arith.constant 0 : i32
    %add3A_141 = vector.broadcast %add3A_140 : i32 to vector<16xi32>
    %add3A_142 = arith.addi %add3A_141, %iota3A : vector<16xi32>
    %add3A_143 = arith.constant 32 : i32
    %add3A_144 = vector.broadcast %add3A_143 : i32 to vector<16xi32>
    %add3A_145 = arith.addi %add3A_144, %iota3A : vector<16xi32>
    %gather3A_146 = tpu.vector_load_idx %arg4[%add3A_145, %broadcast_in_dim3A_3] : memref<512x2xi32, #tpu.memory_space<vmem>>[vector<16xi32>, vector<16xi32>], vector<16xi32>,
    %gather3A_147 = tpu.vector_load_idx %arg4[%add3A_145, %broadcast_in_dim3A_5] : memref<512x2xi32, #tpu.memory_space<vmem>>[vector<16xi32>, vector<16xi32>], vector<16xi32>,
    %mul3A_148 = arith.constant 19 : i32
    %mul3A_149 = vector.broadcast %mul3A_148 : i32 to vector<16xi32>
    %mul3A_150 = arith.muli %gather3A_146, %mul3A_149 : vector<16xi32>
    %add3A_151 = arith.addi %mul3A_150, %gather3A_147 : vector<16xi32>
    %add3A_152 = arith.constant 361 : i32
    %add3A_153 = vector.broadcast %add3A_152 : i32 to vector<16xi32>
    %add3A_154 = arith.addi %add3A_153, %add3A_151 : vector<16xi32>
    tpu.vector_store_idx %arg5[%add3A_142, %add3A_154], %broadcast_in_dim3A_9 : memref<32x1805xf32, #tpu.memory_space<vmem>>[vector<16xi32>, vector<16xi32>], vector<16xf32>,
    %add3A_155 = arith.constant 722 : i32
    %add3A_156 = vector.broadcast %add3A_155 : i32 to vector<16xi32>
    %add3A_157 = arith.addi %add3A_156, %add3A_151 : vector<16xi32>
    tpu.vector_store_idx %arg5[%add3A_142, %add3A_157], %broadcast_in_dim3A_7 : memref<32x1805xf32, #tpu.memory_space<vmem>>[vector<16xi32>, vector<16xi32>], vector<16xf32>,
    %add3A_158 = arith.constant 16 : i32
    %add3A_159 = vector.broadcast %add3A_158 : i32 to vector<16xi32>
    %add3A_160 = arith.addi %add3A_159, %iota3A : vector<16xi32>
    %add3A_161 = arith.constant 48 : i32
    %add3A_162 = vector.broadcast %add3A_161 : i32 to vector<16xi32>
    %add3A_163 = arith.addi %add3A_162, %iota3A : vector<16xi32>
    %gather3A_164 = tpu.vector_load_idx %arg4[%add3A_163, %broadcast_in_dim3A_3] : memref<512x2xi32, #tpu.memory_space<vmem>>[vector<16xi32>, vector<16xi32>], vector<16xi32>,
    %gather3A_165 = tpu.vector_load_idx %arg4[%add3A_163, %broadcast_in_dim3A_5] : memref<512x2xi32, #tpu.memory_space<vmem>>[vector<16xi32>, vector<16xi32>], vector<16xi32>,
    %mul3A_166 = arith.constant 19 : i32
    %mul3A_167 = vector.broadcast %mul3A_166 : i32 to vector<16xi32>
    %mul3A_168 = arith.muli %gather3A_164, %mul3A_167 : vector<16xi32>
    %add3A_169 = arith.addi %mul3A_168, %gather3A_165 : vector<16xi32>
    %add3A_170 = arith.constant 361 : i32
    %add3A_171 = vector.broadcast %add3A_170 : i32 to vector<16xi32>
    %add3A_172 = arith.addi %add3A_171, %add3A_169 : vector<16xi32>
    tpu.vector_store_idx %arg5[%add3A_160, %add3A_172], %broadcast_in_dim3A_9 : memref<32x1805xf32, #tpu.memory_space<vmem>>[vector<16xi32>, vector<16xi32>], vector<16xf32>,
    %add3A_173 = arith.constant 722 : i32
    %add3A_174 = vector.broadcast %add3A_173 : i32 to vector<16xi32>
    %add3A_175 = arith.addi %add3A_174, %add3A_169 : vector<16xi32>
    tpu.vector_store_idx %arg5[%add3A_160, %add3A_175], %broadcast_in_dim3A_7 : memref<32x1805xf32, #tpu.memory_space<vmem>>[vector<16xi32>, vector<16xi32>], vector<16xf32>,
    %add3A_176 = arith.constant 0 : i32
    %add3A_177 = vector.broadcast %add3A_176 : i32 to vector<16xi32>
    %add3A_178 = arith.addi %add3A_177, %iota3A : vector<16xi32>
    %add3A_179 = arith.constant 64 : i32
    %add3A_180 = vector.broadcast %add3A_179 : i32 to vector<16xi32>
    %add3A_181 = arith.addi %add3A_180, %iota3A : vector<16xi32>
    %gather3A_182 = tpu.vector_load_idx %arg4[%add3A_181, %broadcast_in_dim3A_3] : memref<512x2xi32, #tpu.memory_space<vmem>>[vector<16xi32>, vector<16xi32>], vector<16xi32>,
    %gather3A_183 = tpu.vector_load_idx %arg4[%add3A_181, %broadcast_in_dim3A_5] : memref<512x2xi32, #tpu.memory_space<vmem>>[vector<16xi32>, vector<16xi32>], vector<16xi32>,
    %mul3A_184 = arith.constant 19 : i32
    %mul3A_185 = vector.broadcast %mul3A_184 : i32 to vector<16xi32>
    %mul3A_186 = arith.muli %gather3A_182, %mul3A_185 : vector<16xi32>
    %add3A_187 = arith.addi %mul3A_186, %gather3A_183 : vector<16xi32>
    %add3A_188 = arith.constant 361 : i32
    %add3A_189 = vector.broadcast %add3A_188 : i32 to vector<16xi32>
    %add3A_190 = arith.addi %add3A_189, %add3A_187 : vector<16xi32>
    tpu.vector_store_idx %arg5[%add3A_178, %add3A_190], %broadcast_in_dim3A_7 : memref<32x1805xf32, #tpu.memory_space<vmem>>[vector<16xi32>, vector<16xi32>], vector<16xf32>,
    %add3A_191 = arith.constant 722 : i32
    %add3A_192 = vector.broadcast %add3A_191 : i32 to vector<16xi32>
    %add3A_193 = arith.addi %add3A_192, %add3A_187 : vector<16xi32>
    tpu.vector_store_idx %arg5[%add3A_178, %add3A_193], %broadcast_in_dim3A_9 : memref<32x1805xf32, #tpu.memory_space<vmem>>[vector<16xi32>, vector<16xi32>], vector<16xf32>,
    %add3A_194 = arith.constant 16 : i32
    %add3A_195 = vector.broadcast %add3A_194 : i32 to vector<16xi32>
    %add3A_196 = arith.addi %add3A_195, %iota3A : vector<16xi32>
    %add3A_197 = arith.constant 80 : i32
    %add3A_198 = vector.broadcast %add3A_197 : i32 to vector<16xi32>
    %add3A_199 = arith.addi %add3A_198, %iota3A : vector<16xi32>
    %gather3A_200 = tpu.vector_load_idx %arg4[%add3A_199, %broadcast_in_dim3A_3] : memref<512x2xi32, #tpu.memory_space<vmem>>[vector<16xi32>, vector<16xi32>], vector<16xi32>,
    %gather3A_201 = tpu.vector_load_idx %arg4[%add3A_199, %broadcast_in_dim3A_5] : memref<512x2xi32, #tpu.memory_space<vmem>>[vector<16xi32>, vector<16xi32>], vector<16xi32>,
    %mul3A_202 = arith.constant 19 : i32
    %mul3A_203 = vector.broadcast %mul3A_202 : i32 to vector<16xi32>
    %mul3A_204 = arith.muli %gather3A_200, %mul3A_203 : vector<16xi32>
    %add3A_205 = arith.addi %mul3A_204, %gather3A_201 : vector<16xi32>
    %add3A_206 = arith.constant 361 : i32
    %add3A_207 = vector.broadcast %add3A_206 : i32 to vector<16xi32>
    %add3A_208 = arith.addi %add3A_207, %add3A_205 : vector<16xi32>
    tpu.vector_store_idx %arg5[%add3A_196, %add3A_208], %broadcast_in_dim3A_7 : memref<32x1805xf32, #tpu.memory_space<vmem>>[vector<16xi32>, vector<16xi32>], vector<16xf32>,
    %add3A_209 = arith.constant 722 : i32
    %add3A_210 = vector.broadcast %add3A_209 : i32 to vector<16xi32>
    %add3A_211 = arith.addi %add3A_210, %add3A_205 : vector<16xi32>
    tpu.vector_store_idx %arg5[%add3A_196, %add3A_211], %broadcast_in_dim3A_9 : memref<32x1805xf32, #tpu.memory_space<vmem>>[vector<16xi32>, vector<16xi32>], vector<16xf32>,
    %add3A_212 = arith.constant 64 : i32
    %add3A_213 = arith.addi %mul3A_2, %add3A_212 : i32
    %dma_start3A_214 = arith.constant 0 : i32
    %dma_start3A_215 = tpu.memref_slice %arg3[%add3A_213, %dma_start3A_214] : memref<16384x1805xf32, #tpu.memory_space<hbm>> -> memref<32x1805xf32, #tpu.memory_space<hbm>>
    %dma_start3A_216 = arith.constant 0 : i32
    %dma_start3A_217 = tpu.memref_slice %arg3[%add3A_213, %dma_start3A_216] : memref<16384x1805xf32, #tpu.memory_space<hbm>> -> memref<32x1805xf32, #tpu.memory_space<hbm>>
    tpu.enqueue_dma source(%arg5 : memref<32x1805xf32, #tpu.memory_space<vmem>>) target(%dma_start3A_217 : memref<32x1805xf32, #tpu.memory_space<hbm>>) target_semaphore(%arg6 : memref<!tpu.dma_semaphore, #tpu.memory_space<semaphore_mem>>)
    %dma_wait3A_218 = arith.constant 0 : i32
    %dma_wait3A_219 = tpu.memref_slice %arg3[%add3A_213, %dma_wait3A_218] : memref<16384x1805xf32, #tpu.memory_space<hbm>> -> memref<32x1805xf32, #tpu.memory_space<hbm>>
    %dma_wait3A_220 = arith.constant 0 : i32
    %dma_wait3A_221 = tpu.memref_slice %arg3[%add3A_213, %dma_wait3A_220] : memref<16384x1805xf32, #tpu.memory_space<hbm>> -> memref<32x1805xf32, #tpu.memory_space<hbm>>
    tpu.wait_dma2 semaphore(%arg6 : memref<!tpu.dma_semaphore, #tpu.memory_space<semaphore_mem>>) src(%arg5 : memref<32x1805xf32, #tpu.memory_space<vmem>>) dst(%dma_wait3A_221 : memref<32x1805xf32, #tpu.memory_space<hbm>>)
    %add3A_222 = arith.constant 0 : i32
    %add3A_223 = vector.broadcast %add3A_222 : i32 to vector<16xi32>
    %add3A_224 = arith.addi %add3A_223, %iota3A : vector<16xi32>
    %add3A_225 = arith.constant 64 : i32
    %add3A_226 = vector.broadcast %add3A_225 : i32 to vector<16xi32>
    %add3A_227 = arith.addi %add3A_226, %iota3A : vector<16xi32>
    %gather3A_228 = tpu.vector_load_idx %arg4[%add3A_227, %broadcast_in_dim3A_3] : memref<512x2xi32, #tpu.memory_space<vmem>>[vector<16xi32>, vector<16xi32>], vector<16xi32>,
    %gather3A_229 = tpu.vector_load_idx %arg4[%add3A_227, %broadcast_in_dim3A_5] : memref<512x2xi32, #tpu.memory_space<vmem>>[vector<16xi32>, vector<16xi32>], vector<16xi32>,
    %mul3A_230 = arith.constant 19 : i32
    %mul3A_231 = vector.broadcast %mul3A_230 : i32 to vector<16xi32>
    %mul3A_232 = arith.muli %gather3A_228, %mul3A_231 : vector<16xi32>
    %add3A_233 = arith.addi %mul3A_232, %gather3A_229 : vector<16xi32>
    %add3A_234 = arith.constant 361 : i32
    %add3A_235 = vector.broadcast %add3A_234 : i32 to vector<16xi32>
    %add3A_236 = arith.addi %add3A_235, %add3A_233 : vector<16xi32>
    tpu.vector_store_idx %arg5[%add3A_224, %add3A_236], %broadcast_in_dim3A_9 : memref<32x1805xf32, #tpu.memory_space<vmem>>[vector<16xi32>, vector<16xi32>], vector<16xf32>,
    %add3A_237 = arith.constant 722 : i32
    %add3A_238 = vector.broadcast %add3A_237 : i32 to vector<16xi32>
    %add3A_239 = arith.addi %add3A_238, %add3A_233 : vector<16xi32>
    tpu.vector_store_idx %arg5[%add3A_224, %add3A_239], %broadcast_in_dim3A_7 : memref<32x1805xf32, #tpu.memory_space<vmem>>[vector<16xi32>, vector<16xi32>], vector<16xf32>,
    %add3A_240 = arith.constant 16 : i32
    %add3A_241 = vector.broadcast %add3A_240 : i32 to vector<16xi32>
    %add3A_242 = arith.addi %add3A_241, %iota3A : vector<16xi32>
    %add3A_243 = arith.constant 80 : i32
    %add3A_244 = vector.broadcast %add3A_243 : i32 to vector<16xi32>
    %add3A_245 = arith.addi %add3A_244, %iota3A : vector<16xi32>
    %gather3A_246 = tpu.vector_load_idx %arg4[%add3A_245, %broadcast_in_dim3A_3] : memref<512x2xi32, #tpu.memory_space<vmem>>[vector<16xi32>, vector<16xi32>], vector<16xi32>,
    %gather3A_247 = tpu.vector_load_idx %arg4[%add3A_245, %broadcast_in_dim3A_5] : memref<512x2xi32, #tpu.memory_space<vmem>>[vector<16xi32>, vector<16xi32>], vector<16xi32>,
    %mul3A_248 = arith.constant 19 : i32
    %mul3A_249 = vector.broadcast %mul3A_248 : i32 to vector<16xi32>
    %mul3A_250 = arith.muli %gather3A_246, %mul3A_249 : vector<16xi32>
    %add3A_251 = arith.addi %mul3A_250, %gather3A_247 : vector<16xi32>
    %add3A_252 = arith.constant 361 : i32
    %add3A_253 = vector.broadcast %add3A_252 : i32 to vector<16xi32>
    %add3A_254 = arith.addi %add3A_253, %add3A_251 : vector<16xi32>
    tpu.vector_store_idx %arg5[%add3A_242, %add3A_254], %broadcast_in_dim3A_9 : memref<32x1805xf32, #tpu.memory_space<vmem>>[vector<16xi32>, vector<16xi32>], vector<16xf32>,
    %add3A_255 = arith.constant 722 : i32
    %add3A_256 = vector.broadcast %add3A_255 : i32 to vector<16xi32>
    %add3A_257 = arith.addi %add3A_256, %add3A_251 : vector<16xi32>
    tpu.vector_store_idx %arg5[%add3A_242, %add3A_257], %broadcast_in_dim3A_7 : memref<32x1805xf32, #tpu.memory_space<vmem>>[vector<16xi32>, vector<16xi32>], vector<16xf32>,
    %add3A_258 = arith.constant 0 : i32
    %add3A_259 = vector.broadcast %add3A_258 : i32 to vector<16xi32>
    %add3A_260 = arith.addi %add3A_259, %iota3A : vector<16xi32>
    %add3A_261 = arith.constant 96 : i32
    %add3A_262 = vector.broadcast %add3A_261 : i32 to vector<16xi32>
    %add3A_263 = arith.addi %add3A_262, %iota3A : vector<16xi32>
    %gather3A_264 = tpu.vector_load_idx %arg4[%add3A_263, %broadcast_in_dim3A_3] : memref<512x2xi32, #tpu.memory_space<vmem>>[vector<16xi32>, vector<16xi32>], vector<16xi32>,
    %gather3A_265 = tpu.vector_load_idx %arg4[%add3A_263, %broadcast_in_dim3A_5] : memref<512x2xi32, #tpu.memory_space<vmem>>[vector<16xi32>, vector<16xi32>], vector<16xi32>,
    %mul3A_266 = arith.constant 19 : i32
    %mul3A_267 = vector.broadcast %mul3A_266 : i32 to vector<16xi32>
    %mul3A_268 = arith.muli %gather3A_264, %mul3A_267 : vector<16xi32>
    %add3A_269 = arith.addi %mul3A_268, %gather3A_265 : vector<16xi32>
    %add3A_270 = arith.constant 361 : i32
    %add3A_271 = vector.broadcast %add3A_270 : i32 to vector<16xi32>
    %add3A_272 = arith.addi %add3A_271, %add3A_269 : vector<16xi32>
    tpu.vector_store_idx %arg5[%add3A_260, %add3A_272], %broadcast_in_dim3A_7 : memref<32x1805xf32, #tpu.memory_space<vmem>>[vector<16xi32>, vector<16xi32>], vector<16xf32>,
    %add3A_273 = arith.constant 722 : i32
    %add3A_274 = vector.broadcast %add3A_273 : i32 to vector<16xi32>
    %add3A_275 = arith.addi %add3A_274, %add3A_269 : vector<16xi32>
    tpu.vector_store_idx %arg5[%add3A_260, %add3A_275], %broadcast_in_dim3A_9 : memref<32x1805xf32, #tpu.memory_space<vmem>>[vector<16xi32>, vector<16xi32>], vector<16xf32>,
    %add3A_276 = arith.constant 16 : i32
    %add3A_277 = vector.broadcast %add3A_276 : i32 to vector<16xi32>
    %add3A_278 = arith.addi %add3A_277, %iota3A : vector<16xi32>
    %add3A_279 = arith.constant 112 : i32
    %add3A_280 = vector.broadcast %add3A_279 : i32 to vector<16xi32>
    %add3A_281 = arith.addi %add3A_280, %iota3A : vector<16xi32>
    %gather3A_282 = tpu.vector_load_idx %arg4[%add3A_281, %broadcast_in_dim3A_3] : memref<512x2xi32, #tpu.memory_space<vmem>>[vector<16xi32>, vector<16xi32>], vector<16xi32>,
    %gather3A_283 = tpu.vector_load_idx %arg4[%add3A_281, %broadcast_in_dim3A_5] : memref<512x2xi32, #tpu.memory_space<vmem>>[vector<16xi32>, vector<16xi32>], vector<16xi32>,
    %mul3A_284 = arith.constant 19 : i32
    %mul3A_285 = vector.broadcast %mul3A_284 : i32 to vector<16xi32>
    %mul3A_286 = arith.muli %gather3A_282, %mul3A_285 : vector<16xi32>
    %add3A_287 = arith.addi %mul3A_286, %gather3A_283 : vector<16xi32>
    %add3A_288 = arith.constant 361 : i32
    %add3A_289 = vector.broadcast %add3A_288 : i32 to vector<16xi32>
    %add3A_290 = arith.addi %add3A_289, %add3A_287 : vector<16xi32>
    tpu.vector_store_idx %arg5[%add3A_278, %add3A_290], %broadcast_in_dim3A_7 : memref<32x1805xf32, #tpu.memory_space<vmem>>[vector<16xi32>, vector<16xi32>], vector<16xf32>,
    %add3A_291 = arith.constant 722 : i32
    %add3A_292 = vector.broadcast %add3A_291 : i32 to vector<16xi32>
    %add3A_293 = arith.addi %add3A_292, %add3A_287 : vector<16xi32>
    tpu.vector_store_idx %arg5[%add3A_278, %add3A_293], %broadcast_in_dim3A_9 : memref<32x1805xf32, #tpu.memory_space<vmem>>[vector<16xi32>, vector<16xi32>], vector<16xf32>,
    %add3A_294 = arith.constant 96 : i32
    %add3A_295 = arith.addi %mul3A_2, %add3A_294 : i32
    %dma_start3A_296 = arith.constant 0 : i32
    %dma_start3A_297 = tpu.memref_slice %arg3[%add3A_295, %dma_start3A_296] : memref<16384x1805xf32, #tpu.memory_space<hbm>> -> memref<32x1805xf32, #tpu.memory_space<hbm>>
    %dma_start3A_298 = arith.constant 0 : i32
    %dma_start3A_299 = tpu.memref_slice %arg3[%add3A_295, %dma_start3A_298] : memref<16384x1805xf32, #tpu.memory_space<hbm>> -> memref<32x1805xf32, #tpu.memory_space<hbm>>
    tpu.enqueue_dma source(%arg5 : memref<32x1805xf32, #tpu.memory_space<vmem>>) target(%dma_start3A_299 : memref<32x1805xf32, #tpu.memory_space<hbm>>) target_semaphore(%arg6 : memref<!tpu.dma_semaphore, #tpu.memory_space<semaphore_mem>>)
    %dma_wait3A_300 = arith.constant 0 : i32
    %dma_wait3A_301 = tpu.memref_slice %arg3[%add3A_295, %dma_wait3A_300] : memref<16384x1805xf32, #tpu.memory_space<hbm>> -> memref<32x1805xf32, #tpu.memory_space<hbm>>
    %dma_wait3A_302 = arith.constant 0 : i32
    %dma_wait3A_303 = tpu.memref_slice %arg3[%add3A_295, %dma_wait3A_302] : memref<16384x1805xf32, #tpu.memory_space<hbm>> -> memref<32x1805xf32, #tpu.memory_space<hbm>>
    tpu.wait_dma2 semaphore(%arg6 : memref<!tpu.dma_semaphore, #tpu.memory_space<semaphore_mem>>) src(%arg5 : memref<32x1805xf32, #tpu.memory_space<vmem>>) dst(%dma_wait3A_303 : memref<32x1805xf32, #tpu.memory_space<hbm>>)
    %add3A_304 = arith.constant 0 : i32
    %add3A_305 = vector.broadcast %add3A_304 : i32 to vector<16xi32>
    %add3A_306 = arith.addi %add3A_305, %iota3A : vector<16xi32>
    %add3A_307 = arith.constant 96 : i32
    %add3A_308 = vector.broadcast %add3A_307 : i32 to vector<16xi32>
    %add3A_309 = arith.addi %add3A_308, %iota3A : vector<16xi32>
    %gather3A_310 = tpu.vector_load_idx %arg4[%add3A_309, %broadcast_in_dim3A_3] : memref<512x2xi32, #tpu.memory_space<vmem>>[vector<16xi32>, vector<16xi32>], vector<16xi32>,
    %gather3A_311 = tpu.vector_load_idx %arg4[%add3A_309, %broadcast_in_dim3A_5] : memref<512x2xi32, #tpu.memory_space<vmem>>[vector<16xi32>, vector<16xi32>], vector<16xi32>,
    %mul3A_312 = arith.constant 19 : i32
    %mul3A_313 = vector.broadcast %mul3A_312 : i32 to vector<16xi32>
    %mul3A_314 = arith.muli %gather3A_310, %mul3A_313 : vector<16xi32>
    %add3A_315 = arith.addi %mul3A_314, %gather3A_311 : vector<16xi32>
    %add3A_316 = arith.constant 361 : i32
    %add3A_317 = vector.broadcast %add3A_316 : i32 to vector<16xi32>
    %add3A_318 = arith.addi %add3A_317, %add3A_315 : vector<16xi32>
    tpu.vector_store_idx %arg5[%add3A_306, %add3A_318], %broadcast_in_dim3A_9 : memref<32x1805xf32, #tpu.memory_space<vmem>>[vector<16xi32>, vector<16xi32>], vector<16xf32>,
    %add3A_319 = arith.constant 722 : i32
    %add3A_320 = vector.broadcast %add3A_319 : i32 to vector<16xi32>
    %add3A_321 = arith.addi %add3A_320, %add3A_315 : vector<16xi32>
    tpu.vector_store_idx %arg5[%add3A_306, %add3A_321], %broadcast_in_dim3A_7 : memref<32x1805xf32, #tpu.memory_space<vmem>>[vector<16xi32>, vector<16xi32>], vector<16xf32>,
    %add3A_322 = arith.constant 16 : i32
    %add3A_323 = vector.broadcast %add3A_322 : i32 to vector<16xi32>
    %add3A_324 = arith.addi %add3A_323, %iota3A : vector<16xi32>
    %add3A_325 = arith.constant 112 : i32
    %add3A_326 = vector.broadcast %add3A_325 : i32 to vector<16xi32>
    %add3A_327 = arith.addi %add3A_326, %iota3A : vector<16xi32>
    %gather3A_328 = tpu.vector_load_idx %arg4[%add3A_327, %broadcast_in_dim3A_3] : memref<512x2xi32, #tpu.memory_space<vmem>>[vector<16xi32>, vector<16xi32>], vector<16xi32>,
    %gather3A_329 = tpu.vector_load_idx %arg4[%add3A_327, %broadcast_in_dim3A_5] : memref<512x2xi32, #tpu.memory_space<vmem>>[vector<16xi32>, vector<16xi32>], vector<16xi32>,
    %mul3A_330 = arith.constant 19 : i32
    %mul3A_331 = vector.broadcast %mul3A_330 : i32 to vector<16xi32>
    %mul3A_332 = arith.muli %gather3A_328, %mul3A_331 : vector<16xi32>
    %add3A_333 = arith.addi %mul3A_332, %gather3A_329 : vector<16xi32>
    %add3A_334 = arith.constant 361 : i32
    %add3A_335 = vector.broadcast %add3A_334 : i32 to vector<16xi32>
    %add3A_336 = arith.addi %add3A_335, %add3A_333 : vector<16xi32>
    tpu.vector_store_idx %arg5[%add3A_324, %add3A_336], %broadcast_in_dim3A_9 : memref<32x1805xf32, #tpu.memory_space<vmem>>[vector<16xi32>, vector<16xi32>], vector<16xf32>,
    %add3A_337 = arith.constant 722 : i32
    %add3A_338 = vector.broadcast %add3A_337 : i32 to vector<16xi32>
    %add3A_339 = arith.addi %add3A_338, %add3A_333 : vector<16xi32>
    tpu.vector_store_idx %arg5[%add3A_324, %add3A_339], %broadcast_in_dim3A_7 : memref<32x1805xf32, #tpu.memory_space<vmem>>[vector<16xi32>, vector<16xi32>], vector<16xf32>,
    %add3A_340 = arith.constant 0 : i32
    %add3A_341 = vector.broadcast %add3A_340 : i32 to vector<16xi32>
    %add3A_342 = arith.addi %add3A_341, %iota3A : vector<16xi32>
    %add3A_343 = arith.constant 128 : i32
    %add3A_344 = vector.broadcast %add3A_343 : i32 to vector<16xi32>
    %add3A_345 = arith.addi %add3A_344, %iota3A : vector<16xi32>
    %gather3A_346 = tpu.vector_load_idx %arg4[%add3A_345, %broadcast_in_dim3A_3] : memref<512x2xi32, #tpu.memory_space<vmem>>[vector<16xi32>, vector<16xi32>], vector<16xi32>,
    %gather3A_347 = tpu.vector_load_idx %arg4[%add3A_345, %broadcast_in_dim3A_5] : memref<512x2xi32, #tpu.memory_space<vmem>>[vector<16xi32>, vector<16xi32>], vector<16xi32>,
    %mul3A_348 = arith.constant 19 : i32
    %mul3A_349 = vector.broadcast %mul3A_348 : i32 to vector<16xi32>
    %mul3A_350 = arith.muli %gather3A_346, %mul3A_349 : vector<16xi32>
    %add3A_351 = arith.addi %mul3A_350, %gather3A_347 : vector<16xi32>
    %add3A_352 = arith.constant 361 : i32
    %add3A_353 = vector.broadcast %add3A_352 : i32 to vector<16xi32>
    %add3A_354 = arith.addi %add3A_353, %add3A_351 : vector<16xi32>
    tpu.vector_store_idx %arg5[%add3A_342, %add3A_354], %broadcast_in_dim3A_7 : memref<32x1805xf32, #tpu.memory_space<vmem>>[vector<16xi32>, vector<16xi32>], vector<16xf32>,
    %add3A_355 = arith.constant 722 : i32
    %add3A_356 = vector.broadcast %add3A_355 : i32 to vector<16xi32>
    %add3A_357 = arith.addi %add3A_356, %add3A_351 : vector<16xi32>
    tpu.vector_store_idx %arg5[%add3A_342, %add3A_357], %broadcast_in_dim3A_9 : memref<32x1805xf32, #tpu.memory_space<vmem>>[vector<16xi32>, vector<16xi32>], vector<16xf32>,
    %add3A_358 = arith.constant 16 : i32
    %add3A_359 = vector.broadcast %add3A_358 : i32 to vector<16xi32>
    %add3A_360 = arith.addi %add3A_359, %iota3A : vector<16xi32>
    %add3A_361 = arith.constant 144 : i32
    %add3A_362 = vector.broadcast %add3A_361 : i32 to vector<16xi32>
    %add3A_363 = arith.addi %add3A_362, %iota3A : vector<16xi32>
    %gather3A_364 = tpu.vector_load_idx %arg4[%add3A_363, %broadcast_in_dim3A_3] : memref<512x2xi32, #tpu.memory_space<vmem>>[vector<16xi32>, vector<16xi32>], vector<16xi32>,
    %gather3A_365 = tpu.vector_load_idx %arg4[%add3A_363, %broadcast_in_dim3A_5] : memref<512x2xi32, #tpu.memory_space<vmem>>[vector<16xi32>, vector<16xi32>], vector<16xi32>,
    %mul3A_366 = arith.constant 19 : i32
    %mul3A_367 = vector.broadcast %mul3A_366 : i32 to vector<16xi32>
    %mul3A_368 = arith.muli %gather3A_364, %mul3A_367 : vector<16xi32>
    %add3A_369 = arith.addi %mul3A_368, %gather3A_365 : vector<16xi32>
    %add3A_370 = arith.constant 361 : i32
    %add3A_371 = vector.broadcast %add3A_370 : i32 to vector<16xi32>
    %add3A_372 = arith.addi %add3A_371, %add3A_369 : vector<16xi32>
    tpu.vector_store_idx %arg5[%add3A_360, %add3A_372], %broadcast_in_dim3A_7 : memref<32x1805xf32, #tpu.memory_space<vmem>>[vector<16xi32>, vector<16xi32>], vector<16xf32>,
    %add3A_373 = arith.constant 722 : i32
    %add3A_374 = vector.broadcast %add3A_373 : i32 to vector<16xi32>
    %add3A_375 = arith.addi %add3A_374, %add3A_369 : vector<16xi32>
    tpu.vector_store_idx %arg5[%add3A_360, %add3A_375], %broadcast_in_dim3A_9 : memref<32x1805xf32, #tpu.memory_space<vmem>>[vector<16xi32>, vector<16xi32>], vector<16xf32>,
    %add3A_376 = arith.constant 128 : i32
    %add3A_377 = arith.addi %mul3A_2, %add3A_376 : i32
    %dma_start3A_378 = arith.constant 0 : i32
    %dma_start3A_379 = tpu.memref_slice %arg3[%add3A_377, %dma_start3A_378] : memref<16384x1805xf32, #tpu.memory_space<hbm>> -> memref<32x1805xf32, #tpu.memory_space<hbm>>
    %dma_start3A_380 = arith.constant 0 : i32
    %dma_start3A_381 = tpu.memref_slice %arg3[%add3A_377, %dma_start3A_380] : memref<16384x1805xf32, #tpu.memory_space<hbm>> -> memref<32x1805xf32, #tpu.memory_space<hbm>>
    tpu.enqueue_dma source(%arg5 : memref<32x1805xf32, #tpu.memory_space<vmem>>) target(%dma_start3A_381 : memref<32x1805xf32, #tpu.memory_space<hbm>>) target_semaphore(%arg6 : memref<!tpu.dma_semaphore, #tpu.memory_space<semaphore_mem>>)
    %dma_wait3A_382 = arith.constant 0 : i32
    %dma_wait3A_383 = tpu.memref_slice %arg3[%add3A_377, %dma_wait3A_382] : memref<16384x1805xf32, #tpu.memory_space<hbm>> -> memref<32x1805xf32, #tpu.memory_space<hbm>>
    %dma_wait3A_384 = arith.constant 0 : i32
    %dma_wait3A_385 = tpu.memref_slice %arg3[%add3A_377, %dma_wait3A_384] : memref<16384x1805xf32, #tpu.memory_space<hbm>> -> memref<32x1805xf32, #tpu.memory_space<hbm>>
    tpu.wait_dma2 semaphore(%arg6 : memref<!tpu.dma_semaphore, #tpu.memory_space<semaphore_mem>>) src(%arg5 : memref<32x1805xf32, #tpu.memory_space<vmem>>) dst(%dma_wait3A_385 : memref<32x1805xf32, #tpu.memory_space<hbm>>)
    %add3A_386 = arith.constant 0 : i32
    %add3A_387 = vector.broadcast %add3A_386 : i32 to vector<16xi32>
    %add3A_388 = arith.addi %add3A_387, %iota3A : vector<16xi32>
    %add3A_389 = arith.constant 128 : i32
    %add3A_390 = vector.broadcast %add3A_389 : i32 to vector<16xi32>
    %add3A_391 = arith.addi %add3A_390, %iota3A : vector<16xi32>
    %gather3A_392 = tpu.vector_load_idx %arg4[%add3A_391, %broadcast_in_dim3A_3] : memref<512x2xi32, #tpu.memory_space<vmem>>[vector<16xi32>, vector<16xi32>], vector<16xi32>,
    %gather3A_393 = tpu.vector_load_idx %arg4[%add3A_391, %broadcast_in_dim3A_5] : memref<512x2xi32, #tpu.memory_space<vmem>>[vector<16xi32>, vector<16xi32>], vector<16xi32>,
    %mul3A_394 = arith.constant 19 : i32
    %mul3A_395 = vector.broadcast %mul3A_394 : i32 to vector<16xi32>
    %mul3A_396 = arith.muli %gather3A_392, %mul3A_395 : vector<16xi32>
    %add3A_397 = arith.addi %mul3A_396, %gather3A_393 : vector<16xi32>
    %add3A_398 = arith.constant 361 : i32
    %add3A_399 = vector.broadcast %add3A_398 : i32 to vector<16xi32>
    %add3A_400 = arith.addi %add3A_399, %add3A_397 : vector<16xi32>
    tpu.vector_store_idx %arg5[%add3A_388, %add3A_400], %broadcast_in_dim3A_9 : memref<32x1805xf32, #tpu.memory_space<vmem>>[vector<16xi32>, vector<16xi32>], vector<16xf32>,
    %add3A_401 = arith.constant 722 : i32
    %add3A_402 = vector.broadcast %add3A_401 : i32 to vector<16xi32>
    %add3A_403 = arith.addi %add3A_402, %add3A_397 : vector<16xi32>
    tpu.vector_store_idx %arg5[%add3A_388, %add3A_403], %broadcast_in_dim3A_7 : memref<32x1805xf32, #tpu.memory_space<vmem>>[vector<16xi32>, vector<16xi32>], vector<16xf32>,
    %add3A_404 = arith.constant 16 : i32
    %add3A_405 = vector.broadcast %add3A_404 : i32 to vector<16xi32>
    %add3A_406 = arith.addi %add3A_405, %iota3A : vector<16xi32>
    %add3A_407 = arith.constant 144 : i32
    %add3A_408 = vector.broadcast %add3A_407 : i32 to vector<16xi32>
    %add3A_409 = arith.addi %add3A_408, %iota3A : vector<16xi32>
    %gather3A_410 = tpu.vector_load_idx %arg4[%add3A_409, %broadcast_in_dim3A_3] : memref<512x2xi32, #tpu.memory_space<vmem>>[vector<16xi32>, vector<16xi32>], vector<16xi32>,
    %gather3A_411 = tpu.vector_load_idx %arg4[%add3A_409, %broadcast_in_dim3A_5] : memref<512x2xi32, #tpu.memory_space<vmem>>[vector<16xi32>, vector<16xi32>], vector<16xi32>,
    %mul3A_412 = arith.constant 19 : i32
    %mul3A_413 = vector.broadcast %mul3A_412 : i32 to vector<16xi32>
    %mul3A_414 = arith.muli %gather3A_410, %mul3A_413 : vector<16xi32>
    %add3A_415 = arith.addi %mul3A_414, %gather3A_411 : vector<16xi32>
    %add3A_416 = arith.constant 361 : i32
    %add3A_417 = vector.broadcast %add3A_416 : i32 to vector<16xi32>
    %add3A_418 = arith.addi %add3A_417, %add3A_415 : vector<16xi32>
    tpu.vector_store_idx %arg5[%add3A_406, %add3A_418], %broadcast_in_dim3A_9 : memref<32x1805xf32, #tpu.memory_space<vmem>>[vector<16xi32>, vector<16xi32>], vector<16xf32>,
    %add3A_419 = arith.constant 722 : i32
    %add3A_420 = vector.broadcast %add3A_419 : i32 to vector<16xi32>
    %add3A_421 = arith.addi %add3A_420, %add3A_415 : vector<16xi32>
    tpu.vector_store_idx %arg5[%add3A_406, %add3A_421], %broadcast_in_dim3A_7 : memref<32x1805xf32, #tpu.memory_space<vmem>>[vector<16xi32>, vector<16xi32>], vector<16xf32>,
    %add3A_422 = arith.constant 0 : i32
    %add3A_423 = vector.broadcast %add3A_422 : i32 to vector<16xi32>
    %add3A_424 = arith.addi %add3A_423, %iota3A : vector<16xi32>
    %add3A_425 = arith.constant 160 : i32
    %add3A_426 = vector.broadcast %add3A_425 : i32 to vector<16xi32>
    %add3A_427 = arith.addi %add3A_426, %iota3A : vector<16xi32>
    %gather3A_428 = tpu.vector_load_idx %arg4[%add3A_427, %broadcast_in_dim3A_3] : memref<512x2xi32, #tpu.memory_space<vmem>>[vector<16xi32>, vector<16xi32>], vector<16xi32>,
    %gather3A_429 = tpu.vector_load_idx %arg4[%add3A_427, %broadcast_in_dim3A_5] : memref<512x2xi32, #tpu.memory_space<vmem>>[vector<16xi32>, vector<16xi32>], vector<16xi32>,
    %mul3A_430 = arith.constant 19 : i32
    %mul3A_431 = vector.broadcast %mul3A_430 : i32 to vector<16xi32>
    %mul3A_432 = arith.muli %gather3A_428, %mul3A_431 : vector<16xi32>
    %add3A_433 = arith.addi %mul3A_432, %gather3A_429 : vector<16xi32>
    %add3A_434 = arith.constant 361 : i32
    %add3A_435 = vector.broadcast %add3A_434 : i32 to vector<16xi32>
    %add3A_436 = arith.addi %add3A_435, %add3A_433 : vector<16xi32>
    tpu.vector_store_idx %arg5[%add3A_424, %add3A_436], %broadcast_in_dim3A_7 : memref<32x1805xf32, #tpu.memory_space<vmem>>[vector<16xi32>, vector<16xi32>], vector<16xf32>,
    %add3A_437 = arith.constant 722 : i32
    %add3A_438 = vector.broadcast %add3A_437 : i32 to vector<16xi32>
    %add3A_439 = arith.addi %add3A_438, %add3A_433 : vector<16xi32>
    tpu.vector_store_idx %arg5[%add3A_424, %add3A_439], %broadcast_in_dim3A_9 : memref<32x1805xf32, #tpu.memory_space<vmem>>[vector<16xi32>, vector<16xi32>], vector<16xf32>,
    %add3A_440 = arith.constant 16 : i32
    %add3A_441 = vector.broadcast %add3A_440 : i32 to vector<16xi32>
    %add3A_442 = arith.addi %add3A_441, %iota3A : vector<16xi32>
    %add3A_443 = arith.constant 176 : i32
    %add3A_444 = vector.broadcast %add3A_443 : i32 to vector<16xi32>
    %add3A_445 = arith.addi %add3A_444, %iota3A : vector<16xi32>
    %gather3A_446 = tpu.vector_load_idx %arg4[%add3A_445, %broadcast_in_dim3A_3] : memref<512x2xi32, #tpu.memory_space<vmem>>[vector<16xi32>, vector<16xi32>], vector<16xi32>,
    %gather3A_447 = tpu.vector_load_idx %arg4[%add3A_445, %broadcast_in_dim3A_5] : memref<512x2xi32, #tpu.memory_space<vmem>>[vector<16xi32>, vector<16xi32>], vector<16xi32>,
    %mul3A_448 = arith.constant 19 : i32
    %mul3A_449 = vector.broadcast %mul3A_448 : i32 to vector<16xi32>
    %mul3A_450 = arith.muli %gather3A_446, %mul3A_449 : vector<16xi32>
    %add3A_451 = arith.addi %mul3A_450, %gather3A_447 : vector<16xi32>
    %add3A_452 = arith.constant 361 : i32
    %add3A_453 = vector.broadcast %add3A_452 : i32 to vector<16xi32>
    %add3A_454 = arith.addi %add3A_453, %add3A_451 : vector<16xi32>
    tpu.vector_store_idx %arg5[%add3A_442, %add3A_454], %broadcast_in_dim3A_7 : memref<32x1805xf32, #tpu.memory_space<vmem>>[vector<16xi32>, vector<16xi32>], vector<16xf32>,
    %add3A_455 = arith.constant 722 : i32
    %add3A_456 = vector.broadcast %add3A_455 : i32 to vector<16xi32>
    %add3A_457 = arith.addi %add3A_456, %add3A_451 : vector<16xi32>
    tpu.vector_store_idx %arg5[%add3A_442, %add3A_457], %broadcast_in_dim3A_9 : memref<32x1805xf32, #tpu.memory_space<vmem>>[vector<16xi32>, vector<16xi32>], vector<16xf32>,
    %add3A_458 = arith.constant 160 : i32
    %add3A_459 = arith.addi %mul3A_2, %add3A_458 : i32
    %dma_start3A_460 = arith.constant 0 : i32
    %dma_start3A_461 = tpu.memref_slice %arg3[%add3A_459, %dma_start3A_460] : memref<16384x1805xf32, #tpu.memory_space<hbm>> -> memref<32x1805xf32, #tpu.memory_space<hbm>>
    %dma_start3A_462 = arith.constant 0 : i32
    %dma_start3A_463 = tpu.memref_slice %arg3[%add3A_459, %dma_start3A_462] : memref<16384x1805xf32, #tpu.memory_space<hbm>> -> memref<32x1805xf32, #tpu.memory_space<hbm>>
    tpu.enqueue_dma source(%arg5 : memref<32x1805xf32, #tpu.memory_space<vmem>>) target(%dma_start3A_463 : memref<32x1805xf32, #tpu.memory_space<hbm>>) target_semaphore(%arg6 : memref<!tpu.dma_semaphore, #tpu.memory_space<semaphore_mem>>)
    %dma_wait3A_464 = arith.constant 0 : i32
    %dma_wait3A_465 = tpu.memref_slice %arg3[%add3A_459, %dma_wait3A_464] : memref<16384x1805xf32, #tpu.memory_space<hbm>> -> memref<32x1805xf32, #tpu.memory_space<hbm>>
    %dma_wait3A_466 = arith.constant 0 : i32
    %dma_wait3A_467 = tpu.memref_slice %arg3[%add3A_459, %dma_wait3A_466] : memref<16384x1805xf32, #tpu.memory_space<hbm>> -> memref<32x1805xf32, #tpu.memory_space<hbm>>
    tpu.wait_dma2 semaphore(%arg6 : memref<!tpu.dma_semaphore, #tpu.memory_space<semaphore_mem>>) src(%arg5 : memref<32x1805xf32, #tpu.memory_space<vmem>>) dst(%dma_wait3A_467 : memref<32x1805xf32, #tpu.memory_space<hbm>>)
    %add3A_468 = arith.constant 0 : i32
    %add3A_469 = vector.broadcast %add3A_468 : i32 to vector<16xi32>
    %add3A_470 = arith.addi %add3A_469, %iota3A : vector<16xi32>
    %add3A_471 = arith.constant 160 : i32
    %add3A_472 = vector.broadcast %add3A_471 : i32 to vector<16xi32>
    %add3A_473 = arith.addi %add3A_472, %iota3A : vector<16xi32>
    %gather3A_474 = tpu.vector_load_idx %arg4[%add3A_473, %broadcast_in_dim3A_3] : memref<512x2xi32, #tpu.memory_space<vmem>>[vector<16xi32>, vector<16xi32>], vector<16xi32>,
    %gather3A_475 = tpu.vector_load_idx %arg4[%add3A_473, %broadcast_in_dim3A_5] : memref<512x2xi32, #tpu.memory_space<vmem>>[vector<16xi32>, vector<16xi32>], vector<16xi32>,
    %mul3A_476 = arith.constant 19 : i32
    %mul3A_477 = vector.broadcast %mul3A_476 : i32 to vector<16xi32>
    %mul3A_478 = arith.muli %gather3A_474, %mul3A_477 : vector<16xi32>
    %add3A_479 = arith.addi %mul3A_478, %gather3A_475 : vector<16xi32>
    %add3A_480 = arith.constant 361 : i32
    %add3A_481 = vector.broadcast %add3A_480 : i32 to vector<16xi32>
    %add3A_482 = arith.addi %add3A_481, %add3A_479 : vector<16xi32>
    tpu.vector_store_idx %arg5[%add3A_470, %add3A_482], %broadcast_in_dim3A_9 : memref<32x1805xf32, #tpu.memory_space<vmem>>[vector<16xi32>, vector<16xi32>], vector<16xf32>,
    %add3A_483 = arith.constant 722 : i32
    %add3A_484 = vector.broadcast %add3A_483 : i32 to vector<16xi32>
    %add3A_485 = arith.addi %add3A_484, %add3A_479 : vector<16xi32>
    tpu.vector_store_idx %arg5[%add3A_470, %add3A_485], %broadcast_in_dim3A_7 : memref<32x1805xf32, #tpu.memory_space<vmem>>[vector<16xi32>, vector<16xi32>], vector<16xf32>,
    %add3A_486 = arith.constant 16 : i32
    %add3A_487 = vector.broadcast %add3A_486 : i32 to vector<16xi32>
    %add3A_488 = arith.addi %add3A_487, %iota3A : vector<16xi32>
    %add3A_489 = arith.constant 176 : i32
    %add3A_490 = vector.broadcast %add3A_489 : i32 to vector<16xi32>
    %add3A_491 = arith.addi %add3A_490, %iota3A : vector<16xi32>
    %gather3A_492 = tpu.vector_load_idx %arg4[%add3A_491, %broadcast_in_dim3A_3] : memref<512x2xi32, #tpu.memory_space<vmem>>[vector<16xi32>, vector<16xi32>], vector<16xi32>,
    %gather3A_493 = tpu.vector_load_idx %arg4[%add3A_491, %broadcast_in_dim3A_5] : memref<512x2xi32, #tpu.memory_space<vmem>>[vector<16xi32>, vector<16xi32>], vector<16xi32>,
    %mul3A_494 = arith.constant 19 : i32
    %mul3A_495 = vector.broadcast %mul3A_494 : i32 to vector<16xi32>
    %mul3A_496 = arith.muli %gather3A_492, %mul3A_495 : vector<16xi32>
    %add3A_497 = arith.addi %mul3A_496, %gather3A_493 : vector<16xi32>
    %add3A_498 = arith.constant 361 : i32
    %add3A_499 = vector.broadcast %add3A_498 : i32 to vector<16xi32>
    %add3A_500 = arith.addi %add3A_499, %add3A_497 : vector<16xi32>
    tpu.vector_store_idx %arg5[%add3A_488, %add3A_500], %broadcast_in_dim3A_9 : memref<32x1805xf32, #tpu.memory_space<vmem>>[vector<16xi32>, vector<16xi32>], vector<16xf32>,
    %add3A_501 = arith.constant 722 : i32
    %add3A_502 = vector.broadcast %add3A_501 : i32 to vector<16xi32>
    %add3A_503 = arith.addi %add3A_502, %add3A_497 : vector<16xi32>
    tpu.vector_store_idx %arg5[%add3A_488, %add3A_503], %broadcast_in_dim3A_7 : memref<32x1805xf32, #tpu.memory_space<vmem>>[vector<16xi32>, vector<16xi32>], vector<16xf32>,
    %add3A_504 = arith.constant 0 : i32
    %add3A_505 = vector.broadcast %add3A_504 : i32 to vector<16xi32>
    %add3A_506 = arith.addi %add3A_505, %iota3A : vector<16xi32>
    %add3A_507 = arith.constant 192 : i32
    %add3A_508 = vector.broadcast %add3A_507 : i32 to vector<16xi32>
    %add3A_509 = arith.addi %add3A_508, %iota3A : vector<16xi32>
    %gather3A_510 = tpu.vector_load_idx %arg4[%add3A_509, %broadcast_in_dim3A_3] : memref<512x2xi32, #tpu.memory_space<vmem>>[vector<16xi32>, vector<16xi32>], vector<16xi32>,
    %gather3A_511 = tpu.vector_load_idx %arg4[%add3A_509, %broadcast_in_dim3A_5] : memref<512x2xi32, #tpu.memory_space<vmem>>[vector<16xi32>, vector<16xi32>], vector<16xi32>,
    %mul3A_512 = arith.constant 19 : i32
    %mul3A_513 = vector.broadcast %mul3A_512 : i32 to vector<16xi32>
    %mul3A_514 = arith.muli %gather3A_510, %mul3A_513 : vector<16xi32>
    %add3A_515 = arith.addi %mul3A_514, %gather3A_511 : vector<16xi32>
    %add3A_516 = arith.constant 361 : i32
    %add3A_517 = vector.broadcast %add3A_516 : i32 to vector<16xi32>
    %add3A_518 = arith.addi %add3A_517, %add3A_515 : vector<16xi32>
    tpu.vector_store_idx %arg5[%add3A_506, %add3A_518], %broadcast_in_dim3A_7 : memref<32x1805xf32, #tpu.memory_space<vmem>>[vector<16xi32>, vector<16xi32>], vector<16xf32>,
    %add3A_519 = arith.constant 722 : i32
    %add3A_520 = vector.broadcast %add3A_519 : i32 to vector<16xi32>
    %add3A_521 = arith.addi %add3A_520, %add3A_515 : vector<16xi32>
    tpu.vector_store_idx %arg5[%add3A_506, %add3A_521], %broadcast_in_dim3A_9 : memref<32x1805xf32, #tpu.memory_space<vmem>>[vector<16xi32>, vector<16xi32>], vector<16xf32>,
    %add3A_522 = arith.constant 16 : i32
    %add3A_523 = vector.broadcast %add3A_522 : i32 to vector<16xi32>
    %add3A_524 = arith.addi %add3A_523, %iota3A : vector<16xi32>
    %add3A_525 = arith.constant 208 : i32
    %add3A_526 = vector.broadcast %add3A_525 : i32 to vector<16xi32>
    %add3A_527 = arith.addi %add3A_526, %iota3A : vector<16xi32>
    %gather3A_528 = tpu.vector_load_idx %arg4[%add3A_527, %broadcast_in_dim3A_3] : memref<512x2xi32, #tpu.memory_space<vmem>>[vector<16xi32>, vector<16xi32>], vector<16xi32>,
    %gather3A_529 = tpu.vector_load_idx %arg4[%add3A_527, %broadcast_in_dim3A_5] : memref<512x2xi32, #tpu.memory_space<vmem>>[vector<16xi32>, vector<16xi32>], vector<16xi32>,
    %mul3A_530 = arith.constant 19 : i32
    %mul3A_531 = vector.broadcast %mul3A_530 : i32 to vector<16xi32>
    %mul3A_532 = arith.muli %gather3A_528, %mul3A_531 : vector<16xi32>
    %add3A_533 = arith.addi %mul3A_532, %gather3A_529 : vector<16xi32>
    %add3A_534 = arith.constant 361 : i32
    %add3A_535 = vector.broadcast %add3A_534 : i32 to vector<16xi32>
    %add3A_536 = arith.addi %add3A_535, %add3A_533 : vector<16xi32>
    tpu.vector_store_idx %arg5[%add3A_524, %add3A_536], %broadcast_in_dim3A_7 : memref<32x1805xf32, #tpu.memory_space<vmem>>[vector<16xi32>, vector<16xi32>], vector<16xf32>,
    %add3A_537 = arith.constant 722 : i32
    %add3A_538 = vector.broadcast %add3A_537 : i32 to vector<16xi32>
    %add3A_539 = arith.addi %add3A_538, %add3A_533 : vector<16xi32>
    tpu.vector_store_idx %arg5[%add3A_524, %add3A_539], %broadcast_in_dim3A_9 : memref<32x1805xf32, #tpu.memory_space<vmem>>[vector<16xi32>, vector<16xi32>], vector<16xf32>,
    %add3A_540 = arith.constant 192 : i32
    %add3A_541 = arith.addi %mul3A_2, %add3A_540 : i32
    %dma_start3A_542 = arith.constant 0 : i32
    %dma_start3A_543 = tpu.memref_slice %arg3[%add3A_541, %dma_start3A_542] : memref<16384x1805xf32, #tpu.memory_space<hbm>> -> memref<32x1805xf32, #tpu.memory_space<hbm>>
    %dma_start3A_544 = arith.constant 0 : i32
    %dma_start3A_545 = tpu.memref_slice %arg3[%add3A_541, %dma_start3A_544] : memref<16384x1805xf32, #tpu.memory_space<hbm>> -> memref<32x1805xf32, #tpu.memory_space<hbm>>
    tpu.enqueue_dma source(%arg5 : memref<32x1805xf32, #tpu.memory_space<vmem>>) target(%dma_start3A_545 : memref<32x1805xf32, #tpu.memory_space<hbm>>) target_semaphore(%arg6 : memref<!tpu.dma_semaphore, #tpu.memory_space<semaphore_mem>>)
    %dma_wait3A_546 = arith.constant 0 : i32
    %dma_wait3A_547 = tpu.memref_slice %arg3[%add3A_541, %dma_wait3A_546] : memref<16384x1805xf32, #tpu.memory_space<hbm>> -> memref<32x1805xf32, #tpu.memory_space<hbm>>
    %dma_wait3A_548 = arith.constant 0 : i32
    %dma_wait3A_549 = tpu.memref_slice %arg3[%add3A_541, %dma_wait3A_548] : memref<16384x1805xf32, #tpu.memory_space<hbm>> -> memref<32x1805xf32, #tpu.memory_space<hbm>>
    tpu.wait_dma2 semaphore(%arg6 : memref<!tpu.dma_semaphore, #tpu.memory_space<semaphore_mem>>) src(%arg5 : memref<32x1805xf32, #tpu.memory_space<vmem>>) dst(%dma_wait3A_549 : memref<32x1805xf32, #tpu.memory_space<hbm>>)
    %add3A_550 = arith.constant 0 : i32
    %add3A_551 = vector.broadcast %add3A_550 : i32 to vector<16xi32>
    %add3A_552 = arith.addi %add3A_551, %iota3A : vector<16xi32>
    %add3A_553 = arith.constant 192 : i32
    %add3A_554 = vector.broadcast %add3A_553 : i32 to vector<16xi32>
    %add3A_555 = arith.addi %add3A_554, %iota3A : vector<16xi32>
    %gather3A_556 = tpu.vector_load_idx %arg4[%add3A_555, %broadcast_in_dim3A_3] : memref<512x2xi32, #tpu.memory_space<vmem>>[vector<16xi32>, vector<16xi32>], vector<16xi32>,
    %gather3A_557 = tpu.vector_load_idx %arg4[%add3A_555, %broadcast_in_dim3A_5] : memref<512x2xi32, #tpu.memory_space<vmem>>[vector<16xi32>, vector<16xi32>], vector<16xi32>,
    %mul3A_558 = arith.constant 19 : i32
    %mul3A_559 = vector.broadcast %mul3A_558 : i32 to vector<16xi32>
    %mul3A_560 = arith.muli %gather3A_556, %mul3A_559 : vector<16xi32>
    %add3A_561 = arith.addi %mul3A_560, %gather3A_557 : vector<16xi32>
    %add3A_562 = arith.constant 361 : i32
    %add3A_563 = vector.broadcast %add3A_562 : i32 to vector<16xi32>
    %add3A_564 = arith.addi %add3A_563, %add3A_561 : vector<16xi32>
    tpu.vector_store_idx %arg5[%add3A_552, %add3A_564], %broadcast_in_dim3A_9 : memref<32x1805xf32, #tpu.memory_space<vmem>>[vector<16xi32>, vector<16xi32>], vector<16xf32>,
    %add3A_565 = arith.constant 722 : i32
    %add3A_566 = vector.broadcast %add3A_565 : i32 to vector<16xi32>
    %add3A_567 = arith.addi %add3A_566, %add3A_561 : vector<16xi32>
    tpu.vector_store_idx %arg5[%add3A_552, %add3A_567], %broadcast_in_dim3A_7 : memref<32x1805xf32, #tpu.memory_space<vmem>>[vector<16xi32>, vector<16xi32>], vector<16xf32>,
    %add3A_568 = arith.constant 16 : i32
    %add3A_569 = vector.broadcast %add3A_568 : i32 to vector<16xi32>
    %add3A_570 = arith.addi %add3A_569, %iota3A : vector<16xi32>
    %add3A_571 = arith.constant 208 : i32
    %add3A_572 = vector.broadcast %add3A_571 : i32 to vector<16xi32>
    %add3A_573 = arith.addi %add3A_572, %iota3A : vector<16xi32>
    %gather3A_574 = tpu.vector_load_idx %arg4[%add3A_573, %broadcast_in_dim3A_3] : memref<512x2xi32, #tpu.memory_space<vmem>>[vector<16xi32>, vector<16xi32>], vector<16xi32>,
    %gather3A_575 = tpu.vector_load_idx %arg4[%add3A_573, %broadcast_in_dim3A_5] : memref<512x2xi32, #tpu.memory_space<vmem>>[vector<16xi32>, vector<16xi32>], vector<16xi32>,
    %mul3A_576 = arith.constant 19 : i32
    %mul3A_577 = vector.broadcast %mul3A_576 : i32 to vector<16xi32>
    %mul3A_578 = arith.muli %gather3A_574, %mul3A_577 : vector<16xi32>
    %add3A_579 = arith.addi %mul3A_578, %gather3A_575 : vector<16xi32>
    %add3A_580 = arith.constant 361 : i32
    %add3A_581 = vector.broadcast %add3A_580 : i32 to vector<16xi32>
    %add3A_582 = arith.addi %add3A_581, %add3A_579 : vector<16xi32>
    tpu.vector_store_idx %arg5[%add3A_570, %add3A_582], %broadcast_in_dim3A_9 : memref<32x1805xf32, #tpu.memory_space<vmem>>[vector<16xi32>, vector<16xi32>], vector<16xf32>,
    %add3A_583 = arith.constant 722 : i32
    %add3A_584 = vector.broadcast %add3A_583 : i32 to vector<16xi32>
    %add3A_585 = arith.addi %add3A_584, %add3A_579 : vector<16xi32>
    tpu.vector_store_idx %arg5[%add3A_570, %add3A_585], %broadcast_in_dim3A_7 : memref<32x1805xf32, #tpu.memory_space<vmem>>[vector<16xi32>, vector<16xi32>], vector<16xf32>,
    %add3A_586 = arith.constant 0 : i32
    %add3A_587 = vector.broadcast %add3A_586 : i32 to vector<16xi32>
    %add3A_588 = arith.addi %add3A_587, %iota3A : vector<16xi32>
    %add3A_589 = arith.constant 224 : i32
    %add3A_590 = vector.broadcast %add3A_589 : i32 to vector<16xi32>
    %add3A_591 = arith.addi %add3A_590, %iota3A : vector<16xi32>
    %gather3A_592 = tpu.vector_load_idx %arg4[%add3A_591, %broadcast_in_dim3A_3] : memref<512x2xi32, #tpu.memory_space<vmem>>[vector<16xi32>, vector<16xi32>], vector<16xi32>,
    %gather3A_593 = tpu.vector_load_idx %arg4[%add3A_591, %broadcast_in_dim3A_5] : memref<512x2xi32, #tpu.memory_space<vmem>>[vector<16xi32>, vector<16xi32>], vector<16xi32>,
    %mul3A_594 = arith.constant 19 : i32
    %mul3A_595 = vector.broadcast %mul3A_594 : i32 to vector<16xi32>
    %mul3A_596 = arith.muli %gather3A_592, %mul3A_595 : vector<16xi32>
    %add3A_597 = arith.addi %mul3A_596, %gather3A_593 : vector<16xi32>
    %add3A_598 = arith.constant 361 : i32
    %add3A_599 = vector.broadcast %add3A_598 : i32 to vector<16xi32>
    %add3A_600 = arith.addi %add3A_599, %add3A_597 : vector<16xi32>
    tpu.vector_store_idx %arg5[%add3A_588, %add3A_600], %broadcast_in_dim3A_7 : memref<32x1805xf32, #tpu.memory_space<vmem>>[vector<16xi32>, vector<16xi32>], vector<16xf32>,
    %add3A_601 = arith.constant 722 : i32
    %add3A_602 = vector.broadcast %add3A_601 : i32 to vector<16xi32>
    %add3A_603 = arith.addi %add3A_602, %add3A_597 : vector<16xi32>
    tpu.vector_store_idx %arg5[%add3A_588, %add3A_603], %broadcast_in_dim3A_9 : memref<32x1805xf32, #tpu.memory_space<vmem>>[vector<16xi32>, vector<16xi32>], vector<16xf32>,
    %add3A_604 = arith.constant 16 : i32
    %add3A_605 = vector.broadcast %add3A_604 : i32 to vector<16xi32>
    %add3A_606 = arith.addi %add3A_605, %iota3A : vector<16xi32>
    %add3A_607 = arith.constant 240 : i32
    %add3A_608 = vector.broadcast %add3A_607 : i32 to vector<16xi32>
    %add3A_609 = arith.addi %add3A_608, %iota3A : vector<16xi32>
    %gather3A_610 = tpu.vector_load_idx %arg4[%add3A_609, %broadcast_in_dim3A_3] : memref<512x2xi32, #tpu.memory_space<vmem>>[vector<16xi32>, vector<16xi32>], vector<16xi32>,
    %gather3A_611 = tpu.vector_load_idx %arg4[%add3A_609, %broadcast_in_dim3A_5] : memref<512x2xi32, #tpu.memory_space<vmem>>[vector<16xi32>, vector<16xi32>], vector<16xi32>,
    %mul3A_612 = arith.constant 19 : i32
    %mul3A_613 = vector.broadcast %mul3A_612 : i32 to vector<16xi32>
    %mul3A_614 = arith.muli %gather3A_610, %mul3A_613 : vector<16xi32>
    %add3A_615 = arith.addi %mul3A_614, %gather3A_611 : vector<16xi32>
    %add3A_616 = arith.constant 361 : i32
    %add3A_617 = vector.broadcast %add3A_616 : i32 to vector<16xi32>
    %add3A_618 = arith.addi %add3A_617, %add3A_615 : vector<16xi32>
    tpu.vector_store_idx %arg5[%add3A_606, %add3A_618], %broadcast_in_dim3A_7 : memref<32x1805xf32, #tpu.memory_space<vmem>>[vector<16xi32>, vector<16xi32>], vector<16xf32>,
    %add3A_619 = arith.constant 722 : i32
    %add3A_620 = vector.broadcast %add3A_619 : i32 to vector<16xi32>
    %add3A_621 = arith.addi %add3A_620, %add3A_615 : vector<16xi32>
    tpu.vector_store_idx %arg5[%add3A_606, %add3A_621], %broadcast_in_dim3A_9 : memref<32x1805xf32, #tpu.memory_space<vmem>>[vector<16xi32>, vector<16xi32>], vector<16xf32>,
    %add3A_622 = arith.constant 224 : i32
    %add3A_623 = arith.addi %mul3A_2, %add3A_622 : i32
    %dma_start3A_624 = arith.constant 0 : i32
    %dma_start3A_625 = tpu.memref_slice %arg3[%add3A_623, %dma_start3A_624] : memref<16384x1805xf32, #tpu.memory_space<hbm>> -> memref<32x1805xf32, #tpu.memory_space<hbm>>
    %dma_start3A_626 = arith.constant 0 : i32
    %dma_start3A_627 = tpu.memref_slice %arg3[%add3A_623, %dma_start3A_626] : memref<16384x1805xf32, #tpu.memory_space<hbm>> -> memref<32x1805xf32, #tpu.memory_space<hbm>>
    tpu.enqueue_dma source(%arg5 : memref<32x1805xf32, #tpu.memory_space<vmem>>) target(%dma_start3A_627 : memref<32x1805xf32, #tpu.memory_space<hbm>>) target_semaphore(%arg6 : memref<!tpu.dma_semaphore, #tpu.memory_space<semaphore_mem>>)
    %dma_wait3A_628 = arith.constant 0 : i32
    %dma_wait3A_629 = tpu.memref_slice %arg3[%add3A_623, %dma_wait3A_628] : memref<16384x1805xf32, #tpu.memory_space<hbm>> -> memref<32x1805xf32, #tpu.memory_space<hbm>>
    %dma_wait3A_630 = arith.constant 0 : i32
    %dma_wait3A_631 = tpu.memref_slice %arg3[%add3A_623, %dma_wait3A_630] : memref<16384x1805xf32, #tpu.memory_space<hbm>> -> memref<32x1805xf32, #tpu.memory_space<hbm>>
    tpu.wait_dma2 semaphore(%arg6 : memref<!tpu.dma_semaphore, #tpu.memory_space<semaphore_mem>>) src(%arg5 : memref<32x1805xf32, #tpu.memory_space<vmem>>) dst(%dma_wait3A_631 : memref<32x1805xf32, #tpu.memory_space<hbm>>)
    %add3A_632 = arith.constant 0 : i32
    %add3A_633 = vector.broadcast %add3A_632 : i32 to vector<16xi32>
    %add3A_634 = arith.addi %add3A_633, %iota3A : vector<16xi32>
    %add3A_635 = arith.constant 224 : i32
    %add3A_636 = vector.broadcast %add3A_635 : i32 to vector<16xi32>
    %add3A_637 = arith.addi %add3A_636, %iota3A : vector<16xi32>
    %gather3A_638 = tpu.vector_load_idx %arg4[%add3A_637, %broadcast_in_dim3A_3] : memref<512x2xi32, #tpu.memory_space<vmem>>[vector<16xi32>, vector<16xi32>], vector<16xi32>,
    %gather3A_639 = tpu.vector_load_idx %arg4[%add3A_637, %broadcast_in_dim3A_5] : memref<512x2xi32, #tpu.memory_space<vmem>>[vector<16xi32>, vector<16xi32>], vector<16xi32>,
    %mul3A_640 = arith.constant 19 : i32
    %mul3A_641 = vector.broadcast %mul3A_640 : i32 to vector<16xi32>
    %mul3A_642 = arith.muli %gather3A_638, %mul3A_641 : vector<16xi32>
    %add3A_643 = arith.addi %mul3A_642, %gather3A_639 : vector<16xi32>
    %add3A_644 = arith.constant 361 : i32
    %add3A_645 = vector.broadcast %add3A_644 : i32 to vector<16xi32>
    %add3A_646 = arith.addi %add3A_645, %add3A_643 : vector<16xi32>
    tpu.vector_store_idx %arg5[%add3A_634, %add3A_646], %broadcast_in_dim3A_9 : memref<32x1805xf32, #tpu.memory_space<vmem>>[vector<16xi32>, vector<16xi32>], vector<16xf32>,
    %add3A_647 = arith.constant 722 : i32
    %add3A_648 = vector.broadcast %add3A_647 : i32 to vector<16xi32>
    %add3A_649 = arith.addi %add3A_648, %add3A_643 : vector<16xi32>
    tpu.vector_store_idx %arg5[%add3A_634, %add3A_649], %broadcast_in_dim3A_7 : memref<32x1805xf32, #tpu.memory_space<vmem>>[vector<16xi32>, vector<16xi32>], vector<16xf32>,
    %add3A_650 = arith.constant 16 : i32
    %add3A_651 = vector.broadcast %add3A_650 : i32 to vector<16xi32>
    %add3A_652 = arith.addi %add3A_651, %iota3A : vector<16xi32>
    %add3A_653 = arith.constant 240 : i32
    %add3A_654 = vector.broadcast %add3A_653 : i32 to vector<16xi32>
    %add3A_655 = arith.addi %add3A_654, %iota3A : vector<16xi32>
    %gather3A_656 = tpu.vector_load_idx %arg4[%add3A_655, %broadcast_in_dim3A_3] : memref<512x2xi32, #tpu.memory_space<vmem>>[vector<16xi32>, vector<16xi32>], vector<16xi32>,
    %gather3A_657 = tpu.vector_load_idx %arg4[%add3A_655, %broadcast_in_dim3A_5] : memref<512x2xi32, #tpu.memory_space<vmem>>[vector<16xi32>, vector<16xi32>], vector<16xi32>,
    %mul3A_658 = arith.constant 19 : i32
    %mul3A_659 = vector.broadcast %mul3A_658 : i32 to vector<16xi32>
    %mul3A_660 = arith.muli %gather3A_656, %mul3A_659 : vector<16xi32>
    %add3A_661 = arith.addi %mul3A_660, %gather3A_657 : vector<16xi32>
    %add3A_662 = arith.constant 361 : i32
    %add3A_663 = vector.broadcast %add3A_662 : i32 to vector<16xi32>
    %add3A_664 = arith.addi %add3A_663, %add3A_661 : vector<16xi32>
    tpu.vector_store_idx %arg5[%add3A_652, %add3A_664], %broadcast_in_dim3A_9 : memref<32x1805xf32, #tpu.memory_space<vmem>>[vector<16xi32>, vector<16xi32>], vector<16xf32>,
    %add3A_665 = arith.constant 722 : i32
    %add3A_666 = vector.broadcast %add3A_665 : i32 to vector<16xi32>
    %add3A_667 = arith.addi %add3A_666, %add3A_661 : vector<16xi32>
    tpu.vector_store_idx %arg5[%add3A_652, %add3A_667], %broadcast_in_dim3A_7 : memref<32x1805xf32, #tpu.memory_space<vmem>>[vector<16xi32>, vector<16xi32>], vector<16xf32>,
    %add3A_668 = arith.constant 0 : i32
    %add3A_669 = vector.broadcast %add3A_668 : i32 to vector<16xi32>
    %add3A_670 = arith.addi %add3A_669, %iota3A : vector<16xi32>
    %add3A_671 = arith.constant 256 : i32
    %add3A_672 = vector.broadcast %add3A_671 : i32 to vector<16xi32>
    %add3A_673 = arith.addi %add3A_672, %iota3A : vector<16xi32>
    %gather3A_674 = tpu.vector_load_idx %arg4[%add3A_673, %broadcast_in_dim3A_3] : memref<512x2xi32, #tpu.memory_space<vmem>>[vector<16xi32>, vector<16xi32>], vector<16xi32>,
    %gather3A_675 = tpu.vector_load_idx %arg4[%add3A_673, %broadcast_in_dim3A_5] : memref<512x2xi32, #tpu.memory_space<vmem>>[vector<16xi32>, vector<16xi32>], vector<16xi32>,
    %mul3A_676 = arith.constant 19 : i32
    %mul3A_677 = vector.broadcast %mul3A_676 : i32 to vector<16xi32>
    %mul3A_678 = arith.muli %gather3A_674, %mul3A_677 : vector<16xi32>
    %add3A_679 = arith.addi %mul3A_678, %gather3A_675 : vector<16xi32>
    %add3A_680 = arith.constant 361 : i32
    %add3A_681 = vector.broadcast %add3A_680 : i32 to vector<16xi32>
    %add3A_682 = arith.addi %add3A_681, %add3A_679 : vector<16xi32>
    tpu.vector_store_idx %arg5[%add3A_670, %add3A_682], %broadcast_in_dim3A_7 : memref<32x1805xf32, #tpu.memory_space<vmem>>[vector<16xi32>, vector<16xi32>], vector<16xf32>,
    %add3A_683 = arith.constant 722 : i32
    %add3A_684 = vector.broadcast %add3A_683 : i32 to vector<16xi32>
    %add3A_685 = arith.addi %add3A_684, %add3A_679 : vector<16xi32>
    tpu.vector_store_idx %arg5[%add3A_670, %add3A_685], %broadcast_in_dim3A_9 : memref<32x1805xf32, #tpu.memory_space<vmem>>[vector<16xi32>, vector<16xi32>], vector<16xf32>,
    %add3A_686 = arith.constant 16 : i32
    %add3A_687 = vector.broadcast %add3A_686 : i32 to vector<16xi32>
    %add3A_688 = arith.addi %add3A_687, %iota3A : vector<16xi32>
    %add3A_689 = arith.constant 272 : i32
    %add3A_690 = vector.broadcast %add3A_689 : i32 to vector<16xi32>
    %add3A_691 = arith.addi %add3A_690, %iota3A : vector<16xi32>
    %gather3A_692 = tpu.vector_load_idx %arg4[%add3A_691, %broadcast_in_dim3A_3] : memref<512x2xi32, #tpu.memory_space<vmem>>[vector<16xi32>, vector<16xi32>], vector<16xi32>,
    %gather3A_693 = tpu.vector_load_idx %arg4[%add3A_691, %broadcast_in_dim3A_5] : memref<512x2xi32, #tpu.memory_space<vmem>>[vector<16xi32>, vector<16xi32>], vector<16xi32>,
    %mul3A_694 = arith.constant 19 : i32
    %mul3A_695 = vector.broadcast %mul3A_694 : i32 to vector<16xi32>
    %mul3A_696 = arith.muli %gather3A_692, %mul3A_695 : vector<16xi32>
    %add3A_697 = arith.addi %mul3A_696, %gather3A_693 : vector<16xi32>
    %add3A_698 = arith.constant 361 : i32
    %add3A_699 = vector.broadcast %add3A_698 : i32 to vector<16xi32>
    %add3A_700 = arith.addi %add3A_699, %add3A_697 : vector<16xi32>
    tpu.vector_store_idx %arg5[%add3A_688, %add3A_700], %broadcast_in_dim3A_7 : memref<32x1805xf32, #tpu.memory_space<vmem>>[vector<16xi32>, vector<16xi32>], vector<16xf32>,
    %add3A_701 = arith.constant 722 : i32
    %add3A_702 = vector.broadcast %add3A_701 : i32 to vector<16xi32>
    %add3A_703 = arith.addi %add3A_702, %add3A_697 : vector<16xi32>
    tpu.vector_store_idx %arg5[%add3A_688, %add3A_703], %broadcast_in_dim3A_9 : memref<32x1805xf32, #tpu.memory_space<vmem>>[vector<16xi32>, vector<16xi32>], vector<16xf32>,
    %add3A_704 = arith.constant 256 : i32
    %add3A_705 = arith.addi %mul3A_2, %add3A_704 : i32
    %dma_start3A_706 = arith.constant 0 : i32
    %dma_start3A_707 = tpu.memref_slice %arg3[%add3A_705, %dma_start3A_706] : memref<16384x1805xf32, #tpu.memory_space<hbm>> -> memref<32x1805xf32, #tpu.memory_space<hbm>>
    %dma_start3A_708 = arith.constant 0 : i32
    %dma_start3A_709 = tpu.memref_slice %arg3[%add3A_705, %dma_start3A_708] : memref<16384x1805xf32, #tpu.memory_space<hbm>> -> memref<32x1805xf32, #tpu.memory_space<hbm>>
    tpu.enqueue_dma source(%arg5 : memref<32x1805xf32, #tpu.memory_space<vmem>>) target(%dma_start3A_709 : memref<32x1805xf32, #tpu.memory_space<hbm>>) target_semaphore(%arg6 : memref<!tpu.dma_semaphore, #tpu.memory_space<semaphore_mem>>)
    %dma_wait3A_710 = arith.constant 0 : i32
    %dma_wait3A_711 = tpu.memref_slice %arg3[%add3A_705, %dma_wait3A_710] : memref<16384x1805xf32, #tpu.memory_space<hbm>> -> memref<32x1805xf32, #tpu.memory_space<hbm>>
    %dma_wait3A_712 = arith.constant 0 : i32
    %dma_wait3A_713 = tpu.memref_slice %arg3[%add3A_705, %dma_wait3A_712] : memref<16384x1805xf32, #tpu.memory_space<hbm>> -> memref<32x1805xf32, #tpu.memory_space<hbm>>
    tpu.wait_dma2 semaphore(%arg6 : memref<!tpu.dma_semaphore, #tpu.memory_space<semaphore_mem>>) src(%arg5 : memref<32x1805xf32, #tpu.memory_space<vmem>>) dst(%dma_wait3A_713 : memref<32x1805xf32, #tpu.memory_space<hbm>>)
    %add3A_714 = arith.constant 0 : i32
    %add3A_715 = vector.broadcast %add3A_714 : i32 to vector<16xi32>
    %add3A_716 = arith.addi %add3A_715, %iota3A : vector<16xi32>
    %add3A_717 = arith.constant 256 : i32
    %add3A_718 = vector.broadcast %add3A_717 : i32 to vector<16xi32>
    %add3A_719 = arith.addi %add3A_718, %iota3A : vector<16xi32>
    %gather3A_720 = tpu.vector_load_idx %arg4[%add3A_719, %broadcast_in_dim3A_3] : memref<512x2xi32, #tpu.memory_space<vmem>>[vector<16xi32>, vector<16xi32>], vector<16xi32>,
    %gather3A_721 = tpu.vector_load_idx %arg4[%add3A_719, %broadcast_in_dim3A_5] : memref<512x2xi32, #tpu.memory_space<vmem>>[vector<16xi32>, vector<16xi32>], vector<16xi32>,
    %mul3A_722 = arith.constant 19 : i32
    %mul3A_723 = vector.broadcast %mul3A_722 : i32 to vector<16xi32>
    %mul3A_724 = arith.muli %gather3A_720, %mul3A_723 : vector<16xi32>
    %add3A_725 = arith.addi %mul3A_724, %gather3A_721 : vector<16xi32>
    %add3A_726 = arith.constant 361 : i32
    %add3A_727 = vector.broadcast %add3A_726 : i32 to vector<16xi32>
    %add3A_728 = arith.addi %add3A_727, %add3A_725 : vector<16xi32>
    tpu.vector_store_idx %arg5[%add3A_716, %add3A_728], %broadcast_in_dim3A_9 : memref<32x1805xf32, #tpu.memory_space<vmem>>[vector<16xi32>, vector<16xi32>], vector<16xf32>,
    %add3A_729 = arith.constant 722 : i32
    %add3A_730 = vector.broadcast %add3A_729 : i32 to vector<16xi32>
    %add3A_731 = arith.addi %add3A_730, %add3A_725 : vector<16xi32>
    tpu.vector_store_idx %arg5[%add3A_716, %add3A_731], %broadcast_in_dim3A_7 : memref<32x1805xf32, #tpu.memory_space<vmem>>[vector<16xi32>, vector<16xi32>], vector<16xf32>,
    %add3A_732 = arith.constant 16 : i32
    %add3A_733 = vector.broadcast %add3A_732 : i32 to vector<16xi32>
    %add3A_734 = arith.addi %add3A_733, %iota3A : vector<16xi32>
    %add3A_735 = arith.constant 272 : i32
    %add3A_736 = vector.broadcast %add3A_735 : i32 to vector<16xi32>
    %add3A_737 = arith.addi %add3A_736, %iota3A : vector<16xi32>
    %gather3A_738 = tpu.vector_load_idx %arg4[%add3A_737, %broadcast_in_dim3A_3] : memref<512x2xi32, #tpu.memory_space<vmem>>[vector<16xi32>, vector<16xi32>], vector<16xi32>,
    %gather3A_739 = tpu.vector_load_idx %arg4[%add3A_737, %broadcast_in_dim3A_5] : memref<512x2xi32, #tpu.memory_space<vmem>>[vector<16xi32>, vector<16xi32>], vector<16xi32>,
    %mul3A_740 = arith.constant 19 : i32
    %mul3A_741 = vector.broadcast %mul3A_740 : i32 to vector<16xi32>
    %mul3A_742 = arith.muli %gather3A_738, %mul3A_741 : vector<16xi32>
    %add3A_743 = arith.addi %mul3A_742, %gather3A_739 : vector<16xi32>
    %add3A_744 = arith.constant 361 : i32
    %add3A_745 = vector.broadcast %add3A_744 : i32 to vector<16xi32>
    %add3A_746 = arith.addi %add3A_745, %add3A_743 : vector<16xi32>
    tpu.vector_store_idx %arg5[%add3A_734, %add3A_746], %broadcast_in_dim3A_9 : memref<32x1805xf32, #tpu.memory_space<vmem>>[vector<16xi32>, vector<16xi32>], vector<16xf32>,
    %add3A_747 = arith.constant 722 : i32
    %add3A_748 = vector.broadcast %add3A_747 : i32 to vector<16xi32>
    %add3A_749 = arith.addi %add3A_748, %add3A_743 : vector<16xi32>
    tpu.vector_store_idx %arg5[%add3A_734, %add3A_749], %broadcast_in_dim3A_7 : memref<32x1805xf32, #tpu.memory_space<vmem>>[vector<16xi32>, vector<16xi32>], vector<16xf32>,
    %add3A_750 = arith.constant 0 : i32
    %add3A_751 = vector.broadcast %add3A_750 : i32 to vector<16xi32>
    %add3A_752 = arith.addi %add3A_751, %iota3A : vector<16xi32>
    %add3A_753 = arith.constant 288 : i32
    %add3A_754 = vector.broadcast %add3A_753 : i32 to vector<16xi32>
    %add3A_755 = arith.addi %add3A_754, %iota3A : vector<16xi32>
    %gather3A_756 = tpu.vector_load_idx %arg4[%add3A_755, %broadcast_in_dim3A_3] : memref<512x2xi32, #tpu.memory_space<vmem>>[vector<16xi32>, vector<16xi32>], vector<16xi32>,
    %gather3A_757 = tpu.vector_load_idx %arg4[%add3A_755, %broadcast_in_dim3A_5] : memref<512x2xi32, #tpu.memory_space<vmem>>[vector<16xi32>, vector<16xi32>], vector<16xi32>,
    %mul3A_758 = arith.constant 19 : i32
    %mul3A_759 = vector.broadcast %mul3A_758 : i32 to vector<16xi32>
    %mul3A_760 = arith.muli %gather3A_756, %mul3A_759 : vector<16xi32>
    %add3A_761 = arith.addi %mul3A_760, %gather3A_757 : vector<16xi32>
    %add3A_762 = arith.constant 361 : i32
    %add3A_763 = vector.broadcast %add3A_762 : i32 to vector<16xi32>
    %add3A_764 = arith.addi %add3A_763, %add3A_761 : vector<16xi32>
    tpu.vector_store_idx %arg5[%add3A_752, %add3A_764], %broadcast_in_dim3A_7 : memref<32x1805xf32, #tpu.memory_space<vmem>>[vector<16xi32>, vector<16xi32>], vector<16xf32>,
    %add3A_765 = arith.constant 722 : i32
    %add3A_766 = vector.broadcast %add3A_765 : i32 to vector<16xi32>
    %add3A_767 = arith.addi %add3A_766, %add3A_761 : vector<16xi32>
    tpu.vector_store_idx %arg5[%add3A_752, %add3A_767], %broadcast_in_dim3A_9 : memref<32x1805xf32, #tpu.memory_space<vmem>>[vector<16xi32>, vector<16xi32>], vector<16xf32>,
    %add3A_768 = arith.constant 16 : i32
    %add3A_769 = vector.broadcast %add3A_768 : i32 to vector<16xi32>
    %add3A_770 = arith.addi %add3A_769, %iota3A : vector<16xi32>
    %add3A_771 = arith.constant 304 : i32
    %add3A_772 = vector.broadcast %add3A_771 : i32 to vector<16xi32>
    %add3A_773 = arith.addi %add3A_772, %iota3A : vector<16xi32>
    %gather3A_774 = tpu.vector_load_idx %arg4[%add3A_773, %broadcast_in_dim3A_3] : memref<512x2xi32, #tpu.memory_space<vmem>>[vector<16xi32>, vector<16xi32>], vector<16xi32>,
    %gather3A_775 = tpu.vector_load_idx %arg4[%add3A_773, %broadcast_in_dim3A_5] : memref<512x2xi32, #tpu.memory_space<vmem>>[vector<16xi32>, vector<16xi32>], vector<16xi32>,
    %mul3A_776 = arith.constant 19 : i32
    %mul3A_777 = vector.broadcast %mul3A_776 : i32 to vector<16xi32>
    %mul3A_778 = arith.muli %gather3A_774, %mul3A_777 : vector<16xi32>
    %add3A_779 = arith.addi %mul3A_778, %gather3A_775 : vector<16xi32>
    %add3A_780 = arith.constant 361 : i32
    %add3A_781 = vector.broadcast %add3A_780 : i32 to vector<16xi32>
    %add3A_782 = arith.addi %add3A_781, %add3A_779 : vector<16xi32>
    tpu.vector_store_idx %arg5[%add3A_770, %add3A_782], %broadcast_in_dim3A_7 : memref<32x1805xf32, #tpu.memory_space<vmem>>[vector<16xi32>, vector<16xi32>], vector<16xf32>,
    %add3A_783 = arith.constant 722 : i32
    %add3A_784 = vector.broadcast %add3A_783 : i32 to vector<16xi32>
    %add3A_785 = arith.addi %add3A_784, %add3A_779 : vector<16xi32>
    tpu.vector_store_idx %arg5[%add3A_770, %add3A_785], %broadcast_in_dim3A_9 : memref<32x1805xf32, #tpu.memory_space<vmem>>[vector<16xi32>, vector<16xi32>], vector<16xf32>,
    %add3A_786 = arith.constant 288 : i32
    %add3A_787 = arith.addi %mul3A_2, %add3A_786 : i32
    %dma_start3A_788 = arith.constant 0 : i32
    %dma_start3A_789 = tpu.memref_slice %arg3[%add3A_787, %dma_start3A_788] : memref<16384x1805xf32, #tpu.memory_space<hbm>> -> memref<32x1805xf32, #tpu.memory_space<hbm>>
    %dma_start3A_790 = arith.constant 0 : i32
    %dma_start3A_791 = tpu.memref_slice %arg3[%add3A_787, %dma_start3A_790] : memref<16384x1805xf32, #tpu.memory_space<hbm>> -> memref<32x1805xf32, #tpu.memory_space<hbm>>
    tpu.enqueue_dma source(%arg5 : memref<32x1805xf32, #tpu.memory_space<vmem>>) target(%dma_start3A_791 : memref<32x1805xf32, #tpu.memory_space<hbm>>) target_semaphore(%arg6 : memref<!tpu.dma_semaphore, #tpu.memory_space<semaphore_mem>>)
    %dma_wait3A_792 = arith.constant 0 : i32
    %dma_wait3A_793 = tpu.memref_slice %arg3[%add3A_787, %dma_wait3A_792] : memref<16384x1805xf32, #tpu.memory_space<hbm>> -> memref<32x1805xf32, #tpu.memory_space<hbm>>
    %dma_wait3A_794 = arith.constant 0 : i32
    %dma_wait3A_795 = tpu.memref_slice %arg3[%add3A_787, %dma_wait3A_794] : memref<16384x1805xf32, #tpu.memory_space<hbm>> -> memref<32x1805xf32, #tpu.memory_space<hbm>>
    tpu.wait_dma2 semaphore(%arg6 : memref<!tpu.dma_semaphore, #tpu.memory_space<semaphore_mem>>) src(%arg5 : memref<32x1805xf32, #tpu.memory_space<vmem>>) dst(%dma_wait3A_795 : memref<32x1805xf32, #tpu.memory_space<hbm>>)
    %add3A_796 = arith.constant 0 : i32
    %add3A_797 = vector.broadcast %add3A_796 : i32 to vector<16xi32>
    %add3A_798 = arith.addi %add3A_797, %iota3A : vector<16xi32>
    %add3A_799 = arith.constant 288 : i32
    %add3A_800 = vector.broadcast %add3A_799 : i32 to vector<16xi32>
    %add3A_801 = arith.addi %add3A_800, %iota3A : vector<16xi32>
    %gather3A_802 = tpu.vector_load_idx %arg4[%add3A_801, %broadcast_in_dim3A_3] : memref<512x2xi32, #tpu.memory_space<vmem>>[vector<16xi32>, vector<16xi32>], vector<16xi32>,
    %gather3A_803 = tpu.vector_load_idx %arg4[%add3A_801, %broadcast_in_dim3A_5] : memref<512x2xi32, #tpu.memory_space<vmem>>[vector<16xi32>, vector<16xi32>], vector<16xi32>,
    %mul3A_804 = arith.constant 19 : i32
    %mul3A_805 = vector.broadcast %mul3A_804 : i32 to vector<16xi32>
    %mul3A_806 = arith.muli %gather3A_802, %mul3A_805 : vector<16xi32>
    %add3A_807 = arith.addi %mul3A_806, %gather3A_803 : vector<16xi32>
    %add3A_808 = arith.constant 361 : i32
    %add3A_809 = vector.broadcast %add3A_808 : i32 to vector<16xi32>
    %add3A_810 = arith.addi %add3A_809, %add3A_807 : vector<16xi32>
    tpu.vector_store_idx %arg5[%add3A_798, %add3A_810], %broadcast_in_dim3A_9 : memref<32x1805xf32, #tpu.memory_space<vmem>>[vector<16xi32>, vector<16xi32>], vector<16xf32>,
    %add3A_811 = arith.constant 722 : i32
    %add3A_812 = vector.broadcast %add3A_811 : i32 to vector<16xi32>
    %add3A_813 = arith.addi %add3A_812, %add3A_807 : vector<16xi32>
    tpu.vector_store_idx %arg5[%add3A_798, %add3A_813], %broadcast_in_dim3A_7 : memref<32x1805xf32, #tpu.memory_space<vmem>>[vector<16xi32>, vector<16xi32>], vector<16xf32>,
    %add3A_814 = arith.constant 16 : i32
    %add3A_815 = vector.broadcast %add3A_814 : i32 to vector<16xi32>
    %add3A_816 = arith.addi %add3A_815, %iota3A : vector<16xi32>
    %add3A_817 = arith.constant 304 : i32
    %add3A_818 = vector.broadcast %add3A_817 : i32 to vector<16xi32>
    %add3A_819 = arith.addi %add3A_818, %iota3A : vector<16xi32>
    %gather3A_820 = tpu.vector_load_idx %arg4[%add3A_819, %broadcast_in_dim3A_3] : memref<512x2xi32, #tpu.memory_space<vmem>>[vector<16xi32>, vector<16xi32>], vector<16xi32>,
    %gather3A_821 = tpu.vector_load_idx %arg4[%add3A_819, %broadcast_in_dim3A_5] : memref<512x2xi32, #tpu.memory_space<vmem>>[vector<16xi32>, vector<16xi32>], vector<16xi32>,
    %mul3A_822 = arith.constant 19 : i32
    %mul3A_823 = vector.broadcast %mul3A_822 : i32 to vector<16xi32>
    %mul3A_824 = arith.muli %gather3A_820, %mul3A_823 : vector<16xi32>
    %add3A_825 = arith.addi %mul3A_824, %gather3A_821 : vector<16xi32>
    %add3A_826 = arith.constant 361 : i32
    %add3A_827 = vector.broadcast %add3A_826 : i32 to vector<16xi32>
    %add3A_828 = arith.addi %add3A_827, %add3A_825 : vector<16xi32>
    tpu.vector_store_idx %arg5[%add3A_816, %add3A_828], %broadcast_in_dim3A_9 : memref<32x1805xf32, #tpu.memory_space<vmem>>[vector<16xi32>, vector<16xi32>], vector<16xf32>,
    %add3A_829 = arith.constant 722 : i32
    %add3A_830 = vector.broadcast %add3A_829 : i32 to vector<16xi32>
    %add3A_831 = arith.addi %add3A_830, %add3A_825 : vector<16xi32>
    tpu.vector_store_idx %arg5[%add3A_816, %add3A_831], %broadcast_in_dim3A_7 : memref<32x1805xf32, #tpu.memory_space<vmem>>[vector<16xi32>, vector<16xi32>], vector<16xf32>,
    %add3A_832 = arith.constant 0 : i32
    %add3A_833 = vector.broadcast %add3A_832 : i32 to vector<16xi32>
    %add3A_834 = arith.addi %add3A_833, %iota3A : vector<16xi32>
    %add3A_835 = arith.constant 320 : i32
    %add3A_836 = vector.broadcast %add3A_835 : i32 to vector<16xi32>
    %add3A_837 = arith.addi %add3A_836, %iota3A : vector<16xi32>
    %gather3A_838 = tpu.vector_load_idx %arg4[%add3A_837, %broadcast_in_dim3A_3] : memref<512x2xi32, #tpu.memory_space<vmem>>[vector<16xi32>, vector<16xi32>], vector<16xi32>,
    %gather3A_839 = tpu.vector_load_idx %arg4[%add3A_837, %broadcast_in_dim3A_5] : memref<512x2xi32, #tpu.memory_space<vmem>>[vector<16xi32>, vector<16xi32>], vector<16xi32>,
    %mul3A_840 = arith.constant 19 : i32
    %mul3A_841 = vector.broadcast %mul3A_840 : i32 to vector<16xi32>
    %mul3A_842 = arith.muli %gather3A_838, %mul3A_841 : vector<16xi32>
    %add3A_843 = arith.addi %mul3A_842, %gather3A_839 : vector<16xi32>
    %add3A_844 = arith.constant 361 : i32
    %add3A_845 = vector.broadcast %add3A_844 : i32 to vector<16xi32>
    %add3A_846 = arith.addi %add3A_845, %add3A_843 : vector<16xi32>
    tpu.vector_store_idx %arg5[%add3A_834, %add3A_846], %broadcast_in_dim3A_7 : memref<32x1805xf32, #tpu.memory_space<vmem>>[vector<16xi32>, vector<16xi32>], vector<16xf32>,
    %add3A_847 = arith.constant 722 : i32
    %add3A_848 = vector.broadcast %add3A_847 : i32 to vector<16xi32>
    %add3A_849 = arith.addi %add3A_848, %add3A_843 : vector<16xi32>
    tpu.vector_store_idx %arg5[%add3A_834, %add3A_849], %broadcast_in_dim3A_9 : memref<32x1805xf32, #tpu.memory_space<vmem>>[vector<16xi32>, vector<16xi32>], vector<16xf32>,
    %add3A_850 = arith.constant 16 : i32
    %add3A_851 = vector.broadcast %add3A_850 : i32 to vector<16xi32>
    %add3A_852 = arith.addi %add3A_851, %iota3A : vector<16xi32>
    %add3A_853 = arith.constant 336 : i32
    %add3A_854 = vector.broadcast %add3A_853 : i32 to vector<16xi32>
    %add3A_855 = arith.addi %add3A_854, %iota3A : vector<16xi32>
    %gather3A_856 = tpu.vector_load_idx %arg4[%add3A_855, %broadcast_in_dim3A_3] : memref<512x2xi32, #tpu.memory_space<vmem>>[vector<16xi32>, vector<16xi32>], vector<16xi32>,
    %gather3A_857 = tpu.vector_load_idx %arg4[%add3A_855, %broadcast_in_dim3A_5] : memref<512x2xi32, #tpu.memory_space<vmem>>[vector<16xi32>, vector<16xi32>], vector<16xi32>,
    %mul3A_858 = arith.constant 19 : i32
    %mul3A_859 = vector.broadcast %mul3A_858 : i32 to vector<16xi32>
    %mul3A_860 = arith.muli %gather3A_856, %mul3A_859 : vector<16xi32>
    %add3A_861 = arith.addi %mul3A_860, %gather3A_857 : vector<16xi32>
    %add3A_862 = arith.constant 361 : i32
    %add3A_863 = vector.broadcast %add3A_862 : i32 to vector<16xi32>
    %add3A_864 = arith.addi %add3A_863, %add3A_861 : vector<16xi32>
    tpu.vector_store_idx %arg5[%add3A_852, %add3A_864], %broadcast_in_dim3A_7 : memref<32x1805xf32, #tpu.memory_space<vmem>>[vector<16xi32>, vector<16xi32>], vector<16xf32>,
    %add3A_865 = arith.constant 722 : i32
    %add3A_866 = vector.broadcast %add3A_865 : i32 to vector<16xi32>
    %add3A_867 = arith.addi %add3A_866, %add3A_861 : vector<16xi32>
    tpu.vector_store_idx %arg5[%add3A_852, %add3A_867], %broadcast_in_dim3A_9 : memref<32x1805xf32, #tpu.memory_space<vmem>>[vector<16xi32>, vector<16xi32>], vector<16xf32>,
    %add3A_868 = arith.constant 320 : i32
    %add3A_869 = arith.addi %mul3A_2, %add3A_868 : i32
    %dma_start3A_870 = arith.constant 0 : i32
    %dma_start3A_871 = tpu.memref_slice %arg3[%add3A_869, %dma_start3A_870] : memref<16384x1805xf32, #tpu.memory_space<hbm>> -> memref<32x1805xf32, #tpu.memory_space<hbm>>
    %dma_start3A_872 = arith.constant 0 : i32
    %dma_start3A_873 = tpu.memref_slice %arg3[%add3A_869, %dma_start3A_872] : memref<16384x1805xf32, #tpu.memory_space<hbm>> -> memref<32x1805xf32, #tpu.memory_space<hbm>>
    tpu.enqueue_dma source(%arg5 : memref<32x1805xf32, #tpu.memory_space<vmem>>) target(%dma_start3A_873 : memref<32x1805xf32, #tpu.memory_space<hbm>>) target_semaphore(%arg6 : memref<!tpu.dma_semaphore, #tpu.memory_space<semaphore_mem>>)
    %dma_wait3A_874 = arith.constant 0 : i32
    %dma_wait3A_875 = tpu.memref_slice %arg3[%add3A_869, %dma_wait3A_874] : memref<16384x1805xf32, #tpu.memory_space<hbm>> -> memref<32x1805xf32, #tpu.memory_space<hbm>>
    %dma_wait3A_876 = arith.constant 0 : i32
    %dma_wait3A_877 = tpu.memref_slice %arg3[%add3A_869, %dma_wait3A_876] : memref<16384x1805xf32, #tpu.memory_space<hbm>> -> memref<32x1805xf32, #tpu.memory_space<hbm>>
    tpu.wait_dma2 semaphore(%arg6 : memref<!tpu.dma_semaphore, #tpu.memory_space<semaphore_mem>>) src(%arg5 : memref<32x1805xf32, #tpu.memory_space<vmem>>) dst(%dma_wait3A_877 : memref<32x1805xf32, #tpu.memory_space<hbm>>)
    %add3A_878 = arith.constant 0 : i32
    %add3A_879 = vector.broadcast %add3A_878 : i32 to vector<16xi32>
    %add3A_880 = arith.addi %add3A_879, %iota3A : vector<16xi32>
    %add3A_881 = arith.constant 320 : i32
    %add3A_882 = vector.broadcast %add3A_881 : i32 to vector<16xi32>
    %add3A_883 = arith.addi %add3A_882, %iota3A : vector<16xi32>
    %gather3A_884 = tpu.vector_load_idx %arg4[%add3A_883, %broadcast_in_dim3A_3] : memref<512x2xi32, #tpu.memory_space<vmem>>[vector<16xi32>, vector<16xi32>], vector<16xi32>,
    %gather3A_885 = tpu.vector_load_idx %arg4[%add3A_883, %broadcast_in_dim3A_5] : memref<512x2xi32, #tpu.memory_space<vmem>>[vector<16xi32>, vector<16xi32>], vector<16xi32>,
    %mul3A_886 = arith.constant 19 : i32
    %mul3A_887 = vector.broadcast %mul3A_886 : i32 to vector<16xi32>
    %mul3A_888 = arith.muli %gather3A_884, %mul3A_887 : vector<16xi32>
    %add3A_889 = arith.addi %mul3A_888, %gather3A_885 : vector<16xi32>
    %add3A_890 = arith.constant 361 : i32
    %add3A_891 = vector.broadcast %add3A_890 : i32 to vector<16xi32>
    %add3A_892 = arith.addi %add3A_891, %add3A_889 : vector<16xi32>
    tpu.vector_store_idx %arg5[%add3A_880, %add3A_892], %broadcast_in_dim3A_9 : memref<32x1805xf32, #tpu.memory_space<vmem>>[vector<16xi32>, vector<16xi32>], vector<16xf32>,
    %add3A_893 = arith.constant 722 : i32
    %add3A_894 = vector.broadcast %add3A_893 : i32 to vector<16xi32>
    %add3A_895 = arith.addi %add3A_894, %add3A_889 : vector<16xi32>
    tpu.vector_store_idx %arg5[%add3A_880, %add3A_895], %broadcast_in_dim3A_7 : memref<32x1805xf32, #tpu.memory_space<vmem>>[vector<16xi32>, vector<16xi32>], vector<16xf32>,
    %add3A_896 = arith.constant 16 : i32
    %add3A_897 = vector.broadcast %add3A_896 : i32 to vector<16xi32>
    %add3A_898 = arith.addi %add3A_897, %iota3A : vector<16xi32>
    %add3A_899 = arith.constant 336 : i32
    %add3A_900 = vector.broadcast %add3A_899 : i32 to vector<16xi32>
    %add3A_901 = arith.addi %add3A_900, %iota3A : vector<16xi32>
    %gather3A_902 = tpu.vector_load_idx %arg4[%add3A_901, %broadcast_in_dim3A_3] : memref<512x2xi32, #tpu.memory_space<vmem>>[vector<16xi32>, vector<16xi32>], vector<16xi32>,
    %gather3A_903 = tpu.vector_load_idx %arg4[%add3A_901, %broadcast_in_dim3A_5] : memref<512x2xi32, #tpu.memory_space<vmem>>[vector<16xi32>, vector<16xi32>], vector<16xi32>,
    %mul3A_904 = arith.constant 19 : i32
    %mul3A_905 = vector.broadcast %mul3A_904 : i32 to vector<16xi32>
    %mul3A_906 = arith.muli %gather3A_902, %mul3A_905 : vector<16xi32>
    %add3A_907 = arith.addi %mul3A_906, %gather3A_903 : vector<16xi32>
    %add3A_908 = arith.constant 361 : i32
    %add3A_909 = vector.broadcast %add3A_908 : i32 to vector<16xi32>
    %add3A_910 = arith.addi %add3A_909, %add3A_907 : vector<16xi32>
    tpu.vector_store_idx %arg5[%add3A_898, %add3A_910], %broadcast_in_dim3A_9 : memref<32x1805xf32, #tpu.memory_space<vmem>>[vector<16xi32>, vector<16xi32>], vector<16xf32>,
    %add3A_911 = arith.constant 722 : i32
    %add3A_912 = vector.broadcast %add3A_911 : i32 to vector<16xi32>
    %add3A_913 = arith.addi %add3A_912, %add3A_907 : vector<16xi32>
    tpu.vector_store_idx %arg5[%add3A_898, %add3A_913], %broadcast_in_dim3A_7 : memref<32x1805xf32, #tpu.memory_space<vmem>>[vector<16xi32>, vector<16xi32>], vector<16xf32>,
    %add3A_914 = arith.constant 0 : i32
    %add3A_915 = vector.broadcast %add3A_914 : i32 to vector<16xi32>
    %add3A_916 = arith.addi %add3A_915, %iota3A : vector<16xi32>
    %add3A_917 = arith.constant 352 : i32
    %add3A_918 = vector.broadcast %add3A_917 : i32 to vector<16xi32>
    %add3A_919 = arith.addi %add3A_918, %iota3A : vector<16xi32>
    %gather3A_920 = tpu.vector_load_idx %arg4[%add3A_919, %broadcast_in_dim3A_3] : memref<512x2xi32, #tpu.memory_space<vmem>>[vector<16xi32>, vector<16xi32>], vector<16xi32>,
    %gather3A_921 = tpu.vector_load_idx %arg4[%add3A_919, %broadcast_in_dim3A_5] : memref<512x2xi32, #tpu.memory_space<vmem>>[vector<16xi32>, vector<16xi32>], vector<16xi32>,
    %mul3A_922 = arith.constant 19 : i32
    %mul3A_923 = vector.broadcast %mul3A_922 : i32 to vector<16xi32>
    %mul3A_924 = arith.muli %gather3A_920, %mul3A_923 : vector<16xi32>
    %add3A_925 = arith.addi %mul3A_924, %gather3A_921 : vector<16xi32>
    %add3A_926 = arith.constant 361 : i32
    %add3A_927 = vector.broadcast %add3A_926 : i32 to vector<16xi32>
    %add3A_928 = arith.addi %add3A_927, %add3A_925 : vector<16xi32>
    tpu.vector_store_idx %arg5[%add3A_916, %add3A_928], %broadcast_in_dim3A_7 : memref<32x1805xf32, #tpu.memory_space<vmem>>[vector<16xi32>, vector<16xi32>], vector<16xf32>,
    %add3A_929 = arith.constant 722 : i32
    %add3A_930 = vector.broadcast %add3A_929 : i32 to vector<16xi32>
    %add3A_931 = arith.addi %add3A_930, %add3A_925 : vector<16xi32>
    tpu.vector_store_idx %arg5[%add3A_916, %add3A_931], %broadcast_in_dim3A_9 : memref<32x1805xf32, #tpu.memory_space<vmem>>[vector<16xi32>, vector<16xi32>], vector<16xf32>,
    %add3A_932 = arith.constant 16 : i32
    %add3A_933 = vector.broadcast %add3A_932 : i32 to vector<16xi32>
    %add3A_934 = arith.addi %add3A_933, %iota3A : vector<16xi32>
    %add3A_935 = arith.constant 368 : i32
    %add3A_936 = vector.broadcast %add3A_935 : i32 to vector<16xi32>
    %add3A_937 = arith.addi %add3A_936, %iota3A : vector<16xi32>
    %gather3A_938 = tpu.vector_load_idx %arg4[%add3A_937, %broadcast_in_dim3A_3] : memref<512x2xi32, #tpu.memory_space<vmem>>[vector<16xi32>, vector<16xi32>], vector<16xi32>,
    %gather3A_939 = tpu.vector_load_idx %arg4[%add3A_937, %broadcast_in_dim3A_5] : memref<512x2xi32, #tpu.memory_space<vmem>>[vector<16xi32>, vector<16xi32>], vector<16xi32>,
    %mul3A_940 = arith.constant 19 : i32
    %mul3A_941 = vector.broadcast %mul3A_940 : i32 to vector<16xi32>
    %mul3A_942 = arith.muli %gather3A_938, %mul3A_941 : vector<16xi32>
    %add3A_943 = arith.addi %mul3A_942, %gather3A_939 : vector<16xi32>
    %add3A_944 = arith.constant 361 : i32
    %add3A_945 = vector.broadcast %add3A_944 : i32 to vector<16xi32>
    %add3A_946 = arith.addi %add3A_945, %add3A_943 : vector<16xi32>
    tpu.vector_store_idx %arg5[%add3A_934, %add3A_946], %broadcast_in_dim3A_7 : memref<32x1805xf32, #tpu.memory_space<vmem>>[vector<16xi32>, vector<16xi32>], vector<16xf32>,
    %add3A_947 = arith.constant 722 : i32
    %add3A_948 = vector.broadcast %add3A_947 : i32 to vector<16xi32>
    %add3A_949 = arith.addi %add3A_948, %add3A_943 : vector<16xi32>
    tpu.vector_store_idx %arg5[%add3A_934, %add3A_949], %broadcast_in_dim3A_9 : memref<32x1805xf32, #tpu.memory_space<vmem>>[vector<16xi32>, vector<16xi32>], vector<16xf32>,
    %add3A_950 = arith.constant 352 : i32
    %add3A_951 = arith.addi %mul3A_2, %add3A_950 : i32
    %dma_start3A_952 = arith.constant 0 : i32
    %dma_start3A_953 = tpu.memref_slice %arg3[%add3A_951, %dma_start3A_952] : memref<16384x1805xf32, #tpu.memory_space<hbm>> -> memref<32x1805xf32, #tpu.memory_space<hbm>>
    %dma_start3A_954 = arith.constant 0 : i32
    %dma_start3A_955 = tpu.memref_slice %arg3[%add3A_951, %dma_start3A_954] : memref<16384x1805xf32, #tpu.memory_space<hbm>> -> memref<32x1805xf32, #tpu.memory_space<hbm>>
    tpu.enqueue_dma source(%arg5 : memref<32x1805xf32, #tpu.memory_space<vmem>>) target(%dma_start3A_955 : memref<32x1805xf32, #tpu.memory_space<hbm>>) target_semaphore(%arg6 : memref<!tpu.dma_semaphore, #tpu.memory_space<semaphore_mem>>)
    %dma_wait3A_956 = arith.constant 0 : i32
    %dma_wait3A_957 = tpu.memref_slice %arg3[%add3A_951, %dma_wait3A_956] : memref<16384x1805xf32, #tpu.memory_space<hbm>> -> memref<32x1805xf32, #tpu.memory_space<hbm>>
    %dma_wait3A_958 = arith.constant 0 : i32
    %dma_wait3A_959 = tpu.memref_slice %arg3[%add3A_951, %dma_wait3A_958] : memref<16384x1805xf32, #tpu.memory_space<hbm>> -> memref<32x1805xf32, #tpu.memory_space<hbm>>
    tpu.wait_dma2 semaphore(%arg6 : memref<!tpu.dma_semaphore, #tpu.memory_space<semaphore_mem>>) src(%arg5 : memref<32x1805xf32, #tpu.memory_space<vmem>>) dst(%dma_wait3A_959 : memref<32x1805xf32, #tpu.memory_space<hbm>>)
    %add3A_960 = arith.constant 0 : i32
    %add3A_961 = vector.broadcast %add3A_960 : i32 to vector<16xi32>
    %add3A_962 = arith.addi %add3A_961, %iota3A : vector<16xi32>
    %add3A_963 = arith.constant 352 : i32
    %add3A_964 = vector.broadcast %add3A_963 : i32 to vector<16xi32>
    %add3A_965 = arith.addi %add3A_964, %iota3A : vector<16xi32>
    %gather3A_966 = tpu.vector_load_idx %arg4[%add3A_965, %broadcast_in_dim3A_3] : memref<512x2xi32, #tpu.memory_space<vmem>>[vector<16xi32>, vector<16xi32>], vector<16xi32>,
    %gather3A_967 = tpu.vector_load_idx %arg4[%add3A_965, %broadcast_in_dim3A_5] : memref<512x2xi32, #tpu.memory_space<vmem>>[vector<16xi32>, vector<16xi32>], vector<16xi32>,
    %mul3A_968 = arith.constant 19 : i32
    %mul3A_969 = vector.broadcast %mul3A_968 : i32 to vector<16xi32>
    %mul3A_970 = arith.muli %gather3A_966, %mul3A_969 : vector<16xi32>
    %add3A_971 = arith.addi %mul3A_970, %gather3A_967 : vector<16xi32>
    %add3A_972 = arith.constant 361 : i32
    %add3A_973 = vector.broadcast %add3A_972 : i32 to vector<16xi32>
    %add3A_974 = arith.addi %add3A_973, %add3A_971 : vector<16xi32>
    tpu.vector_store_idx %arg5[%add3A_962, %add3A_974], %broadcast_in_dim3A_9 : memref<32x1805xf32, #tpu.memory_space<vmem>>[vector<16xi32>, vector<16xi32>], vector<16xf32>,
    %add3A_975 = arith.constant 722 : i32
    %add3A_976 = vector.broadcast %add3A_975 : i32 to vector<16xi32>
    %add3A_977 = arith.addi %add3A_976, %add3A_971 : vector<16xi32>
    tpu.vector_store_idx %arg5[%add3A_962, %add3A_977], %broadcast_in_dim3A_7 : memref<32x1805xf32, #tpu.memory_space<vmem>>[vector<16xi32>, vector<16xi32>], vector<16xf32>,
    %add3A_978 = arith.constant 16 : i32
    %add3A_979 = vector.broadcast %add3A_978 : i32 to vector<16xi32>
    %add3A_980 = arith.addi %add3A_979, %iota3A : vector<16xi32>
    %add3A_981 = arith.constant 368 : i32
    %add3A_982 = vector.broadcast %add3A_981 : i32 to vector<16xi32>
    %add3A_983 = arith.addi %add3A_982, %iota3A : vector<16xi32>
    %gather3A_984 = tpu.vector_load_idx %arg4[%add3A_983, %broadcast_in_dim3A_3] : memref<512x2xi32, #tpu.memory_space<vmem>>[vector<16xi32>, vector<16xi32>], vector<16xi32>,
    %gather3A_985 = tpu.vector_load_idx %arg4[%add3A_983, %broadcast_in_dim3A_5] : memref<512x2xi32, #tpu.memory_space<vmem>>[vector<16xi32>, vector<16xi32>], vector<16xi32>,
    %mul3A_986 = arith.constant 19 : i32
    %mul3A_987 = vector.broadcast %mul3A_986 : i32 to vector<16xi32>
    %mul3A_988 = arith.muli %gather3A_984, %mul3A_987 : vector<16xi32>
    %add3A_989 = arith.addi %mul3A_988, %gather3A_985 : vector<16xi32>
    %add3A_990 = arith.constant 361 : i32
    %add3A_991 = vector.broadcast %add3A_990 : i32 to vector<16xi32>
    %add3A_992 = arith.addi %add3A_991, %add3A_989 : vector<16xi32>
    tpu.vector_store_idx %arg5[%add3A_980, %add3A_992], %broadcast_in_dim3A_9 : memref<32x1805xf32, #tpu.memory_space<vmem>>[vector<16xi32>, vector<16xi32>], vector<16xf32>,
    %add3A_993 = arith.constant 722 : i32
    %add3A_994 = vector.broadcast %add3A_993 : i32 to vector<16xi32>
    %add3A_995 = arith.addi %add3A_994, %add3A_989 : vector<16xi32>
    tpu.vector_store_idx %arg5[%add3A_980, %add3A_995], %broadcast_in_dim3A_7 : memref<32x1805xf32, #tpu.memory_space<vmem>>[vector<16xi32>, vector<16xi32>], vector<16xf32>,
    %add3A_996 = arith.constant 0 : i32
    %add3A_997 = vector.broadcast %add3A_996 : i32 to vector<16xi32>
    %add3A_998 = arith.addi %add3A_997, %iota3A : vector<16xi32>
    %add3A_999 = arith.constant 384 : i32
    %add3A_1000 = vector.broadcast %add3A_999 : i32 to vector<16xi32>
    %add3A_1001 = arith.addi %add3A_1000, %iota3A : vector<16xi32>
    %gather3A_1002 = tpu.vector_load_idx %arg4[%add3A_1001, %broadcast_in_dim3A_3] : memref<512x2xi32, #tpu.memory_space<vmem>>[vector<16xi32>, vector<16xi32>], vector<16xi32>,
    %gather3A_1003 = tpu.vector_load_idx %arg4[%add3A_1001, %broadcast_in_dim3A_5] : memref<512x2xi32, #tpu.memory_space<vmem>>[vector<16xi32>, vector<16xi32>], vector<16xi32>,
    %mul3A_1004 = arith.constant 19 : i32
    %mul3A_1005 = vector.broadcast %mul3A_1004 : i32 to vector<16xi32>
    %mul3A_1006 = arith.muli %gather3A_1002, %mul3A_1005 : vector<16xi32>
    %add3A_1007 = arith.addi %mul3A_1006, %gather3A_1003 : vector<16xi32>
    %add3A_1008 = arith.constant 361 : i32
    %add3A_1009 = vector.broadcast %add3A_1008 : i32 to vector<16xi32>
    %add3A_1010 = arith.addi %add3A_1009, %add3A_1007 : vector<16xi32>
    tpu.vector_store_idx %arg5[%add3A_998, %add3A_1010], %broadcast_in_dim3A_7 : memref<32x1805xf32, #tpu.memory_space<vmem>>[vector<16xi32>, vector<16xi32>], vector<16xf32>,
    %add3A_1011 = arith.constant 722 : i32
    %add3A_1012 = vector.broadcast %add3A_1011 : i32 to vector<16xi32>
    %add3A_1013 = arith.addi %add3A_1012, %add3A_1007 : vector<16xi32>
    tpu.vector_store_idx %arg5[%add3A_998, %add3A_1013], %broadcast_in_dim3A_9 : memref<32x1805xf32, #tpu.memory_space<vmem>>[vector<16xi32>, vector<16xi32>], vector<16xf32>,
    %add3A_1014 = arith.constant 16 : i32
    %add3A_1015 = vector.broadcast %add3A_1014 : i32 to vector<16xi32>
    %add3A_1016 = arith.addi %add3A_1015, %iota3A : vector<16xi32>
    %add3A_1017 = arith.constant 400 : i32
    %add3A_1018 = vector.broadcast %add3A_1017 : i32 to vector<16xi32>
    %add3A_1019 = arith.addi %add3A_1018, %iota3A : vector<16xi32>
    %gather3A_1020 = tpu.vector_load_idx %arg4[%add3A_1019, %broadcast_in_dim3A_3] : memref<512x2xi32, #tpu.memory_space<vmem>>[vector<16xi32>, vector<16xi32>], vector<16xi32>,
    %gather3A_1021 = tpu.vector_load_idx %arg4[%add3A_1019, %broadcast_in_dim3A_5] : memref<512x2xi32, #tpu.memory_space<vmem>>[vector<16xi32>, vector<16xi32>], vector<16xi32>,
    %mul3A_1022 = arith.constant 19 : i32
    %mul3A_1023 = vector.broadcast %mul3A_1022 : i32 to vector<16xi32>
    %mul3A_1024 = arith.muli %gather3A_1020, %mul3A_1023 : vector<16xi32>
    %add3A_1025 = arith.addi %mul3A_1024, %gather3A_1021 : vector<16xi32>
    %add3A_1026 = arith.constant 361 : i32
    %add3A_1027 = vector.broadcast %add3A_1026 : i32 to vector<16xi32>
    %add3A_1028 = arith.addi %add3A_1027, %add3A_1025 : vector<16xi32>
    tpu.vector_store_idx %arg5[%add3A_1016, %add3A_1028], %broadcast_in_dim3A_7 : memref<32x1805xf32, #tpu.memory_space<vmem>>[vector<16xi32>, vector<16xi32>], vector<16xf32>,
    %add3A_1029 = arith.constant 722 : i32
    %add3A_1030 = vector.broadcast %add3A_1029 : i32 to vector<16xi32>
    %add3A_1031 = arith.addi %add3A_1030, %add3A_1025 : vector<16xi32>
    tpu.vector_store_idx %arg5[%add3A_1016, %add3A_1031], %broadcast_in_dim3A_9 : memref<32x1805xf32, #tpu.memory_space<vmem>>[vector<16xi32>, vector<16xi32>], vector<16xf32>,
    %add3A_1032 = arith.constant 384 : i32
    %add3A_1033 = arith.addi %mul3A_2, %add3A_1032 : i32
    %dma_start3A_1034 = arith.constant 0 : i32
    %dma_start3A_1035 = tpu.memref_slice %arg3[%add3A_1033, %dma_start3A_1034] : memref<16384x1805xf32, #tpu.memory_space<hbm>> -> memref<32x1805xf32, #tpu.memory_space<hbm>>
    %dma_start3A_1036 = arith.constant 0 : i32
    %dma_start3A_1037 = tpu.memref_slice %arg3[%add3A_1033, %dma_start3A_1036] : memref<16384x1805xf32, #tpu.memory_space<hbm>> -> memref<32x1805xf32, #tpu.memory_space<hbm>>
    tpu.enqueue_dma source(%arg5 : memref<32x1805xf32, #tpu.memory_space<vmem>>) target(%dma_start3A_1037 : memref<32x1805xf32, #tpu.memory_space<hbm>>) target_semaphore(%arg6 : memref<!tpu.dma_semaphore, #tpu.memory_space<semaphore_mem>>)
    %dma_wait3A_1038 = arith.constant 0 : i32
    %dma_wait3A_1039 = tpu.memref_slice %arg3[%add3A_1033, %dma_wait3A_1038] : memref<16384x1805xf32, #tpu.memory_space<hbm>> -> memref<32x1805xf32, #tpu.memory_space<hbm>>
    %dma_wait3A_1040 = arith.constant 0 : i32
    %dma_wait3A_1041 = tpu.memref_slice %arg3[%add3A_1033, %dma_wait3A_1040] : memref<16384x1805xf32, #tpu.memory_space<hbm>> -> memref<32x1805xf32, #tpu.memory_space<hbm>>
    tpu.wait_dma2 semaphore(%arg6 : memref<!tpu.dma_semaphore, #tpu.memory_space<semaphore_mem>>) src(%arg5 : memref<32x1805xf32, #tpu.memory_space<vmem>>) dst(%dma_wait3A_1041 : memref<32x1805xf32, #tpu.memory_space<hbm>>)
    %add3A_1042 = arith.constant 0 : i32
    %add3A_1043 = vector.broadcast %add3A_1042 : i32 to vector<16xi32>
    %add3A_1044 = arith.addi %add3A_1043, %iota3A : vector<16xi32>
    %add3A_1045 = arith.constant 384 : i32
    %add3A_1046 = vector.broadcast %add3A_1045 : i32 to vector<16xi32>
    %add3A_1047 = arith.addi %add3A_1046, %iota3A : vector<16xi32>
    %gather3A_1048 = tpu.vector_load_idx %arg4[%add3A_1047, %broadcast_in_dim3A_3] : memref<512x2xi32, #tpu.memory_space<vmem>>[vector<16xi32>, vector<16xi32>], vector<16xi32>,
    %gather3A_1049 = tpu.vector_load_idx %arg4[%add3A_1047, %broadcast_in_dim3A_5] : memref<512x2xi32, #tpu.memory_space<vmem>>[vector<16xi32>, vector<16xi32>], vector<16xi32>,
    %mul3A_1050 = arith.constant 19 : i32
    %mul3A_1051 = vector.broadcast %mul3A_1050 : i32 to vector<16xi32>
    %mul3A_1052 = arith.muli %gather3A_1048, %mul3A_1051 : vector<16xi32>
    %add3A_1053 = arith.addi %mul3A_1052, %gather3A_1049 : vector<16xi32>
    %add3A_1054 = arith.constant 361 : i32
    %add3A_1055 = vector.broadcast %add3A_1054 : i32 to vector<16xi32>
    %add3A_1056 = arith.addi %add3A_1055, %add3A_1053 : vector<16xi32>
    tpu.vector_store_idx %arg5[%add3A_1044, %add3A_1056], %broadcast_in_dim3A_9 : memref<32x1805xf32, #tpu.memory_space<vmem>>[vector<16xi32>, vector<16xi32>], vector<16xf32>,
    %add3A_1057 = arith.constant 722 : i32
    %add3A_1058 = vector.broadcast %add3A_1057 : i32 to vector<16xi32>
    %add3A_1059 = arith.addi %add3A_1058, %add3A_1053 : vector<16xi32>
    tpu.vector_store_idx %arg5[%add3A_1044, %add3A_1059], %broadcast_in_dim3A_7 : memref<32x1805xf32, #tpu.memory_space<vmem>>[vector<16xi32>, vector<16xi32>], vector<16xf32>,
    %add3A_1060 = arith.constant 16 : i32
    %add3A_1061 = vector.broadcast %add3A_1060 : i32 to vector<16xi32>
    %add3A_1062 = arith.addi %add3A_1061, %iota3A : vector<16xi32>
    %add3A_1063 = arith.constant 400 : i32
    %add3A_1064 = vector.broadcast %add3A_1063 : i32 to vector<16xi32>
    %add3A_1065 = arith.addi %add3A_1064, %iota3A : vector<16xi32>
    %gather3A_1066 = tpu.vector_load_idx %arg4[%add3A_1065, %broadcast_in_dim3A_3] : memref<512x2xi32, #tpu.memory_space<vmem>>[vector<16xi32>, vector<16xi32>], vector<16xi32>,
    %gather3A_1067 = tpu.vector_load_idx %arg4[%add3A_1065, %broadcast_in_dim3A_5] : memref<512x2xi32, #tpu.memory_space<vmem>>[vector<16xi32>, vector<16xi32>], vector<16xi32>,
    %mul3A_1068 = arith.constant 19 : i32
    %mul3A_1069 = vector.broadcast %mul3A_1068 : i32 to vector<16xi32>
    %mul3A_1070 = arith.muli %gather3A_1066, %mul3A_1069 : vector<16xi32>
    %add3A_1071 = arith.addi %mul3A_1070, %gather3A_1067 : vector<16xi32>
    %add3A_1072 = arith.constant 361 : i32
    %add3A_1073 = vector.broadcast %add3A_1072 : i32 to vector<16xi32>
    %add3A_1074 = arith.addi %add3A_1073, %add3A_1071 : vector<16xi32>
    tpu.vector_store_idx %arg5[%add3A_1062, %add3A_1074], %broadcast_in_dim3A_9 : memref<32x1805xf32, #tpu.memory_space<vmem>>[vector<16xi32>, vector<16xi32>], vector<16xf32>,
    %add3A_1075 = arith.constant 722 : i32
    %add3A_1076 = vector.broadcast %add3A_1075 : i32 to vector<16xi32>
    %add3A_1077 = arith.addi %add3A_1076, %add3A_1071 : vector<16xi32>
    tpu.vector_store_idx %arg5[%add3A_1062, %add3A_1077], %broadcast_in_dim3A_7 : memref<32x1805xf32, #tpu.memory_space<vmem>>[vector<16xi32>, vector<16xi32>], vector<16xf32>,
    %add3A_1078 = arith.constant 0 : i32
    %add3A_1079 = vector.broadcast %add3A_1078 : i32 to vector<16xi32>
    %add3A_1080 = arith.addi %add3A_1079, %iota3A : vector<16xi32>
    %add3A_1081 = arith.constant 416 : i32
    %add3A_1082 = vector.broadcast %add3A_1081 : i32 to vector<16xi32>
    %add3A_1083 = arith.addi %add3A_1082, %iota3A : vector<16xi32>
    %gather3A_1084 = tpu.vector_load_idx %arg4[%add3A_1083, %broadcast_in_dim3A_3] : memref<512x2xi32, #tpu.memory_space<vmem>>[vector<16xi32>, vector<16xi32>], vector<16xi32>,
    %gather3A_1085 = tpu.vector_load_idx %arg4[%add3A_1083, %broadcast_in_dim3A_5] : memref<512x2xi32, #tpu.memory_space<vmem>>[vector<16xi32>, vector<16xi32>], vector<16xi32>,
    %mul3A_1086 = arith.constant 19 : i32
    %mul3A_1087 = vector.broadcast %mul3A_1086 : i32 to vector<16xi32>
    %mul3A_1088 = arith.muli %gather3A_1084, %mul3A_1087 : vector<16xi32>
    %add3A_1089 = arith.addi %mul3A_1088, %gather3A_1085 : vector<16xi32>
    %add3A_1090 = arith.constant 361 : i32
    %add3A_1091 = vector.broadcast %add3A_1090 : i32 to vector<16xi32>
    %add3A_1092 = arith.addi %add3A_1091, %add3A_1089 : vector<16xi32>
    tpu.vector_store_idx %arg5[%add3A_1080, %add3A_1092], %broadcast_in_dim3A_7 : memref<32x1805xf32, #tpu.memory_space<vmem>>[vector<16xi32>, vector<16xi32>], vector<16xf32>,
    %add3A_1093 = arith.constant 722 : i32
    %add3A_1094 = vector.broadcast %add3A_1093 : i32 to vector<16xi32>
    %add3A_1095 = arith.addi %add3A_1094, %add3A_1089 : vector<16xi32>
    tpu.vector_store_idx %arg5[%add3A_1080, %add3A_1095], %broadcast_in_dim3A_9 : memref<32x1805xf32, #tpu.memory_space<vmem>>[vector<16xi32>, vector<16xi32>], vector<16xf32>,
    %add3A_1096 = arith.constant 16 : i32
    %add3A_1097 = vector.broadcast %add3A_1096 : i32 to vector<16xi32>
    %add3A_1098 = arith.addi %add3A_1097, %iota3A : vector<16xi32>
    %add3A_1099 = arith.constant 432 : i32
    %add3A_1100 = vector.broadcast %add3A_1099 : i32 to vector<16xi32>
    %add3A_1101 = arith.addi %add3A_1100, %iota3A : vector<16xi32>
    %gather3A_1102 = tpu.vector_load_idx %arg4[%add3A_1101, %broadcast_in_dim3A_3] : memref<512x2xi32, #tpu.memory_space<vmem>>[vector<16xi32>, vector<16xi32>], vector<16xi32>,
    %gather3A_1103 = tpu.vector_load_idx %arg4[%add3A_1101, %broadcast_in_dim3A_5] : memref<512x2xi32, #tpu.memory_space<vmem>>[vector<16xi32>, vector<16xi32>], vector<16xi32>,
    %mul3A_1104 = arith.constant 19 : i32
    %mul3A_1105 = vector.broadcast %mul3A_1104 : i32 to vector<16xi32>
    %mul3A_1106 = arith.muli %gather3A_1102, %mul3A_1105 : vector<16xi32>
    %add3A_1107 = arith.addi %mul3A_1106, %gather3A_1103 : vector<16xi32>
    %add3A_1108 = arith.constant 361 : i32
    %add3A_1109 = vector.broadcast %add3A_1108 : i32 to vector<16xi32>
    %add3A_1110 = arith.addi %add3A_1109, %add3A_1107 : vector<16xi32>
    tpu.vector_store_idx %arg5[%add3A_1098, %add3A_1110], %broadcast_in_dim3A_7 : memref<32x1805xf32, #tpu.memory_space<vmem>>[vector<16xi32>, vector<16xi32>], vector<16xf32>,
    %add3A_1111 = arith.constant 722 : i32
    %add3A_1112 = vector.broadcast %add3A_1111 : i32 to vector<16xi32>
    %add3A_1113 = arith.addi %add3A_1112, %add3A_1107 : vector<16xi32>
    tpu.vector_store_idx %arg5[%add3A_1098, %add3A_1113], %broadcast_in_dim3A_9 : memref<32x1805xf32, #tpu.memory_space<vmem>>[vector<16xi32>, vector<16xi32>], vector<16xf32>,
    %add3A_1114 = arith.constant 416 : i32
    %add3A_1115 = arith.addi %mul3A_2, %add3A_1114 : i32
    %dma_start3A_1116 = arith.constant 0 : i32
    %dma_start3A_1117 = tpu.memref_slice %arg3[%add3A_1115, %dma_start3A_1116] : memref<16384x1805xf32, #tpu.memory_space<hbm>> -> memref<32x1805xf32, #tpu.memory_space<hbm>>
    %dma_start3A_1118 = arith.constant 0 : i32
    %dma_start3A_1119 = tpu.memref_slice %arg3[%add3A_1115, %dma_start3A_1118] : memref<16384x1805xf32, #tpu.memory_space<hbm>> -> memref<32x1805xf32, #tpu.memory_space<hbm>>
    tpu.enqueue_dma source(%arg5 : memref<32x1805xf32, #tpu.memory_space<vmem>>) target(%dma_start3A_1119 : memref<32x1805xf32, #tpu.memory_space<hbm>>) target_semaphore(%arg6 : memref<!tpu.dma_semaphore, #tpu.memory_space<semaphore_mem>>)
    %dma_wait3A_1120 = arith.constant 0 : i32
    %dma_wait3A_1121 = tpu.memref_slice %arg3[%add3A_1115, %dma_wait3A_1120] : memref<16384x1805xf32, #tpu.memory_space<hbm>> -> memref<32x1805xf32, #tpu.memory_space<hbm>>
    %dma_wait3A_1122 = arith.constant 0 : i32
    %dma_wait3A_1123 = tpu.memref_slice %arg3[%add3A_1115, %dma_wait3A_1122] : memref<16384x1805xf32, #tpu.memory_space<hbm>> -> memref<32x1805xf32, #tpu.memory_space<hbm>>
    tpu.wait_dma2 semaphore(%arg6 : memref<!tpu.dma_semaphore, #tpu.memory_space<semaphore_mem>>) src(%arg5 : memref<32x1805xf32, #tpu.memory_space<vmem>>) dst(%dma_wait3A_1123 : memref<32x1805xf32, #tpu.memory_space<hbm>>)
    %add3A_1124 = arith.constant 0 : i32
    %add3A_1125 = vector.broadcast %add3A_1124 : i32 to vector<16xi32>
    %add3A_1126 = arith.addi %add3A_1125, %iota3A : vector<16xi32>
    %add3A_1127 = arith.constant 416 : i32
    %add3A_1128 = vector.broadcast %add3A_1127 : i32 to vector<16xi32>
    %add3A_1129 = arith.addi %add3A_1128, %iota3A : vector<16xi32>
    %gather3A_1130 = tpu.vector_load_idx %arg4[%add3A_1129, %broadcast_in_dim3A_3] : memref<512x2xi32, #tpu.memory_space<vmem>>[vector<16xi32>, vector<16xi32>], vector<16xi32>,
    %gather3A_1131 = tpu.vector_load_idx %arg4[%add3A_1129, %broadcast_in_dim3A_5] : memref<512x2xi32, #tpu.memory_space<vmem>>[vector<16xi32>, vector<16xi32>], vector<16xi32>,
    %mul3A_1132 = arith.constant 19 : i32
    %mul3A_1133 = vector.broadcast %mul3A_1132 : i32 to vector<16xi32>
    %mul3A_1134 = arith.muli %gather3A_1130, %mul3A_1133 : vector<16xi32>
    %add3A_1135 = arith.addi %mul3A_1134, %gather3A_1131 : vector<16xi32>
    %add3A_1136 = arith.constant 361 : i32
    %add3A_1137 = vector.broadcast %add3A_1136 : i32 to vector<16xi32>
    %add3A_1138 = arith.addi %add3A_1137, %add3A_1135 : vector<16xi32>
    tpu.vector_store_idx %arg5[%add3A_1126, %add3A_1138], %broadcast_in_dim3A_9 : memref<32x1805xf32, #tpu.memory_space<vmem>>[vector<16xi32>, vector<16xi32>], vector<16xf32>,
    %add3A_1139 = arith.constant 722 : i32
    %add3A_1140 = vector.broadcast %add3A_1139 : i32 to vector<16xi32>
    %add3A_1141 = arith.addi %add3A_1140, %add3A_1135 : vector<16xi32>
    tpu.vector_store_idx %arg5[%add3A_1126, %add3A_1141], %broadcast_in_dim3A_7 : memref<32x1805xf32, #tpu.memory_space<vmem>>[vector<16xi32>, vector<16xi32>], vector<16xf32>,
    %add3A_1142 = arith.constant 16 : i32
    %add3A_1143 = vector.broadcast %add3A_1142 : i32 to vector<16xi32>
    %add3A_1144 = arith.addi %add3A_1143, %iota3A : vector<16xi32>
    %add3A_1145 = arith.constant 432 : i32
    %add3A_1146 = vector.broadcast %add3A_1145 : i32 to vector<16xi32>
    %add3A_1147 = arith.addi %add3A_1146, %iota3A : vector<16xi32>
    %gather3A_1148 = tpu.vector_load_idx %arg4[%add3A_1147, %broadcast_in_dim3A_3] : memref<512x2xi32, #tpu.memory_space<vmem>>[vector<16xi32>, vector<16xi32>], vector<16xi32>,
    %gather3A_1149 = tpu.vector_load_idx %arg4[%add3A_1147, %broadcast_in_dim3A_5] : memref<512x2xi32, #tpu.memory_space<vmem>>[vector<16xi32>, vector<16xi32>], vector<16xi32>,
    %mul3A_1150 = arith.constant 19 : i32
    %mul3A_1151 = vector.broadcast %mul3A_1150 : i32 to vector<16xi32>
    %mul3A_1152 = arith.muli %gather3A_1148, %mul3A_1151 : vector<16xi32>
    %add3A_1153 = arith.addi %mul3A_1152, %gather3A_1149 : vector<16xi32>
    %add3A_1154 = arith.constant 361 : i32
    %add3A_1155 = vector.broadcast %add3A_1154 : i32 to vector<16xi32>
    %add3A_1156 = arith.addi %add3A_1155, %add3A_1153 : vector<16xi32>
    tpu.vector_store_idx %arg5[%add3A_1144, %add3A_1156], %broadcast_in_dim3A_9 : memref<32x1805xf32, #tpu.memory_space<vmem>>[vector<16xi32>, vector<16xi32>], vector<16xf32>,
    %add3A_1157 = arith.constant 722 : i32
    %add3A_1158 = vector.broadcast %add3A_1157 : i32 to vector<16xi32>
    %add3A_1159 = arith.addi %add3A_1158, %add3A_1153 : vector<16xi32>
    tpu.vector_store_idx %arg5[%add3A_1144, %add3A_1159], %broadcast_in_dim3A_7 : memref<32x1805xf32, #tpu.memory_space<vmem>>[vector<16xi32>, vector<16xi32>], vector<16xf32>,
    %add3A_1160 = arith.constant 0 : i32
    %add3A_1161 = vector.broadcast %add3A_1160 : i32 to vector<16xi32>
    %add3A_1162 = arith.addi %add3A_1161, %iota3A : vector<16xi32>
    %add3A_1163 = arith.constant 448 : i32
    %add3A_1164 = vector.broadcast %add3A_1163 : i32 to vector<16xi32>
    %add3A_1165 = arith.addi %add3A_1164, %iota3A : vector<16xi32>
    %gather3A_1166 = tpu.vector_load_idx %arg4[%add3A_1165, %broadcast_in_dim3A_3] : memref<512x2xi32, #tpu.memory_space<vmem>>[vector<16xi32>, vector<16xi32>], vector<16xi32>,
    %gather3A_1167 = tpu.vector_load_idx %arg4[%add3A_1165, %broadcast_in_dim3A_5] : memref<512x2xi32, #tpu.memory_space<vmem>>[vector<16xi32>, vector<16xi32>], vector<16xi32>,
    %mul3A_1168 = arith.constant 19 : i32
    %mul3A_1169 = vector.broadcast %mul3A_1168 : i32 to vector<16xi32>
    %mul3A_1170 = arith.muli %gather3A_1166, %mul3A_1169 : vector<16xi32>
    %add3A_1171 = arith.addi %mul3A_1170, %gather3A_1167 : vector<16xi32>
    %add3A_1172 = arith.constant 361 : i32
    %add3A_1173 = vector.broadcast %add3A_1172 : i32 to vector<16xi32>
    %add3A_1174 = arith.addi %add3A_1173, %add3A_1171 : vector<16xi32>
    tpu.vector_store_idx %arg5[%add3A_1162, %add3A_1174], %broadcast_in_dim3A_7 : memref<32x1805xf32, #tpu.memory_space<vmem>>[vector<16xi32>, vector<16xi32>], vector<16xf32>,
    %add3A_1175 = arith.constant 722 : i32
    %add3A_1176 = vector.broadcast %add3A_1175 : i32 to vector<16xi32>
    %add3A_1177 = arith.addi %add3A_1176, %add3A_1171 : vector<16xi32>
    tpu.vector_store_idx %arg5[%add3A_1162, %add3A_1177], %broadcast_in_dim3A_9 : memref<32x1805xf32, #tpu.memory_space<vmem>>[vector<16xi32>, vector<16xi32>], vector<16xf32>,
    %add3A_1178 = arith.constant 16 : i32
    %add3A_1179 = vector.broadcast %add3A_1178 : i32 to vector<16xi32>
    %add3A_1180 = arith.addi %add3A_1179, %iota3A : vector<16xi32>
    %add3A_1181 = arith.constant 464 : i32
    %add3A_1182 = vector.broadcast %add3A_1181 : i32 to vector<16xi32>
    %add3A_1183 = arith.addi %add3A_1182, %iota3A : vector<16xi32>
    %gather3A_1184 = tpu.vector_load_idx %arg4[%add3A_1183, %broadcast_in_dim3A_3] : memref<512x2xi32, #tpu.memory_space<vmem>>[vector<16xi32>, vector<16xi32>], vector<16xi32>,
    %gather3A_1185 = tpu.vector_load_idx %arg4[%add3A_1183, %broadcast_in_dim3A_5] : memref<512x2xi32, #tpu.memory_space<vmem>>[vector<16xi32>, vector<16xi32>], vector<16xi32>,
    %mul3A_1186 = arith.constant 19 : i32
    %mul3A_1187 = vector.broadcast %mul3A_1186 : i32 to vector<16xi32>
    %mul3A_1188 = arith.muli %gather3A_1184, %mul3A_1187 : vector<16xi32>
    %add3A_1189 = arith.addi %mul3A_1188, %gather3A_1185 : vector<16xi32>
    %add3A_1190 = arith.constant 361 : i32
    %add3A_1191 = vector.broadcast %add3A_1190 : i32 to vector<16xi32>
    %add3A_1192 = arith.addi %add3A_1191, %add3A_1189 : vector<16xi32>
    tpu.vector_store_idx %arg5[%add3A_1180, %add3A_1192], %broadcast_in_dim3A_7 : memref<32x1805xf32, #tpu.memory_space<vmem>>[vector<16xi32>, vector<16xi32>], vector<16xf32>,
    %add3A_1193 = arith.constant 722 : i32
    %add3A_1194 = vector.broadcast %add3A_1193 : i32 to vector<16xi32>
    %add3A_1195 = arith.addi %add3A_1194, %add3A_1189 : vector<16xi32>
    tpu.vector_store_idx %arg5[%add3A_1180, %add3A_1195], %broadcast_in_dim3A_9 : memref<32x1805xf32, #tpu.memory_space<vmem>>[vector<16xi32>, vector<16xi32>], vector<16xf32>,
    %add3A_1196 = arith.constant 448 : i32
    %add3A_1197 = arith.addi %mul3A_2, %add3A_1196 : i32
    %dma_start3A_1198 = arith.constant 0 : i32
    %dma_start3A_1199 = tpu.memref_slice %arg3[%add3A_1197, %dma_start3A_1198] : memref<16384x1805xf32, #tpu.memory_space<hbm>> -> memref<32x1805xf32, #tpu.memory_space<hbm>>
    %dma_start3A_1200 = arith.constant 0 : i32
    %dma_start3A_1201 = tpu.memref_slice %arg3[%add3A_1197, %dma_start3A_1200] : memref<16384x1805xf32, #tpu.memory_space<hbm>> -> memref<32x1805xf32, #tpu.memory_space<hbm>>
    tpu.enqueue_dma source(%arg5 : memref<32x1805xf32, #tpu.memory_space<vmem>>) target(%dma_start3A_1201 : memref<32x1805xf32, #tpu.memory_space<hbm>>) target_semaphore(%arg6 : memref<!tpu.dma_semaphore, #tpu.memory_space<semaphore_mem>>)
    %dma_wait3A_1202 = arith.constant 0 : i32
    %dma_wait3A_1203 = tpu.memref_slice %arg3[%add3A_1197, %dma_wait3A_1202] : memref<16384x1805xf32, #tpu.memory_space<hbm>> -> memref<32x1805xf32, #tpu.memory_space<hbm>>
    %dma_wait3A_1204 = arith.constant 0 : i32
    %dma_wait3A_1205 = tpu.memref_slice %arg3[%add3A_1197, %dma_wait3A_1204] : memref<16384x1805xf32, #tpu.memory_space<hbm>> -> memref<32x1805xf32, #tpu.memory_space<hbm>>
    tpu.wait_dma2 semaphore(%arg6 : memref<!tpu.dma_semaphore, #tpu.memory_space<semaphore_mem>>) src(%arg5 : memref<32x1805xf32, #tpu.memory_space<vmem>>) dst(%dma_wait3A_1205 : memref<32x1805xf32, #tpu.memory_space<hbm>>)
    %add3A_1206 = arith.constant 0 : i32
    %add3A_1207 = vector.broadcast %add3A_1206 : i32 to vector<16xi32>
    %add3A_1208 = arith.addi %add3A_1207, %iota3A : vector<16xi32>
    %add3A_1209 = arith.constant 448 : i32
    %add3A_1210 = vector.broadcast %add3A_1209 : i32 to vector<16xi32>
    %add3A_1211 = arith.addi %add3A_1210, %iota3A : vector<16xi32>
    %gather3A_1212 = tpu.vector_load_idx %arg4[%add3A_1211, %broadcast_in_dim3A_3] : memref<512x2xi32, #tpu.memory_space<vmem>>[vector<16xi32>, vector<16xi32>], vector<16xi32>,
    %gather3A_1213 = tpu.vector_load_idx %arg4[%add3A_1211, %broadcast_in_dim3A_5] : memref<512x2xi32, #tpu.memory_space<vmem>>[vector<16xi32>, vector<16xi32>], vector<16xi32>,
    %mul3A_1214 = arith.constant 19 : i32
    %mul3A_1215 = vector.broadcast %mul3A_1214 : i32 to vector<16xi32>
    %mul3A_1216 = arith.muli %gather3A_1212, %mul3A_1215 : vector<16xi32>
    %add3A_1217 = arith.addi %mul3A_1216, %gather3A_1213 : vector<16xi32>
    %add3A_1218 = arith.constant 361 : i32
    %add3A_1219 = vector.broadcast %add3A_1218 : i32 to vector<16xi32>
    %add3A_1220 = arith.addi %add3A_1219, %add3A_1217 : vector<16xi32>
    tpu.vector_store_idx %arg5[%add3A_1208, %add3A_1220], %broadcast_in_dim3A_9 : memref<32x1805xf32, #tpu.memory_space<vmem>>[vector<16xi32>, vector<16xi32>], vector<16xf32>,
    %add3A_1221 = arith.constant 722 : i32
    %add3A_1222 = vector.broadcast %add3A_1221 : i32 to vector<16xi32>
    %add3A_1223 = arith.addi %add3A_1222, %add3A_1217 : vector<16xi32>
    tpu.vector_store_idx %arg5[%add3A_1208, %add3A_1223], %broadcast_in_dim3A_7 : memref<32x1805xf32, #tpu.memory_space<vmem>>[vector<16xi32>, vector<16xi32>], vector<16xf32>,
    %add3A_1224 = arith.constant 16 : i32
    %add3A_1225 = vector.broadcast %add3A_1224 : i32 to vector<16xi32>
    %add3A_1226 = arith.addi %add3A_1225, %iota3A : vector<16xi32>
    %add3A_1227 = arith.constant 464 : i32
    %add3A_1228 = vector.broadcast %add3A_1227 : i32 to vector<16xi32>
    %add3A_1229 = arith.addi %add3A_1228, %iota3A : vector<16xi32>
    %gather3A_1230 = tpu.vector_load_idx %arg4[%add3A_1229, %broadcast_in_dim3A_3] : memref<512x2xi32, #tpu.memory_space<vmem>>[vector<16xi32>, vector<16xi32>], vector<16xi32>,
    %gather3A_1231 = tpu.vector_load_idx %arg4[%add3A_1229, %broadcast_in_dim3A_5] : memref<512x2xi32, #tpu.memory_space<vmem>>[vector<16xi32>, vector<16xi32>], vector<16xi32>,
    %mul3A_1232 = arith.constant 19 : i32
    %mul3A_1233 = vector.broadcast %mul3A_1232 : i32 to vector<16xi32>
    %mul3A_1234 = arith.muli %gather3A_1230, %mul3A_1233 : vector<16xi32>
    %add3A_1235 = arith.addi %mul3A_1234, %gather3A_1231 : vector<16xi32>
    %add3A_1236 = arith.constant 361 : i32
    %add3A_1237 = vector.broadcast %add3A_1236 : i32 to vector<16xi32>
    %add3A_1238 = arith.addi %add3A_1237, %add3A_1235 : vector<16xi32>
    tpu.vector_store_idx %arg5[%add3A_1226, %add3A_1238], %broadcast_in_dim3A_9 : memref<32x1805xf32, #tpu.memory_space<vmem>>[vector<16xi32>, vector<16xi32>], vector<16xf32>,
    %add3A_1239 = arith.constant 722 : i32
    %add3A_1240 = vector.broadcast %add3A_1239 : i32 to vector<16xi32>
    %add3A_1241 = arith.addi %add3A_1240, %add3A_1235 : vector<16xi32>
    tpu.vector_store_idx %arg5[%add3A_1226, %add3A_1241], %broadcast_in_dim3A_7 : memref<32x1805xf32, #tpu.memory_space<vmem>>[vector<16xi32>, vector<16xi32>], vector<16xf32>,
    %add3A_1242 = arith.constant 0 : i32
    %add3A_1243 = vector.broadcast %add3A_1242 : i32 to vector<16xi32>
    %add3A_1244 = arith.addi %add3A_1243, %iota3A : vector<16xi32>
    %add3A_1245 = arith.constant 480 : i32
    %add3A_1246 = vector.broadcast %add3A_1245 : i32 to vector<16xi32>
    %add3A_1247 = arith.addi %add3A_1246, %iota3A : vector<16xi32>
    %gather3A_1248 = tpu.vector_load_idx %arg4[%add3A_1247, %broadcast_in_dim3A_3] : memref<512x2xi32, #tpu.memory_space<vmem>>[vector<16xi32>, vector<16xi32>], vector<16xi32>,
    %gather3A_1249 = tpu.vector_load_idx %arg4[%add3A_1247, %broadcast_in_dim3A_5] : memref<512x2xi32, #tpu.memory_space<vmem>>[vector<16xi32>, vector<16xi32>], vector<16xi32>,
    %mul3A_1250 = arith.constant 19 : i32
    %mul3A_1251 = vector.broadcast %mul3A_1250 : i32 to vector<16xi32>
    %mul3A_1252 = arith.muli %gather3A_1248, %mul3A_1251 : vector<16xi32>
    %add3A_1253 = arith.addi %mul3A_1252, %gather3A_1249 : vector<16xi32>
    %add3A_1254 = arith.constant 361 : i32
    %add3A_1255 = vector.broadcast %add3A_1254 : i32 to vector<16xi32>
    %add3A_1256 = arith.addi %add3A_1255, %add3A_1253 : vector<16xi32>
    tpu.vector_store_idx %arg5[%add3A_1244, %add3A_1256], %broadcast_in_dim3A_7 : memref<32x1805xf32, #tpu.memory_space<vmem>>[vector<16xi32>, vector<16xi32>], vector<16xf32>,
    %add3A_1257 = arith.constant 722 : i32
    %add3A_1258 = vector.broadcast %add3A_1257 : i32 to vector<16xi32>
    %add3A_1259 = arith.addi %add3A_1258, %add3A_1253 : vector<16xi32>
    tpu.vector_store_idx %arg5[%add3A_1244, %add3A_1259], %broadcast_in_dim3A_9 : memref<32x1805xf32, #tpu.memory_space<vmem>>[vector<16xi32>, vector<16xi32>], vector<16xf32>,
    %add3A_1260 = arith.constant 16 : i32
    %add3A_1261 = vector.broadcast %add3A_1260 : i32 to vector<16xi32>
    %add3A_1262 = arith.addi %add3A_1261, %iota3A : vector<16xi32>
    %add3A_1263 = arith.constant 496 : i32
    %add3A_1264 = vector.broadcast %add3A_1263 : i32 to vector<16xi32>
    %add3A_1265 = arith.addi %add3A_1264, %iota3A : vector<16xi32>
    %gather3A_1266 = tpu.vector_load_idx %arg4[%add3A_1265, %broadcast_in_dim3A_3] : memref<512x2xi32, #tpu.memory_space<vmem>>[vector<16xi32>, vector<16xi32>], vector<16xi32>,
    %gather3A_1267 = tpu.vector_load_idx %arg4[%add3A_1265, %broadcast_in_dim3A_5] : memref<512x2xi32, #tpu.memory_space<vmem>>[vector<16xi32>, vector<16xi32>], vector<16xi32>,
    %mul3A_1268 = arith.constant 19 : i32
    %mul3A_1269 = vector.broadcast %mul3A_1268 : i32 to vector<16xi32>
    %mul3A_1270 = arith.muli %gather3A_1266, %mul3A_1269 : vector<16xi32>
    %add3A_1271 = arith.addi %mul3A_1270, %gather3A_1267 : vector<16xi32>
    %add3A_1272 = arith.constant 361 : i32
    %add3A_1273 = vector.broadcast %add3A_1272 : i32 to vector<16xi32>
    %add3A_1274 = arith.addi %add3A_1273, %add3A_1271 : vector<16xi32>
    tpu.vector_store_idx %arg5[%add3A_1262, %add3A_1274], %broadcast_in_dim3A_7 : memref<32x1805xf32, #tpu.memory_space<vmem>>[vector<16xi32>, vector<16xi32>], vector<16xf32>,
    %add3A_1275 = arith.constant 722 : i32
    %add3A_1276 = vector.broadcast %add3A_1275 : i32 to vector<16xi32>
    %add3A_1277 = arith.addi %add3A_1276, %add3A_1271 : vector<16xi32>
    tpu.vector_store_idx %arg5[%add3A_1262, %add3A_1277], %broadcast_in_dim3A_9 : memref<32x1805xf32, #tpu.memory_space<vmem>>[vector<16xi32>, vector<16xi32>], vector<16xf32>,
    %add3A_1278 = arith.constant 480 : i32
    %add3A_1279 = arith.addi %mul3A_2, %add3A_1278 : i32
    %dma_start3A_1280 = arith.constant 0 : i32
    %dma_start3A_1281 = tpu.memref_slice %arg3[%add3A_1279, %dma_start3A_1280] : memref<16384x1805xf32, #tpu.memory_space<hbm>> -> memref<32x1805xf32, #tpu.memory_space<hbm>>
    %dma_start3A_1282 = arith.constant 0 : i32
    %dma_start3A_1283 = tpu.memref_slice %arg3[%add3A_1279, %dma_start3A_1282] : memref<16384x1805xf32, #tpu.memory_space<hbm>> -> memref<32x1805xf32, #tpu.memory_space<hbm>>
    tpu.enqueue_dma source(%arg5 : memref<32x1805xf32, #tpu.memory_space<vmem>>) target(%dma_start3A_1283 : memref<32x1805xf32, #tpu.memory_space<hbm>>) target_semaphore(%arg6 : memref<!tpu.dma_semaphore, #tpu.memory_space<semaphore_mem>>)
    %dma_wait3A_1284 = arith.constant 0 : i32
    %dma_wait3A_1285 = tpu.memref_slice %arg3[%add3A_1279, %dma_wait3A_1284] : memref<16384x1805xf32, #tpu.memory_space<hbm>> -> memref<32x1805xf32, #tpu.memory_space<hbm>>
    %dma_wait3A_1286 = arith.constant 0 : i32
    %dma_wait3A_1287 = tpu.memref_slice %arg3[%add3A_1279, %dma_wait3A_1286] : memref<16384x1805xf32, #tpu.memory_space<hbm>> -> memref<32x1805xf32, #tpu.memory_space<hbm>>
    tpu.wait_dma2 semaphore(%arg6 : memref<!tpu.dma_semaphore, #tpu.memory_space<semaphore_mem>>) src(%arg5 : memref<32x1805xf32, #tpu.memory_space<vmem>>) dst(%dma_wait3A_1287 : memref<32x1805xf32, #tpu.memory_space<hbm>>)
    return
  }
}

</mosaic_0001>

<sc_bundles>
// kernel: kernel.3.cloned.1.call-start
scs
__scs_entry_jumppad:
0x0: {  	(pc) =	sbr.rel $0x88, $3  }
0x1: {  	(tag) =	ssettag $0x0;
	lr =	simm.s32 $0x1  }
0x2: {  	[smem:$0x3FA0] =	sst lr;
	_ =	strace $0xD0000000  }
0x3: {  	_ = 	snop  }
0x4: {  	_ = 	snop  }
0x5: {  	_ = 	snop  }
0x6: {  	_ = 	snop  }
0x7: {  	_ = 	snop  }
__scs_overlays_trampoline_lowered:
0x8: {  	[smem:$0x3FAF] =	sst s0  }
0x9: {  	[smem:$0x3FB0] =	sst s1  }
0xa: {  	[smem:$0x3FB1] =	sst s2  }
0xb: {  	[smem:$0x3FB2] =	sst s3  }
0xc: {  	[smem:$0x3FB3] =	sst s4  }
0xd: {  	[smem:$0x3FB4] =	sst s5  }
0xe: {  	[smem:$0x3FB5] =	sst s6  }
0xf: {  	[smem:$0x3FB6] =	sst s7  }
0x10: {  	[smem:$0x3FB7] =	sst s8  }
0x11: {  	[smem:$0x3FB8] =	sst s9;
	s0 =	simm.s32 @!p0 $0x0  }
0x12: {  	s1 =	sld [smem:$0x3F9E];
	s0 =	simm.s32 @p0 $0x1  }
0x13: {  	[smem:$0x3FB9] =	sst s0;
	s0 =	simm.s32 @!p1 $0x0  }
0x14: {  	s2 =	sld [smem:$0x3F9D];
	s0 =	simm.s32 @p1 $0x1  }
0x15: {  	[smem:$0x3FBA] =	sst s0;
	s0 =	simm.s32 @!p2 $0x0  }
0x16: {  	s3 =	sld [smem:$0x3FDB];
	s0 =	simm.s32 @p2 $0x1  }
0x17: {  	s4 =	simm.s32 $0x1BF5;
	[smem:$0x3FBC] =	sst s0  }
0x18: {  	s0 =	sld [smem:$0x3F9F];
	_ =	swait.ge [sflag:s4], $0x0  }
0x19: {  	s7 =	sld [smem:$0x3FA0]  }
0x1a: {  	s8 =	sadd.s32 $0xFFFFE003, lr  }
0x1b: {  	s9 =	sadd.s32 $0xFFFFFEF7, lr;
	s5 =	simm.s32 $0xFFFFFFFF;
	p2 =	slt.u32 s8, $0xFFFFF086  }
0x1c: {  	p1 =	slt.u32 s9, $0xF7A;
	s5 =	simm.s32 @!p2 $0x0  }
0x1d: {  	s5 =	simm.s32 @p1 $0x1;
	p0 =	seq.s32 s7, s2  }
0x1e: {  	s7 =	smul.u32 @!p0 $0xF7A, s2;
	p2 =	seq.s32 @!p0 s5, $0x0  }
0x1f: {  	s9 =	smul.u32 $0xF7A, s1;
	s8 =	simm.s32 @!p0 $0x1BF5;
	p2 =	por !p2, p0  }
0x20: {  	[sflag:s8] =	ssyncset.s32 @!p0 $0xFFFFF086;
	s6 =	sadd.s32 @!p0 s3, s7;
	s7 =	simm.s32 @!p0 $0x108  }
0x21: {  	s3 =	sadd.s32 s3, s9;
	s6 =	sadd.s32 @!p0 $0x88, s6;
	s7 =	simm.s32 @p2 $0x1082  }
0x22: {  	[simem:s7], [sflag:s8] =	dma.local @!p0 [hbm:s6], $0xF7A  }
0x23: {  	s9 =	sor.u32 $0xD0000000, s2;
	s6 =	simm.s32 $0x108;
	_ =	swait.ge @!p0 [sflag:s8], $0x0  }
0x24: {  	s3 =	sadd.s32 $0x88, s3;
	s6 =	simm.s32 @!p1 $0x1082;
	[sflag:s4] =	ssyncset.s32 $0xFFFFF086  }
0x25: {  	[simem:s6], [sflag:s4] =	dma.local [hbm:s3], $0xF7A  }
0x26: {  	[smem:$0x3FA0] =	sst s1;
	(tag) =	ssettag s2;
	_ =	strace s9  }
0x27: {  	s1 =	sld [smem:$0x3FB0]  }
0x28: {  	s2 =	sld [smem:$0x3FB1]  }
0x29: {  	s4 =	sld [smem:$0x3FB3]  }
0x2a: {  	p0 =	seq.s32 s5, $0x0;
	s5 =	sld [smem:$0x3FB4]  }
0x2b: {  	s6 =	sld [smem:$0x3FB5]  }
0x2c: {  	s7 =	sld [smem:$0x3FB6]  }
0x2d: {  	s3 =	simm.s32 $0x108;
	s8 =	sld [smem:$0x3FB7]  }
0x2e: {  	s3 =	simm.s32 @!p0 $0x1082;
	s9 =	sld [smem:$0x3FB8]  }
0x2f: {  	lr =	sadd.s32 s0, s3;
	s0 =	sld [smem:$0x3FAF]  }
0x30: {  	s3 =	sld [smem:$0x3FB2]  }
0x31: {  	[smem:$0x3FBB] =	sst s10  }
0x32: {  	s10 =	sld [smem:$0x3FB9];
	_ =	sdelay $0x3  }
0x33: {  	p0 =	seq.s32 s10, $0x1;
	s10 =	sld [smem:$0x3FBB];
	_ =	sdelay $0x3  }
0x34: {  	[smem:$0x3FBB] =	sst s10  }
0x35: {  	s10 =	sld [smem:$0x3FBA];
	_ =	sdelay $0x3  }
0x36: {  	p1 =	seq.s32 s10, $0x1;
	s10 =	sld [smem:$0x3FBB];
	_ =	sdelay $0x3  }
0x37: {  	[smem:$0x3FBB] =	sst s10  }
0x38: {  	s10 =	sld [smem:$0x3FBC]  }
0x39: {  	_ = 	snop;
	(pc) =	sbr.ind lr, $3  }
0x3a: {  	_ = 	snop  }
0x3b: {  	_ = 	snop  }
0x3c: {  	p2 =	seq.s32 s10, $0x1;
	s10 =	sld [smem:$0x3FBB]  }
0x3d: {  	_ =	shalt  }
0x3e: {  	_ =	shalt  }
0x3f: {  	_ =	shalt  }
0x40: {  	_ =	shalt  }
0x41: {  	_ =	shalt  }
0x42: {  	_ =	shalt  }
0x43: {  	_ =	shalt  }
0x44: {  	_ =	shalt  }
0x45: {  	_ =	shalt  }
0x46: {  	_ =	shalt  }
0x47: {  	_ =	shalt  }
0x48: {  	_ =	shalt  }
0x49: {  	_ =	shalt  }
0x4a: {  	_ =	shalt  }
0x4b: {  	_ =	shalt  }
0x4c: {  	_ =	shalt  }
0x4d: {  	_ =	shalt  }
0x4e: {  	_ =	shalt  }
0x4f: {  	_ =	shalt  }
0x50: {  	_ =	shalt  }
0x51: {  	_ =	shalt  }
0x52: {  	_ =	shalt  }
0x53: {  	_ =	shalt  }
0x54: {  	_ =	shalt  }
0x55: {  	_ =	shalt  }
0x56: {  	_ =	shalt  }
0x57: {  	_ =	shalt  }
0x58: {  	_ =	shalt  }
0x59: {  	_ =	shalt  }
0x5a: {  	_ =	shalt  }
0x5b: {  	_ =	shalt  }
0x5c: {  	_ =	shalt  }
0x5d: {  	_ =	shalt  }
0x5e: {  	_ =	shalt  }
0x5f: {  	_ =	shalt  }
0x60: {  	_ =	shalt  }
0x61: {  	_ =	shalt  }
0x62: {  	_ =	shalt  }
0x63: {  	_ =	shalt  }
0x64: {  	_ =	shalt  }
0x65: {  	_ =	shalt  }
0x66: {  	_ =	shalt  }
0x67: {  	_ =	shalt  }
0x68: {  	_ =	shalt  }
0x69: {  	_ =	shalt  }
0x6a: {  	_ =	shalt  }
0x6b: {  	_ =	shalt  }
0x6c: {  	_ =	shalt  }
0x6d: {  	_ =	shalt  }
0x6e: {  	_ =	shalt  }
0x6f: {  	_ =	shalt  }
0x70: {  	_ =	shalt  }
0x71: {  	_ =	shalt  }
0x72: {  	_ =	shalt  }
0x73: {  	_ =	shalt  }
0x74: {  	_ =	shalt  }
0x75: {  	_ =	shalt  }
0x76: {  	_ =	shalt  }
0x77: {  	_ =	shalt  }
0x78: {  	_ =	shalt  }
0x79: {  	_ =	shalt  }
0x7a: {  	_ =	shalt  }
0x7b: {  	_ =	shalt  }
0x7c: {  	_ =	shalt  }
0x7d: {  	_ =	shalt  }
0x7e: {  	_ =	shalt  }
0x7f: {  	_ =	shalt  }
0x80: {  	_ =	shalt  }
0x81: {  	_ =	shalt  }
0x82: {  	_ =	shalt  }
0x83: {  	_ =	shalt  }
0x84: {  	_ =	shalt  }
0x85: {  	_ =	shalt  }
0x86: {  	_ =	shalt  }
0x87: {  	_ =	shalt  }
.Lfunc_end0:
.L_simem_size_0:
called_computation.1_lowered:
.L_overlay_start_0:
0x88: {  	s2 =	sld [smem:$0x3FD9]  }
0x89: {  	s3 =	sld [smem:$0x3FFE];
	_ =	sdelay $0x1  }
0x8a: {  	s1 =	srdreg.scid  }
0x8b: {  	s0 =	sand.u32 $0x1, s1  }
0x8c: {  	s17 =	sshll.u32 s0, $0xA;
	s2 =	sadd.s32 s3, s2  }
0x8d: {  	s2 =	sadd.s32 s2, s17  }
0x8e: {  	[smem:$0x3FC7] =	sst s2  }
0x8f: {  	_ = 	snop  }
0x90: {  	s2 =	sld [smem:$0x3FD0];
	(tm) =	ssettm $0x1  }
0x91: {  	s18 =	sld [smem:$0x3FFB];
	_ =	sdelay $0x3  }
0x92: {  	_ =	strace s18  }
0x93: {  	s3 =	sld [smem:$0x3FFC];
	_ =	sdelay $0x3  }
0x94: {  	_ =	strace s3  }
0x95: {  	s3 =	sld [smem:$0x3FFD];
	_ =	sdelay $0x3  }
0x96: {  	_ =	strace s3  }
0x97: {  	_ =	strace $0x8FFFFFFF  }
0x98: {  	s19 =	sld [smem:$0x3FDB];
	_ =	sdelay $0x1  }
0x99: {  	s4 =	simm.s32 $_scs_section_size  }
0x9a: {  	s5 =	simm.s32 $_size__tile_overlayer_lowered;
	s6 =	simm.s32 $_tile_overlayer_lowered  }
0x9b: {  	s22 =	simm.s32 $0x1BFF;
	s21 =	sshll.u32 s6, $0x1;
	s3 =	sadd.s32 s4, s19  }
0x9c: {  	s7 =	simm.s32 $0x0;
	s20 =	sshll.u32 s5, $0x1;
	s5 =	sadd.s32 s21, s3  }
0x9d: {  	[timem:s7], [sflag:s22] =	dma.local [hbm:s5], s20  }
0x9e: {  	_ =	swait.ge [sflag:s22], s20  }
0x9f: {  	s4 =	ssub.s32 $0x0, s20;
	[sflag:s22] =	ssyncset.done $0x0  }
0xa0: {  	[sflag:s22] =	ssyncadd.s32 s4;
	_ =	sdelay $0x1  }
0xa1: {  	s23 =	simm.s32 $0x1B8B  }
0xa2: {  	_ =	swait.ge [sflag:s23], $0x1  }
0xa3: {  	[sflag:s23] =	ssyncset.done $0x0  }
0xa4: {  	s25 =	simm.s32 $0x1B8E;
	s24 =	sld [smem:$0x3FFE];
	[sflag:s23] =	ssyncadd.s32 $0xFFFFFFFF  }
0xa5: {  	s26 =	simm.s32 $execute0_lowered;
	[smem:$0x3FD2] =	sst s25  }
0xa6: {  	s5 =	sshll.u32 s26, $0x1;
	_ =	strace $0x80000046;
	[dreg:$0x1] =	wrdreg $0xFFFFFFFF  }
0xa7: {  	s28 =	simm.s32 $_size_execute0_lowered;
	s3 =	sadd.s32 s3, s5;
	[dreg:$0x0] =	wrdreg $0x0  }
0xa8: {  	s5 =	sshll.u32 s28, $0x1;
	[dreg:$0x2] =	wrdreg s3  }
0xa9: {  	[dreg:$0x3] =	wrdreg s5  }
0xaa: {  	[dreg:$0x4] =	wrdreg $0xC0  }
0xab: {  	_ =	task [dreg:s7], $0x5FFFF  }
0xac: {  	[dreg:$0x1] =	wrdreg $0xFFFFFFFF  }
0xad: {  	[dreg:$0x0] =	wrdreg $0x60  }
0xae: {  	[dreg:$0x2] =	wrdreg s2  }
0xaf: {  	[dreg:$0x3] =	wrdreg s24  }
0xb0: {  	[dreg:$0x4] =	wrdreg $0x9  }
0xb1: {  	_ =	task.clear_ibuf [dreg:s7], $0x5FFFF;
	_ =	strace $0x90000046  }
0xb2: {  	s29 =	simm.s32 $0x9;
	_ =	strace $0x80000048  }
0xb3: {  	_ =	swait.ge [sflag:s29], $0x1  }
0xb4: {  	[sflag:s29] =	ssyncadd.s32 $0xFFFFFFFF  }
0xb5: {  	_ =	strace $0x90000048  }
0xb6: {  	_ =	sfence  }
0xb7: {  	s30 =	sld [smem:$0x0];
	_ =	sdelay $0x2  }
0xb8: {  	s31 =	sshll.u32 s1, $0xD;
	s1 =	sshrl.u32 s1, $0x2  }
0xb9: {  	s3 =	sand.u32 $0x4000, s31;
	s1 =	sadd.s32 s1, s30  }
0xba: {  	s0 =	sor.u32 s3, s0;
	s1 =	sshll.u32 s1, $0x11  }
0xbb: {  	s0 =	sor.u32 s1, s0  }
0xbc: {  	s0 =	sadd.s32 $0x8F2B, s0  }
0xbd: {  	[sflag:s0] =	ssyncadd.remote.s32 $0x1  }
0xbe: {  	_ =	sfence.sel $0xFFFF  }
0xbf: {  	[dreg:$0x0] =	wrdreg $0xFFFFFFFF;
	(pc) =	sbr.abs _section_cstart, $3  }
0xc0: {  	[dreg:$0x1] =	wrdreg $0xFFFFFFFF  }
0xc1: {  	_ =	task.clear_ibuf [dreg:s7], $0x2FFFF;
	_ =	strace $0x9FFFFFFF  }
0xc2: {  	(tm) =	ssettm $0x7FFFFFFF  }
0xc3: {  	_ =	shalt  }
tec
execute0_lowered:
.L_overlay_start_1:
0x0: {  	(tag) =	ssettag $0x1  }
0x1: {  	v0 =	vlaneseq.u32  }
0x2: {  	v1 =	vmul.u32 $0x8, v0  }
0x3: {  	v4 =	vimm.f32 $0.0e+00;
	v7 =	vimm.f32 $1.000000000e+00;
	v5 =	vmul.u32 $0x710, v0  }
0x4: {  	v2 =	vand.u32 $0x7, v0;
	v3 =	vadd.s32 $0xFFFFFD2E, v0;
	v6 =	vor.u32 $0x1, v1  }
0x5: {  	v8 =	vadd.s32 $0x2D2, v5;
	v9 =	vor.u32 $0x80, v1;
	v11 =	vadd.s32 $0x7269, v5  }
0x6: {  	v12 =	vadd.s32 $0x73D2, v5;
	v16 =	vor.u32 $0x181, v1;
	v17 =	vor.u32 $0x200, v1  }
0x7: {  	v18 =	vor.u32 $0x201, v1;
	v19 =	vor.u32 $0x280, v1;
	v20 =	vor.u32 $0x281, v1  }
0x8: {  	v21 =	vor.u32 $0x300, v1;
	v22 =	vor.u32 $0x301, v1;
	v23 =	vor.u32 $0x380, v1  }
0x9: {  	s1 =	srdreg.scid;
	v24 =	vor.u32 $0x381, v1;
	v25 =	vor.u32 $0x400, v1;
	v26 =	vor.u32 $0x401, v1  }
0xa: {  	s3 =	rddreg [dreg:$0x0];
	s0 =	stileid.u32;
	v27 =	vor.u32 $0x480, v1;
	v28 =	vor.u32 $0x481, v1;
	v29 =	vor.u32 $0x500, v1  }
0xb: {  	s5 =	rddreg [dreg:$0x1];
	s2 =	simm.s32 $0x0;
	s21 =	simm.s32 $0x2;
	v30 =	vor.u32 $0x501, v1;
	v31 =	vor.u32 $0x580, v1;
	v32 =	vor.u32 $0x581, v1  }
0xc: {  	s22 =	simm.s32 $0x1000;
	s23 =	simm.s32 $0x1;
	s4 =	sand.u32 $0x1, s1;
	v33 =	vor.u32 $0x600, v1;
	v34 =	vor.u32 $0x601, v1;
	v35 =	vor.u32 $0x680, v1;
	[tilespmem:$0x1FFA0] =	vst v6  }
0xd: {  	s24 =	simm.s32 $0x0;
	s6 =	sshll.u32 s0, $0xA;
	s7 =	sshll.u32 s4, $0x9;
	v36 =	vor.u32 $0x681, v1;
	v37 =	vor.u32 $0x700, v1;
	[tilespmem:$0x1FFB0] =	vst v9;
	v9 =	vor.u32 $0x81, v1  }
0xe: {  	s1 =	rddreg [dreg:$0x2];
	s4 =	ssub.s32 $0x2, s4;
	s6 =	sor.u32 s7, s6;
	v38 =	vor.u32 $0x701, v1;
	v6 =	vadd.s32 $0x169, v5;
	v5 =	vor.u32 $0x100, v1;
	[tilespmem:$0x1FFC0] =	vst v9  }
0xf: {  	[smem:$0x7FF] =	sst s2;
	s8 =	sshrl.u32 s4, $0x1;
	v39 =	vor.u32 $0x780, v1;
	v40 =	vor.u32 $0x781, v1;
	s7 =	smul.u32 $0x710, s6;
	[tilespmem:$0x1FFD0] =	vst v5;
	v5 =	vor.u32 $0x101, v1  }
0x10: {  	s5 =	sadd.s32 $0x800, s5;
	v41 =	vor.u32 $0x800, v1;
	v42 =	vor.u32 $0x801, v1;
	s9 =	smul.u32 $0xE2, s6;
	s20 =	ssub.s32 s4, s8;
	[tilespmem:$0x1FFE0] =	vst v5;
	v5 =	vor.u32 $0x180, v1  }
0x11: {  	v43 =	vor.u32 $0x880, v1;
	v44 =	vor.u32 $0x881, v1;
	v45 =	vor.u32 $0x900, v1;
	s3 =	sadd.s32 s3, s6;
	s20 =	smax.u32 s20, $0x1;
	s7 =	sshrl.u32 s7, $0x3;
	[tilespmem:$0x1FFF0] =	vst v5  }
0x12: {  	v46 =	vor.u32 $0x901, v1;
	v47 =	vor.u32 $0x980, v1;
	v48 =	vor.u32 $0x981, v1;
	s4 =	sadd.s32 s5, s9;
	s19 =	sadd.s32 s5, s7;
	_ =	strace $0x80000047  }
0x13: {  	v49 =	vor.u32 $0xA00, v1;
	v50 =	vor.u32 $0xA01, v1;
	v51 =	vor.u32 $0xA80, v1;
	s5 =	sadd.s32 $0x1C40, s19;
	s6 =	sadd.s32 $0x3880, s19;
	s7 =	sadd.s32 $0x54C0, s19  }
0x14: {  	v52 =	vor.u32 $0xA81, v1;
	v53 =	vor.u32 $0xB00, v1;
	v54 =	vor.u32 $0xB01, v1;
	s8 =	sadd.s32 $0x7100, s19;
	s9 =	sadd.s32 $0x8D40, s19;
	s10 =	sadd.s32 $0xA980, s19  }
0x15: {  	v55 =	vor.u32 $0xB80, v1;
	v56 =	vor.u32 $0xB81, v1;
	v57 =	vor.u32 $0xC00, v1;
	s11 =	sadd.s32 $0xC5C0, s19;
	s12 =	sadd.s32 $0xE200, s19;
	s13 =	sadd.s32 $0xFE40, s19  }
0x16: {  	v58 =	vor.u32 $0xC01, v1;
	v59 =	vor.u32 $0xC80, v1;
	v60 =	vor.u32 $0xC81, v1;
	s14 =	sadd.s32 $0x11A80, s19;
	s15 =	sadd.s32 $0x136C0, s19;
	s16 =	sadd.s32 $0x15300, s19  }
0x17: {  	v61 =	vor.u32 $0xD00, v1;
	v62 =	vor.u32 $0xD01, v1;
	v63 =	vor.u32 $0xD80, v1;
	s17 =	sadd.s32 $0x16F40, s19;
	s18 =	sadd.s32 $0x18B80, s19;
	s19 =	sadd.s32 $0x1A7C0, s19  }
.LBB2_1:
0x18: {  	[tilespmem:s2], [sflag:$0x2] =	stream.linear.gather [hbm4b:s3+s2], $0x1000, $0x38;
	[tilespmem:$0xF200] =	vst v63  }
0x19: {  	_ =	swait.ge [sflag:s21], $0x1000  }
0x1a: {  	[sflag:s21] =	ssyncset.done $0x0  }
0x1b: {  	s25 =	simm.s32 $0x0;
	[sflag:s21] =	ssyncadd.s32 $0xFFFFF000  }
.LBB2_2:
0x1c: {  	v5 =	vmov s25  }
0x1d: {  	v5 =	vmul.u32 $0x710, v5;
	_ =	sdelay $0x1  }
0x1e: {  	s26 =	simm.s32 $0x0;
	v5 =	vbroadcast v5, $0x0  }
0x1f: {  	v9 =	vor.u32 s26, v0  }
0x20: {  	v13 =	vand.u32 $0x7F8, v9;
	vm0 =	vlt.u32 v9, $0x70D;
	v5 =	vor.u32 v2, v5  }
0x21: {  	vm2 =	vgt.u32 v9, $0x5A3;
	v9 =	vadd.s32 v5, v13  }
0x22: {  	v10 =	vadd.s32 s26, v3  }
0x23: {  	vm1 =	vlt.u32 v10, $0x169  }
0x24: {  	s26 =	simm.s32 $0x10;
	vm1 =	vmor vm1, vm2  }
.LBB2_3:
0x25: {  	v10 =	vor.u32 s26, v0;
	p0 =	sne.s32 s26, $0x700;
	v13 =	vsel vm1, $0x3F800000, v4;
	s28 =	smov.u32 s26;
	s26 =	sadd.s32 $0x10, s26  }
.Ltmp0:
0x26: {  	v14 =	vand.u32 $0x7F8, v10;
	[tilespmem:v9+s22+$0x0] =	vst.idx.msk vm0, v13;
	vm0 =	vlt.u32 v10, $0x70D;
	(pc) =	sbr.rel @p0 .LBB2_3-.Ltmp0, $4  }
0x27: {  	v9 =	vadd.s32 v5, v14  }
0x28: {  	v13 =	vadd.s32 s28, v3  }
0x29: {  	vm2 =	vgt.u32 v10, $0x5A3;
	vm1 =	vlt.u32 v13, $0x169  }
0x2a: {  	vm1 =	vmor vm1, vm2  }
0x2b: {  	s25 =	sadd.s32 $0x1, s25  }
0x2c: {  	p0 =	sne.s32 s25, $0x20  }
.Ltmp1:
0x2d: {  	_ = 	snop;
	(pc) =	sbr.rel @p0 .LBB2_2-.Ltmp1, $3  }
0x2e: {  	_ =	sdelay $0x1  }
0x2f: {  	v5 =	vsel vm1, $0x3F800000, v4  }
0x30: {  	[tilespmem:v9+s22+$0x0] =	vst.idx.msk vm0, v5  }
0x31: {  	v10 =	vld [tilespmem:$0x1FFA0];
	_ =	sdelay $0x5  }
0x32: {  	v5 =	vld.idx.msk [tilespmem:v1+s2+$0x0], $0xffff;
	_ =	sdelay $0x1  }
0x33: {  	v9 =	vld.idx.msk [tilespmem:v10+s2+$0x0], $0xffff;
	_ =	sdelay $0x2  }
0x34: {  	v5 =	vmul.u32 $0x13, v5;
	_ =	sdelay $0x1  }
0x35: {  	v13 =	vld [tilespmem:$0x1FFB0];
	v5 =	vadd.s32 v9, v5  }
0x36: {  	v9 =	vadd.s32 v6, v5  }
0x37: {  	v14 =	vld [tilespmem:$0x1FFC0];
	v5 =	vadd.s32 v8, v5;
	_ =	sdelay $0x3  }
0x38: {  	[tilespmem:v9+s22+$0x0] =	vst.idx.msk $0xffff, v7  }
0x39: {  	[tilespmem:v5+s22+$0x0] =	vst.idx.msk $0xffff, v4  }
0x3a: {  	v5 =	vld.idx.msk [tilespmem:v13+s2+$0x0], $0xffff;
	_ =	sdelay $0x1  }
0x3b: {  	v9 =	vld.idx.msk [tilespmem:v14+s2+$0x0], $0xffff;
	_ =	sdelay $0x2  }
0x3c: {  	v5 =	vmul.u32 $0x13, v5;
	_ =	sdelay $0x1  }
0x3d: {  	v5 =	vadd.s32 v9, v5  }
0x3e: {  	v9 =	vadd.s32 v11, v5  }
0x3f: {  	v5 =	vadd.s32 v12, v5;
	_ =	sdelay $0x3  }
0x40: {  	[tilespmem:v9+s22+$0x0] =	vst.idx.msk $0xffff, v7  }
0x41: {  	[tilespmem:v5+s22+$0x0] =	vst.idx.msk $0xffff, v4  }
0x42: {  	[hbm4b:s4+s2] =	stream.linear.scatter [tilespmem:s22], [sflag:$0x1], $0xE200, $0x38;
	[tilespmem:$0xF200] =	vst v63  }
0x43: {  	_ =	swait.ge [sflag:s23], $0xE200  }
0x44: {  	[sflag:s23] =	ssyncset.done $0x0  }
0x45: {  	[sflag:s23] =	ssyncadd.s32 $0xFFFF1E00  }
0x46: {  	v5 =	vld.idx.msk [tilespmem:v1+s2+$0x0], $0xffff;
	_ =	sdelay $0x1  }
0x47: {  	v9 =	vld.idx.msk [tilespmem:v10+s2+$0x0], $0xffff;
	_ =	sdelay $0x2  }
0x48: {  	v5 =	vmul.u32 $0x13, v5;
	_ =	sdelay $0x1  }
0x49: {  	v5 =	vadd.s32 v9, v5  }
0x4a: {  	v9 =	vadd.s32 v6, v5  }
0x4b: {  	v5 =	vadd.s32 v8, v5;
	_ =	sdelay $0x3  }
0x4c: {  	[tilespmem:v9+s22+$0x0] =	vst.idx.msk $0xffff, v4  }
0x4d: {  	[tilespmem:v5+s22+$0x0] =	vst.idx.msk $0xffff, v7  }
0x4e: {  	v5 =	vld.idx.msk [tilespmem:v13+s2+$0x0], $0xffff;
	_ =	sdelay $0x1  }
0x4f: {  	v9 =	vld.idx.msk [tilespmem:v14+s2+$0x0], $0xffff;
	_ =	sdelay $0x2  }
0x50: {  	v5 =	vmul.u32 $0x13, v5;
	_ =	sdelay $0x1  }
0x51: {  	v10 =	vld [tilespmem:$0x1FFD0];
	v5 =	vadd.s32 v9, v5  }
0x52: {  	v9 =	vadd.s32 v11, v5  }
0x53: {  	v13 =	vld [tilespmem:$0x1FFE0];
	v5 =	vadd.s32 v12, v5;
	_ =	sdelay $0x3  }
0x54: {  	[tilespmem:v9+s22+$0x0] =	vst.idx.msk $0xffff, v4  }
0x55: {  	[tilespmem:v5+s22+$0x0] =	vst.idx.msk $0xffff, v7  }
0x56: {  	v5 =	vld.idx.msk [tilespmem:v10+s2+$0x0], $0xffff;
	_ =	sdelay $0x1  }
0x57: {  	v9 =	vld.idx.msk [tilespmem:v13+s2+$0x0], $0xffff;
	_ =	sdelay $0x2  }
0x58: {  	v5 =	vmul.u32 $0x13, v5;
	_ =	sdelay $0x1  }
0x59: {  	v14 =	vld [tilespmem:$0x1FFF0];
	v5 =	vadd.s32 v9, v5  }
0x5a: {  	v9 =	vadd.s32 v6, v5  }
0x5b: {  	v5 =	vadd.s32 v8, v5;
	_ =	sdelay $0x3  }
0x5c: {  	[tilespmem:v9+s22+$0x0] =	vst.idx.msk $0xffff, v7  }
0x5d: {  	[tilespmem:v5+s22+$0x0] =	vst.idx.msk $0xffff, v4  }
0x5e: {  	v5 =	vld.idx.msk [tilespmem:v14+s2+$0x0], $0xffff;
	_ =	sdelay $0x1  }
0x5f: {  	v9 =	vld.idx.msk [tilespmem:v16+s2+$0x0], $0xffff;
	_ =	sdelay $0x2  }
0x60: {  	v5 =	vmul.u32 $0x13, v5;
	_ =	sdelay $0x1  }
0x61: {  	v5 =	vadd.s32 v9, v5  }
0x62: {  	v9 =	vadd.s32 v11, v5  }
0x63: {  	v5 =	vadd.s32 v12, v5;
	_ =	sdelay $0x3  }
0x64: {  	[tilespmem:v9+s22+$0x0] =	vst.idx.msk $0xffff, v7  }
0x65: {  	[tilespmem:v5+s22+$0x0] =	vst.idx.msk $0xffff, v4  }
0x66: {  	[hbm4b:s5+s2] =	stream.linear.scatter [tilespmem:s22], [sflag:$0x1], $0xE200, $0x38;
	[tilespmem:$0xF200] =	vst v63  }
0x67: {  	_ =	swait.ge [sflag:s23], $0xE200  }
0x68: {  	[sflag:s23] =	ssyncset.done $0x0  }
0x69: {  	[sflag:s23] =	ssyncadd.s32 $0xFFFF1E00  }
0x6a: {  	v5 =	vld.idx.msk [tilespmem:v10+s2+$0x0], $0xffff;
	_ =	sdelay $0x1  }
0x6b: {  	v9 =	vld.idx.msk [tilespmem:v13+s2+$0x0], $0xffff;
	_ =	sdelay $0x2  }
0x6c: {  	v5 =	vmul.u32 $0x13, v5;
	_ =	sdelay $0x1  }
0x6d: {  	v5 =	vadd.s32 v9, v5  }
0x6e: {  	v9 =	vadd.s32 v6, v5  }
0x6f: {  	v5 =	vadd.s32 v8, v5;
	_ =	sdelay $0x3  }
0x70: {  	[tilespmem:v9+s22+$0x0] =	vst.idx.msk $0xffff, v4  }
0x71: {  	[tilespmem:v5+s22+$0x0] =	vst.idx.msk $0xffff, v7  }
0x72: {  	v5 =	vld.idx.msk [tilespmem:v14+s2+$0x0], $0xffff;
	_ =	sdelay $0x1  }
0x73: {  	v9 =	vld.idx.msk [tilespmem:v16+s2+$0x0], $0xffff;
	_ =	sdelay $0x2  }
0x74: {  	v5 =	vmul.u32 $0x13, v5;
	_ =	sdelay $0x1  }
0x75: {  	v5 =	vadd.s32 v9, v5  }
0x76: {  	v9 =	vadd.s32 v11, v5  }
0x77: {  	v5 =	vadd.s32 v12, v5;
	_ =	sdelay $0x3  }
0x78: {  	[tilespmem:v9+s22+$0x0] =	vst.idx.msk $0xffff, v4  }
0x79: {  	[tilespmem:v5+s22+$0x0] =	vst.idx.msk $0xffff, v7  }
0x7a: {  	v5 =	vld.idx.msk [tilespmem:v17+s2+$0x0], $0xffff;
	_ =	sdelay $0x1  }
0x7b: {  	v9 =	vld.idx.msk [tilespmem:v18+s2+$0x0], $0xffff;
	_ =	sdelay $0x2  }
0x7c: {  	v5 =	vmul.u32 $0x13, v5;
	_ =	sdelay $0x1  }
0x7d: {  	v5 =	vadd.s32 v9, v5  }
0x7e: {  	v9 =	vadd.s32 v6, v5  }
0x7f: {  	v5 =	vadd.s32 v8, v5;
	_ =	sdelay $0x3  }
0x80: {  	[tilespmem:v9+s22+$0x0] =	vst.idx.msk $0xffff, v7  }
0x81: {  	[tilespmem:v5+s22+$0x0] =	vst.idx.msk $0xffff, v4  }
0x82: {  	v5 =	vld.idx.msk [tilespmem:v19+s2+$0x0], $0xffff;
	_ =	sdelay $0x1  }
0x83: {  	v9 =	vld.idx.msk [tilespmem:v20+s2+$0x0], $0xffff;
	_ =	sdelay $0x2  }
0x84: {  	v5 =	vmul.u32 $0x13, v5;
	_ =	sdelay $0x1  }
0x85: {  	v5 =	vadd.s32 v9, v5  }
0x86: {  	v9 =	vadd.s32 v11, v5  }
0x87: {  	v5 =	vadd.s32 v12, v5;
	_ =	sdelay $0x3  }
0x88: {  	[tilespmem:v9+s22+$0x0] =	vst.idx.msk $0xffff, v7  }
0x89: {  	[tilespmem:v5+s22+$0x0] =	vst.idx.msk $0xffff, v4  }
0x8a: {  	[hbm4b:s6+s2] =	stream.linear.scatter [tilespmem:s22], [sflag:$0x1], $0xE200, $0x38;
	[tilespmem:$0xF200] =	vst v63  }
0x8b: {  	_ =	swait.ge [sflag:s23], $0xE200  }
0x8c: {  	[sflag:s23] =	ssyncset.done $0x0  }
0x8d: {  	[sflag:s23] =	ssyncadd.s32 $0xFFFF1E00  }
0x8e: {  	v5 =	vld.idx.msk [tilespmem:v17+s2+$0x0], $0xffff;
	_ =	sdelay $0x1  }
0x8f: {  	v9 =	vld.idx.msk [tilespmem:v18+s2+$0x0], $0xffff;
	_ =	sdelay $0x2  }
0x90: {  	v5 =	vmul.u32 $0x13, v5;
	_ =	sdelay $0x1  }
0x91: {  	v5 =	vadd.s32 v9, v5  }
0x92: {  	v9 =	vadd.s32 v6, v5  }
0x93: {  	v5 =	vadd.s32 v8, v5;
	_ =	sdelay $0x3  }
0x94: {  	[tilespmem:v9+s22+$0x0] =	vst.idx.msk $0xffff, v4  }
0x95: {  	[tilespmem:v5+s22+$0x0] =	vst.idx.msk $0xffff, v7  }
0x96: {  	v5 =	vld.idx.msk [tilespmem:v19+s2+$0x0], $0xffff;
	_ =	sdelay $0x1  }
0x97: {  	v9 =	vld.idx.msk [tilespmem:v20+s2+$0x0], $0xffff;
	_ =	sdelay $0x2  }
0x98: {  	v5 =	vmul.u32 $0x13, v5;
	_ =	sdelay $0x1  }
0x99: {  	v5 =	vadd.s32 v9, v5  }
0x9a: {  	v9 =	vadd.s32 v11, v5  }
0x9b: {  	v5 =	vadd.s32 v12, v5;
	_ =	sdelay $0x3  }
0x9c: {  	[tilespmem:v9+s22+$0x0] =	vst.idx.msk $0xffff, v4  }
0x9d: {  	[tilespmem:v5+s22+$0x0] =	vst.idx.msk $0xffff, v7  }
0x9e: {  	v5 =	vld.idx.msk [tilespmem:v21+s2+$0x0], $0xffff;
	_ =	sdelay $0x1  }
0x9f: {  	v9 =	vld.idx.msk [tilespmem:v22+s2+$0x0], $0xffff;
	_ =	sdelay $0x2  }
0xa0: {  	v5 =	vmul.u32 $0x13, v5;
	_ =	sdelay $0x1  }
0xa1: {  	v5 =	vadd.s32 v9, v5  }
0xa2: {  	v9 =	vadd.s32 v6, v5  }
0xa3: {  	v5 =	vadd.s32 v8, v5;
	_ =	sdelay $0x3  }
0xa4: {  	[tilespmem:v9+s22+$0x0] =	vst.idx.msk $0xffff, v7  }
0xa5: {  	[tilespmem:v5+s22+$0x0] =	vst.idx.msk $0xffff, v4  }
0xa6: {  	v5 =	vld.idx.msk [tilespmem:v23+s2+$0x0], $0xffff;
	_ =	sdelay $0x1  }
0xa7: {  	v9 =	vld.idx.msk [tilespmem:v24+s2+$0x0], $0xffff;
	_ =	sdelay $0x2  }
0xa8: {  	v5 =	vmul.u32 $0x13, v5;
	_ =	sdelay $0x1  }
0xa9: {  	v5 =	vadd.s32 v9, v5  }
0xaa: {  	v9 =	vadd.s32 v11, v5  }
0xab: {  	v5 =	vadd.s32 v12, v5;
	_ =	sdelay $0x3  }
0xac: {  	[tilespmem:v9+s22+$0x0] =	vst.idx.msk $0xffff, v7  }
0xad: {  	[tilespmem:v5+s22+$0x0] =	vst.idx.msk $0xffff, v4  }
0xae: {  	[hbm4b:s7+s2] =	stream.linear.scatter [tilespmem:s22], [sflag:$0x1], $0xE200, $0x38;
	[tilespmem:$0xF200] =	vst v63  }
0xaf: {  	_ =	swait.ge [sflag:s23], $0xE200  }
0xb0: {  	[sflag:s23] =	ssyncset.done $0x0  }
0xb1: {  	[sflag:s23] =	ssyncadd.s32 $0xFFFF1E00  }
0xb2: {  	v5 =	vld.idx.msk [tilespmem:v21+s2+$0x0], $0xffff;
	_ =	sdelay $0x1  }
0xb3: {  	v9 =	vld.idx.msk [tilespmem:v22+s2+$0x0], $0xffff;
	_ =	sdelay $0x2  }
0xb4: {  	v5 =	vmul.u32 $0x13, v5;
	_ =	sdelay $0x1  }
0xb5: {  	v5 =	vadd.s32 v9, v5  }
0xb6: {  	v9 =	vadd.s32 v6, v5  }
0xb7: {  	v5 =	vadd.s32 v8, v5;
	_ =	sdelay $0x3  }
0xb8: {  	[tilespmem:v9+s22+$0x0] =	vst.idx.msk $0xffff, v4  }
0xb9: {  	[tilespmem:v5+s22+$0x0] =	vst.idx.msk $0xffff, v7  }
0xba: {  	v5 =	vld.idx.msk [tilespmem:v23+s2+$0x0], $0xffff;
	_ =	sdelay $0x1  }
0xbb: {  	v9 =	vld.idx.msk [tilespmem:v24+s2+$0x0], $0xffff;
	_ =	sdelay $0x2  }
0xbc: {  	v5 =	vmul.u32 $0x13, v5;
	_ =	sdelay $0x1  }
0xbd: {  	v5 =	vadd.s32 v9, v5  }
0xbe: {  	v9 =	vadd.s32 v11, v5  }
0xbf: {  	v5 =	vadd.s32 v12, v5;
	_ =	sdelay $0x3  }
0xc0: {  	[tilespmem:v9+s22+$0x0] =	vst.idx.msk $0xffff, v4  }
0xc1: {  	[tilespmem:v5+s22+$0x0] =	vst.idx.msk $0xffff, v7  }
0xc2: {  	v5 =	vld.idx.msk [tilespmem:v25+s2+$0x0], $0xffff;
	_ =	sdelay $0x1  }
0xc3: {  	v9 =	vld.idx.msk [tilespmem:v26+s2+$0x0], $0xffff;
	_ =	sdelay $0x2  }
0xc4: {  	v5 =	vmul.u32 $0x13, v5;
	_ =	sdelay $0x1  }
0xc5: {  	v5 =	vadd.s32 v9, v5  }
0xc6: {  	v9 =	vadd.s32 v6, v5  }
0xc7: {  	v5 =	vadd.s32 v8, v5;
	_ =	sdelay $0x3  }
0xc8: {  	[tilespmem:v9+s22+$0x0] =	vst.idx.msk $0xffff, v7  }
0xc9: {  	[tilespmem:v5+s22+$0x0] =	vst.idx.msk $0xffff, v4  }
0xca: {  	v5 =	vld.idx.msk [tilespmem:v27+s2+$0x0], $0xffff;
	_ =	sdelay $0x1  }
0xcb: {  	v9 =	vld.idx.msk [tilespmem:v28+s2+$0x0], $0xffff;
	_ =	sdelay $0x2  }
0xcc: {  	v5 =	vmul.u32 $0x13, v5;
	_ =	sdelay $0x1  }
0xcd: {  	v5 =	vadd.s32 v9, v5  }
0xce: {  	v9 =	vadd.s32 v11, v5  }
0xcf: {  	v5 =	vadd.s32 v12, v5;
	_ =	sdelay $0x3  }
0xd0: {  	[tilespmem:v9+s22+$0x0] =	vst.idx.msk $0xffff, v7  }
0xd1: {  	[tilespmem:v5+s22+$0x0] =	vst.idx.msk $0xffff, v4  }
0xd2: {  	[hbm4b:s8+s2] =	stream.linear.scatter [tilespmem:s22], [sflag:$0x1], $0xE200, $0x38;
	[tilespmem:$0xF200] =	vst v63  }
0xd3: {  	_ =	swait.ge [sflag:s23], $0xE200  }
0xd4: {  	[sflag:s23] =	ssyncset.done $0x0  }
0xd5: {  	[sflag:s23] =	ssyncadd.s32 $0xFFFF1E00  }
0xd6: {  	v5 =	vld.idx.msk [tilespmem:v25+s2+$0x0], $0xffff;
	_ =	sdelay $0x1  }
0xd7: {  	v9 =	vld.idx.msk [tilespmem:v26+s2+$0x0], $0xffff;
	_ =	sdelay $0x2  }
0xd8: {  	v5 =	vmul.u32 $0x13, v5;
	_ =	sdelay $0x1  }
0xd9: {  	v5 =	vadd.s32 v9, v5  }
0xda: {  	v9 =	vadd.s32 v6, v5  }
0xdb: {  	v5 =	vadd.s32 v8, v5;
	_ =	sdelay $0x3  }
0xdc: {  	[tilespmem:v9+s22+$0x0] =	vst.idx.msk $0xffff, v4  }
0xdd: {  	[tilespmem:v5+s22+$0x0] =	vst.idx.msk $0xffff, v7  }
0xde: {  	v5 =	vld.idx.msk [tilespmem:v27+s2+$0x0], $0xffff;
	_ =	sdelay $0x1  }
0xdf: {  	v9 =	vld.idx.msk [tilespmem:v28+s2+$0x0], $0xffff;
	_ =	sdelay $0x2  }
0xe0: {  	v5 =	vmul.u32 $0x13, v5;
	_ =	sdelay $0x1  }
0xe1: {  	v5 =	vadd.s32 v9, v5  }
0xe2: {  	v9 =	vadd.s32 v11, v5  }
0xe3: {  	v5 =	vadd.s32 v12, v5;
	_ =	sdelay $0x3  }
0xe4: {  	[tilespmem:v9+s22+$0x0] =	vst.idx.msk $0xffff, v4  }
0xe5: {  	[tilespmem:v5+s22+$0x0] =	vst.idx.msk $0xffff, v7  }
0xe6: {  	v5 =	vld.idx.msk [tilespmem:v29+s2+$0x0], $0xffff;
	_ =	sdelay $0x1  }
0xe7: {  	v9 =	vld.idx.msk [tilespmem:v30+s2+$0x0], $0xffff;
	_ =	sdelay $0x2  }
0xe8: {  	v5 =	vmul.u32 $0x13, v5;
	_ =	sdelay $0x1  }
0xe9: {  	v5 =	vadd.s32 v9, v5  }
0xea: {  	v9 =	vadd.s32 v6, v5  }
0xeb: {  	v5 =	vadd.s32 v8, v5;
	_ =	sdelay $0x3  }
0xec: {  	[tilespmem:v9+s22+$0x0] =	vst.idx.msk $0xffff, v7  }
0xed: {  	[tilespmem:v5+s22+$0x0] =	vst.idx.msk $0xffff, v4  }
0xee: {  	v5 =	vld.idx.msk [tilespmem:v31+s2+$0x0], $0xffff;
	_ =	sdelay $0x1  }
0xef: {  	v9 =	vld.idx.msk [tilespmem:v32+s2+$0x0], $0xffff;
	_ =	sdelay $0x2  }
0xf0: {  	v5 =	vmul.u32 $0x13, v5;
	_ =	sdelay $0x1  }
0xf1: {  	v5 =	vadd.s32 v9, v5  }
0xf2: {  	v9 =	vadd.s32 v11, v5  }
0xf3: {  	v5 =	vadd.s32 v12, v5;
	_ =	sdelay $0x3  }
0xf4: {  	[tilespmem:v9+s22+$0x0] =	vst.idx.msk $0xffff, v7  }
0xf5: {  	[tilespmem:v5+s22+$0x0] =	vst.idx.msk $0xffff, v4  }
0xf6: {  	[hbm4b:s9+s2] =	stream.linear.scatter [tilespmem:s22], [sflag:$0x1], $0xE200, $0x38;
	[tilespmem:$0xF200] =	vst v63  }
0xf7: {  	_ =	swait.ge [sflag:s23], $0xE200  }
0xf8: {  	[sflag:s23] =	ssyncset.done $0x0  }
0xf9: {  	[sflag:s23] =	ssyncadd.s32 $0xFFFF1E00  }
0xfa: {  	v5 =	vld.idx.msk [tilespmem:v29+s2+$0x0], $0xffff;
	_ =	sdelay $0x1  }
0xfb: {  	v9 =	vld.idx.msk [tilespmem:v30+s2+$0x0], $0xffff;
	_ =	sdelay $0x2  }
0xfc: {  	v5 =	vmul.u32 $0x13, v5;
	_ =	sdelay $0x1  }
0xfd: {  	v5 =	vadd.s32 v9, v5  }
0xfe: {  	v9 =	vadd.s32 v6, v5  }
0xff: {  	v5 =	vadd.s32 v8, v5;
	_ =	sdelay $0x3  }
0x100: {  	[tilespmem:v9+s22+$0x0] =	vst.idx.msk $0xffff, v4  }
0x101: {  	[tilespmem:v5+s22+$0x0] =	vst.idx.msk $0xffff, v7  }
0x102: {  	v5 =	vld.idx.msk [tilespmem:v31+s2+$0x0], $0xffff;
	_ =	sdelay $0x1  }
0x103: {  	v9 =	vld.idx.msk [tilespmem:v32+s2+$0x0], $0xffff;
	_ =	sdelay $0x2  }
0x104: {  	v5 =	vmul.u32 $0x13, v5;
	_ =	sdelay $0x1  }
0x105: {  	v5 =	vadd.s32 v9, v5  }
0x106: {  	v9 =	vadd.s32 v11, v5  }
0x107: {  	v5 =	vadd.s32 v12, v5;
	_ =	sdelay $0x3  }
0x108: {  	[tilespmem:v9+s22+$0x0] =	vst.idx.msk $0xffff, v4  }
0x109: {  	[tilespmem:v5+s22+$0x0] =	vst.idx.msk $0xffff, v7  }
0x10a: {  	v5 =	vld.idx.msk [tilespmem:v33+s2+$0x0], $0xffff;
	_ =	sdelay $0x1  }
0x10b: {  	v9 =	vld.idx.msk [tilespmem:v34+s2+$0x0], $0xffff;
	_ =	sdelay $0x2  }
0x10c: {  	v5 =	vmul.u32 $0x13, v5;
	_ =	sdelay $0x1  }
0x10d: {  	v5 =	vadd.s32 v9, v5  }
0x10e: {  	v9 =	vadd.s32 v6, v5  }
0x10f: {  	v5 =	vadd.s32 v8, v5;
	_ =	sdelay $0x3  }
0x110: {  	[tilespmem:v9+s22+$0x0] =	vst.idx.msk $0xffff, v7  }
0x111: {  	[tilespmem:v5+s22+$0x0] =	vst.idx.msk $0xffff, v4  }
0x112: {  	v5 =	vld.idx.msk [tilespmem:v35+s2+$0x0], $0xffff;
	_ =	sdelay $0x1  }
0x113: {  	v9 =	vld.idx.msk [tilespmem:v36+s2+$0x0], $0xffff;
	_ =	sdelay $0x2  }
0x114: {  	v5 =	vmul.u32 $0x13, v5;
	_ =	sdelay $0x1  }
0x115: {  	v5 =	vadd.s32 v9, v5  }
0x116: {  	v9 =	vadd.s32 v11, v5  }
0x117: {  	v5 =	vadd.s32 v12, v5;
	_ =	sdelay $0x3  }
0x118: {  	[tilespmem:v9+s22+$0x0] =	vst.idx.msk $0xffff, v7  }
0x119: {  	[tilespmem:v5+s22+$0x0] =	vst.idx.msk $0xffff, v4  }
0x11a: {  	[hbm4b:s10+s2] =	stream.linear.scatter [tilespmem:s22], [sflag:$0x1], $0xE200, $0x38;
	[tilespmem:$0xF200] =	vst v63  }
0x11b: {  	_ =	swait.ge [sflag:s23], $0xE200  }
0x11c: {  	[sflag:s23] =	ssyncset.done $0x0  }
0x11d: {  	[sflag:s23] =	ssyncadd.s32 $0xFFFF1E00  }
0x11e: {  	v5 =	vld.idx.msk [tilespmem:v33+s2+$0x0], $0xffff;
	_ =	sdelay $0x1  }
0x11f: {  	v9 =	vld.idx.msk [tilespmem:v34+s2+$0x0], $0xffff;
	_ =	sdelay $0x2  }
0x120: {  	v5 =	vmul.u32 $0x13, v5;
	_ =	sdelay $0x1  }
0x121: {  	v5 =	vadd.s32 v9, v5  }
0x122: {  	v9 =	vadd.s32 v6, v5  }
0x123: {  	v5 =	vadd.s32 v8, v5;
	_ =	sdelay $0x3  }
0x124: {  	[tilespmem:v9+s22+$0x0] =	vst.idx.msk $0xffff, v4  }
0x125: {  	[tilespmem:v5+s22+$0x0] =	vst.idx.msk $0xffff, v7  }
0x126: {  	v5 =	vld.idx.msk [tilespmem:v35+s2+$0x0], $0xffff;
	_ =	sdelay $0x1  }
0x127: {  	v9 =	vld.idx.msk [tilespmem:v36+s2+$0x0], $0xffff;
	_ =	sdelay $0x2  }
0x128: {  	v5 =	vmul.u32 $0x13, v5;
	_ =	sdelay $0x1  }
0x129: {  	v5 =	vadd.s32 v9, v5  }
0x12a: {  	v9 =	vadd.s32 v11, v5  }
0x12b: {  	v5 =	vadd.s32 v12, v5;
	_ =	sdelay $0x3  }
0x12c: {  	[tilespmem:v9+s22+$0x0] =	vst.idx.msk $0xffff, v4  }
0x12d: {  	[tilespmem:v5+s22+$0x0] =	vst.idx.msk $0xffff, v7  }
0x12e: {  	v5 =	vld.idx.msk [tilespmem:v37+s2+$0x0], $0xffff;
	_ =	sdelay $0x1  }
0x12f: {  	v9 =	vld.idx.msk [tilespmem:v38+s2+$0x0], $0xffff;
	_ =	sdelay $0x2  }
0x130: {  	v5 =	vmul.u32 $0x13, v5;
	_ =	sdelay $0x1  }
0x131: {  	v5 =	vadd.s32 v9, v5  }
0x132: {  	v9 =	vadd.s32 v6, v5  }
0x133: {  	v5 =	vadd.s32 v8, v5;
	_ =	sdelay $0x3  }
0x134: {  	[tilespmem:v9+s22+$0x0] =	vst.idx.msk $0xffff, v7  }
0x135: {  	[tilespmem:v5+s22+$0x0] =	vst.idx.msk $0xffff, v4  }
0x136: {  	v5 =	vld.idx.msk [tilespmem:v39+s2+$0x0], $0xffff;
	_ =	sdelay $0x1  }
0x137: {  	v9 =	vld.idx.msk [tilespmem:v40+s2+$0x0], $0xffff;
	_ =	sdelay $0x2  }
0x138: {  	v5 =	vmul.u32 $0x13, v5;
	_ =	sdelay $0x1  }
0x139: {  	v5 =	vadd.s32 v9, v5  }
0x13a: {  	v9 =	vadd.s32 v11, v5  }
0x13b: {  	v5 =	vadd.s32 v12, v5;
	_ =	sdelay $0x3  }
0x13c: {  	[tilespmem:v9+s22+$0x0] =	vst.idx.msk $0xffff, v7  }
0x13d: {  	[tilespmem:v5+s22+$0x0] =	vst.idx.msk $0xffff, v4  }
0x13e: {  	[hbm4b:s11+s2] =	stream.linear.scatter [tilespmem:s22], [sflag:$0x1], $0xE200, $0x38;
	[tilespmem:$0xF200] =	vst v63  }
0x13f: {  	_ =	swait.ge [sflag:s23], $0xE200  }
0x140: {  	[sflag:s23] =	ssyncset.done $0x0  }
0x141: {  	[sflag:s23] =	ssyncadd.s32 $0xFFFF1E00  }
0x142: {  	v5 =	vld.idx.msk [tilespmem:v37+s2+$0x0], $0xffff;
	_ =	sdelay $0x1  }
0x143: {  	v9 =	vld.idx.msk [tilespmem:v38+s2+$0x0], $0xffff;
	_ =	sdelay $0x2  }
0x144: {  	v5 =	vmul.u32 $0x13, v5;
	_ =	sdelay $0x1  }
0x145: {  	v5 =	vadd.s32 v9, v5  }
0x146: {  	v9 =	vadd.s32 v6, v5  }
0x147: {  	v5 =	vadd.s32 v8, v5;
	_ =	sdelay $0x3  }
0x148: {  	[tilespmem:v9+s22+$0x0] =	vst.idx.msk $0xffff, v4  }
0x149: {  	[tilespmem:v5+s22+$0x0] =	vst.idx.msk $0xffff, v7  }
0x14a: {  	v5 =	vld.idx.msk [tilespmem:v39+s2+$0x0], $0xffff;
	_ =	sdelay $0x1  }
0x14b: {  	v9 =	vld.idx.msk [tilespmem:v40+s2+$0x0], $0xffff;
	_ =	sdelay $0x2  }
0x14c: {  	v5 =	vmul.u32 $0x13, v5;
	_ =	sdelay $0x1  }
0x14d: {  	v5 =	vadd.s32 v9, v5  }
0x14e: {  	v9 =	vadd.s32 v11, v5  }
0x14f: {  	v5 =	vadd.s32 v12, v5;
	_ =	sdelay $0x3  }
0x150: {  	[tilespmem:v9+s22+$0x0] =	vst.idx.msk $0xffff, v4  }
0x151: {  	[tilespmem:v5+s22+$0x0] =	vst.idx.msk $0xffff, v7  }
0x152: {  	v5 =	vld.idx.msk [tilespmem:v41+s2+$0x0], $0xffff;
	_ =	sdelay $0x1  }
0x153: {  	v9 =	vld.idx.msk [tilespmem:v42+s2+$0x0], $0xffff;
	_ =	sdelay $0x2  }
0x154: {  	v5 =	vmul.u32 $0x13, v5;
	_ =	sdelay $0x1  }
0x155: {  	v5 =	vadd.s32 v9, v5  }
0x156: {  	v9 =	vadd.s32 v6, v5  }
0x157: {  	v5 =	vadd.s32 v8, v5;
	_ =	sdelay $0x3  }
0x158: {  	[tilespmem:v9+s22+$0x0] =	vst.idx.msk $0xffff, v7  }
0x159: {  	[tilespmem:v5+s22+$0x0] =	vst.idx.msk $0xffff, v4  }
0x15a: {  	v5 =	vld.idx.msk [tilespmem:v43+s2+$0x0], $0xffff;
	_ =	sdelay $0x1  }
0x15b: {  	v9 =	vld.idx.msk [tilespmem:v44+s2+$0x0], $0xffff;
	_ =	sdelay $0x2  }
0x15c: {  	v5 =	vmul.u32 $0x13, v5;
	_ =	sdelay $0x1  }
0x15d: {  	v5 =	vadd.s32 v9, v5  }
0x15e: {  	v9 =	vadd.s32 v11, v5  }
0x15f: {  	v5 =	vadd.s32 v12, v5;
	_ =	sdelay $0x3  }
0x160: {  	[tilespmem:v9+s22+$0x0] =	vst.idx.msk $0xffff, v7  }
0x161: {  	[tilespmem:v5+s22+$0x0] =	vst.idx.msk $0xffff, v4  }
0x162: {  	[hbm4b:s12+s2] =	stream.linear.scatter [tilespmem:s22], [sflag:$0x1], $0xE200, $0x38;
	[tilespmem:$0xF200] =	vst v63  }
0x163: {  	_ =	swait.ge [sflag:s23], $0xE200  }
0x164: {  	[sflag:s23] =	ssyncset.done $0x0  }
0x165: {  	[sflag:s23] =	ssyncadd.s32 $0xFFFF1E00  }
0x166: {  	v5 =	vld.idx.msk [tilespmem:v41+s2+$0x0], $0xffff;
	_ =	sdelay $0x1  }
0x167: {  	v9 =	vld.idx.msk [tilespmem:v42+s2+$0x0], $0xffff;
	_ =	sdelay $0x2  }
0x168: {  	v5 =	vmul.u32 $0x13, v5;
	_ =	sdelay $0x1  }
0x169: {  	v5 =	vadd.s32 v9, v5  }
0x16a: {  	v9 =	vadd.s32 v6, v5  }
0x16b: {  	v5 =	vadd.s32 v8, v5;
	_ =	sdelay $0x3  }
0x16c: {  	[tilespmem:v9+s22+$0x0] =	vst.idx.msk $0xffff, v4  }
0x16d: {  	[tilespmem:v5+s22+$0x0] =	vst.idx.msk $0xffff, v7  }
0x16e: {  	v5 =	vld.idx.msk [tilespmem:v43+s2+$0x0], $0xffff;
	_ =	sdelay $0x1  }
0x16f: {  	v9 =	vld.idx.msk [tilespmem:v44+s2+$0x0], $0xffff;
	_ =	sdelay $0x2  }
0x170: {  	v5 =	vmul.u32 $0x13, v5;
	_ =	sdelay $0x1  }
0x171: {  	v5 =	vadd.s32 v9, v5  }
0x172: {  	v9 =	vadd.s32 v11, v5  }
0x173: {  	v5 =	vadd.s32 v12, v5;
	_ =	sdelay $0x3  }
0x174: {  	[tilespmem:v9+s22+$0x0] =	vst.idx.msk $0xffff, v4  }
0x175: {  	[tilespmem:v5+s22+$0x0] =	vst.idx.msk $0xffff, v7  }
0x176: {  	v5 =	vld.idx.msk [tilespmem:v45+s2+$0x0], $0xffff;
	_ =	sdelay $0x1  }
0x177: {  	v9 =	vld.idx.msk [tilespmem:v46+s2+$0x0], $0xffff;
	_ =	sdelay $0x2  }
0x178: {  	v5 =	vmul.u32 $0x13, v5;
	_ =	sdelay $0x1  }
0x179: {  	v5 =	vadd.s32 v9, v5  }
0x17a: {  	v9 =	vadd.s32 v6, v5  }
0x17b: {  	v5 =	vadd.s32 v8, v5;
	_ =	sdelay $0x3  }
0x17c: {  	[tilespmem:v9+s22+$0x0] =	vst.idx.msk $0xffff, v7  }
0x17d: {  	[tilespmem:v5+s22+$0x0] =	vst.idx.msk $0xffff, v4  }
0x17e: {  	v5 =	vld.idx.msk [tilespmem:v47+s2+$0x0], $0xffff;
	_ =	sdelay $0x1  }
0x17f: {  	v9 =	vld.idx.msk [tilespmem:v48+s2+$0x0], $0xffff;
	_ =	sdelay $0x2  }
0x180: {  	v5 =	vmul.u32 $0x13, v5;
	_ =	sdelay $0x1  }
0x181: {  	v5 =	vadd.s32 v9, v5  }
0x182: {  	v9 =	vadd.s32 v11, v5  }
0x183: {  	v5 =	vadd.s32 v12, v5;
	_ =	sdelay $0x3  }
0x184: {  	[tilespmem:v9+s22+$0x0] =	vst.idx.msk $0xffff, v7  }
0x185: {  	[tilespmem:v5+s22+$0x0] =	vst.idx.msk $0xffff, v4  }
0x186: {  	[hbm4b:s13+s2] =	stream.linear.scatter [tilespmem:s22], [sflag:$0x1], $0xE200, $0x38;
	[tilespmem:$0xF200] =	vst v63  }
0x187: {  	_ =	swait.ge [sflag:s23], $0xE200  }
0x188: {  	[sflag:s23] =	ssyncset.done $0x0  }
0x189: {  	[sflag:s23] =	ssyncadd.s32 $0xFFFF1E00  }
0x18a: {  	v5 =	vld.idx.msk [tilespmem:v45+s2+$0x0], $0xffff;
	_ =	sdelay $0x1  }
0x18b: {  	v9 =	vld.idx.msk [tilespmem:v46+s2+$0x0], $0xffff;
	_ =	sdelay $0x2  }
0x18c: {  	v5 =	vmul.u32 $0x13, v5;
	_ =	sdelay $0x1  }
0x18d: {  	v5 =	vadd.s32 v9, v5  }
0x18e: {  	v9 =	vadd.s32 v6, v5  }
0x18f: {  	v5 =	vadd.s32 v8, v5;
	_ =	sdelay $0x3  }
0x190: {  	[tilespmem:v9+s22+$0x0] =	vst.idx.msk $0xffff, v4  }
0x191: {  	[tilespmem:v5+s22+$0x0] =	vst.idx.msk $0xffff, v7  }
0x192: {  	v5 =	vld.idx.msk [tilespmem:v47+s2+$0x0], $0xffff;
	_ =	sdelay $0x1  }
0x193: {  	v9 =	vld.idx.msk [tilespmem:v48+s2+$0x0], $0xffff;
	_ =	sdelay $0x2  }
0x194: {  	v5 =	vmul.u32 $0x13, v5;
	_ =	sdelay $0x1  }
0x195: {  	v5 =	vadd.s32 v9, v5  }
0x196: {  	v9 =	vadd.s32 v11, v5  }
0x197: {  	v5 =	vadd.s32 v12, v5;
	_ =	sdelay $0x3  }
0x198: {  	[tilespmem:v9+s22+$0x0] =	vst.idx.msk $0xffff, v4  }
0x199: {  	[tilespmem:v5+s22+$0x0] =	vst.idx.msk $0xffff, v7  }
0x19a: {  	v5 =	vld.idx.msk [tilespmem:v49+s2+$0x0], $0xffff;
	_ =	sdelay $0x1  }
0x19b: {  	v9 =	vld.idx.msk [tilespmem:v50+s2+$0x0], $0xffff;
	_ =	sdelay $0x2  }
0x19c: {  	v5 =	vmul.u32 $0x13, v5;
	_ =	sdelay $0x1  }
0x19d: {  	v5 =	vadd.s32 v9, v5  }
0x19e: {  	v9 =	vadd.s32 v6, v5  }
0x19f: {  	v5 =	vadd.s32 v8, v5;
	_ =	sdelay $0x3  }
0x1a0: {  	[tilespmem:v9+s22+$0x0] =	vst.idx.msk $0xffff, v7  }
0x1a1: {  	[tilespmem:v5+s22+$0x0] =	vst.idx.msk $0xffff, v4  }
0x1a2: {  	v5 =	vld.idx.msk [tilespmem:v51+s2+$0x0], $0xffff;
	_ =	sdelay $0x1  }
0x1a3: {  	v9 =	vld.idx.msk [tilespmem:v52+s2+$0x0], $0xffff;
	_ =	sdelay $0x2  }
0x1a4: {  	v5 =	vmul.u32 $0x13, v5;
	_ =	sdelay $0x1  }
0x1a5: {  	v5 =	vadd.s32 v9, v5  }
0x1a6: {  	v9 =	vadd.s32 v11, v5  }
0x1a7: {  	v5 =	vadd.s32 v12, v5;
	_ =	sdelay $0x3  }
0x1a8: {  	[tilespmem:v9+s22+$0x0] =	vst.idx.msk $0xffff, v7  }
0x1a9: {  	[tilespmem:v5+s22+$0x0] =	vst.idx.msk $0xffff, v4  }
0x1aa: {  	[hbm4b:s14+s2] =	stream.linear.scatter [tilespmem:s22], [sflag:$0x1], $0xE200, $0x38;
	[tilespmem:$0xF200] =	vst v63  }
0x1ab: {  	_ =	swait.ge [sflag:s23], $0xE200  }
0x1ac: {  	[sflag:s23] =	ssyncset.done $0x0  }
0x1ad: {  	[sflag:s23] =	ssyncadd.s32 $0xFFFF1E00  }
0x1ae: {  	v5 =	vld.idx.msk [tilespmem:v49+s2+$0x0], $0xffff;
	_ =	sdelay $0x1  }
0x1af: {  	v9 =	vld.idx.msk [tilespmem:v50+s2+$0x0], $0xffff;
	_ =	sdelay $0x2  }
0x1b0: {  	v5 =	vmul.u32 $0x13, v5;
	_ =	sdelay $0x1  }
0x1b1: {  	v5 =	vadd.s32 v9, v5  }
0x1b2: {  	v9 =	vadd.s32 v6, v5  }
0x1b3: {  	v5 =	vadd.s32 v8, v5;
	_ =	sdelay $0x3  }
0x1b4: {  	[tilespmem:v9+s22+$0x0] =	vst.idx.msk $0xffff, v4  }
0x1b5: {  	[tilespmem:v5+s22+$0x0] =	vst.idx.msk $0xffff, v7  }
0x1b6: {  	v5 =	vld.idx.msk [tilespmem:v51+s2+$0x0], $0xffff;
	_ =	sdelay $0x1  }
0x1b7: {  	v9 =	vld.idx.msk [tilespmem:v52+s2+$0x0], $0xffff;
	_ =	sdelay $0x2  }
0x1b8: {  	v5 =	vmul.u32 $0x13, v5;
	_ =	sdelay $0x1  }
0x1b9: {  	v5 =	vadd.s32 v9, v5  }
0x1ba: {  	v9 =	vadd.s32 v11, v5  }
0x1bb: {  	v5 =	vadd.s32 v12, v5;
	_ =	sdelay $0x3  }
0x1bc: {  	[tilespmem:v9+s22+$0x0] =	vst.idx.msk $0xffff, v4  }
0x1bd: {  	[tilespmem:v5+s22+$0x0] =	vst.idx.msk $0xffff, v7  }
0x1be: {  	v5 =	vld.idx.msk [tilespmem:v53+s2+$0x0], $0xffff;
	_ =	sdelay $0x1  }
0x1bf: {  	v9 =	vld.idx.msk [tilespmem:v54+s2+$0x0], $0xffff;
	_ =	sdelay $0x2  }
0x1c0: {  	v5 =	vmul.u32 $0x13, v5;
	_ =	sdelay $0x1  }
0x1c1: {  	v5 =	vadd.s32 v9, v5  }
0x1c2: {  	v9 =	vadd.s32 v6, v5  }
0x1c3: {  	v5 =	vadd.s32 v8, v5;
	_ =	sdelay $0x3  }
0x1c4: {  	[tilespmem:v9+s22+$0x0] =	vst.idx.msk $0xffff, v7  }
0x1c5: {  	[tilespmem:v5+s22+$0x0] =	vst.idx.msk $0xffff, v4  }
0x1c6: {  	v5 =	vld.idx.msk [tilespmem:v55+s2+$0x0], $0xffff;
	_ =	sdelay $0x1  }
0x1c7: {  	v9 =	vld.idx.msk [tilespmem:v56+s2+$0x0], $0xffff;
	_ =	sdelay $0x2  }
0x1c8: {  	v5 =	vmul.u32 $0x13, v5;
	_ =	sdelay $0x1  }
0x1c9: {  	v5 =	vadd.s32 v9, v5  }
0x1ca: {  	v9 =	vadd.s32 v11, v5  }
0x1cb: {  	v5 =	vadd.s32 v12, v5;
	_ =	sdelay $0x3  }
0x1cc: {  	[tilespmem:v9+s22+$0x0] =	vst.idx.msk $0xffff, v7  }
0x1cd: {  	[tilespmem:v5+s22+$0x0] =	vst.idx.msk $0xffff, v4  }
0x1ce: {  	[hbm4b:s15+s2] =	stream.linear.scatter [tilespmem:s22], [sflag:$0x1], $0xE200, $0x38;
	[tilespmem:$0xF200] =	vst v63  }
0x1cf: {  	_ =	swait.ge [sflag:s23], $0xE200  }
0x1d0: {  	[sflag:s23] =	ssyncset.done $0x0  }
0x1d1: {  	[sflag:s23] =	ssyncadd.s32 $0xFFFF1E00  }
0x1d2: {  	v5 =	vld.idx.msk [tilespmem:v53+s2+$0x0], $0xffff;
	_ =	sdelay $0x1  }
0x1d3: {  	v9 =	vld.idx.msk [tilespmem:v54+s2+$0x0], $0xffff;
	_ =	sdelay $0x2  }
0x1d4: {  	v5 =	vmul.u32 $0x13, v5;
	_ =	sdelay $0x1  }
0x1d5: {  	v5 =	vadd.s32 v9, v5  }
0x1d6: {  	v9 =	vadd.s32 v6, v5  }
0x1d7: {  	v5 =	vadd.s32 v8, v5;
	_ =	sdelay $0x3  }
0x1d8: {  	[tilespmem:v9+s22+$0x0] =	vst.idx.msk $0xffff, v4  }
0x1d9: {  	[tilespmem:v5+s22+$0x0] =	vst.idx.msk $0xffff, v7  }
0x1da: {  	v5 =	vld.idx.msk [tilespmem:v55+s2+$0x0], $0xffff;
	_ =	sdelay $0x1  }
0x1db: {  	v9 =	vld.idx.msk [tilespmem:v56+s2+$0x0], $0xffff;
	_ =	sdelay $0x2  }
0x1dc: {  	v5 =	vmul.u32 $0x13, v5;
	_ =	sdelay $0x1  }
0x1dd: {  	v5 =	vadd.s32 v9, v5  }
0x1de: {  	v9 =	vadd.s32 v11, v5  }
0x1df: {  	v5 =	vadd.s32 v12, v5;
	_ =	sdelay $0x3  }
0x1e0: {  	[tilespmem:v9+s22+$0x0] =	vst.idx.msk $0xffff, v4  }
0x1e1: {  	[tilespmem:v5+s22+$0x0] =	vst.idx.msk $0xffff, v7  }
0x1e2: {  	v5 =	vld.idx.msk [tilespmem:v57+s2+$0x0], $0xffff;
	_ =	sdelay $0x1  }
0x1e3: {  	v9 =	vld.idx.msk [tilespmem:v58+s2+$0x0], $0xffff;
	_ =	sdelay $0x2  }
0x1e4: {  	v5 =	vmul.u32 $0x13, v5;
	_ =	sdelay $0x1  }
0x1e5: {  	v5 =	vadd.s32 v9, v5  }
0x1e6: {  	v9 =	vadd.s32 v6, v5  }
0x1e7: {  	v5 =	vadd.s32 v8, v5;
	_ =	sdelay $0x3  }
0x1e8: {  	[tilespmem:v9+s22+$0x0] =	vst.idx.msk $0xffff, v7  }
0x1e9: {  	[tilespmem:v5+s22+$0x0] =	vst.idx.msk $0xffff, v4  }
0x1ea: {  	v5 =	vld.idx.msk [tilespmem:v59+s2+$0x0], $0xffff;
	_ =	sdelay $0x1  }
0x1eb: {  	v9 =	vld.idx.msk [tilespmem:v60+s2+$0x0], $0xffff;
	_ =	sdelay $0x2  }
0x1ec: {  	v5 =	vmul.u32 $0x13, v5;
	_ =	sdelay $0x1  }
0x1ed: {  	v5 =	vadd.s32 v9, v5  }
0x1ee: {  	v9 =	vadd.s32 v11, v5  }
0x1ef: {  	v5 =	vadd.s32 v12, v5;
	_ =	sdelay $0x3  }
0x1f0: {  	[tilespmem:v9+s22+$0x0] =	vst.idx.msk $0xffff, v7  }
0x1f1: {  	[tilespmem:v5+s22+$0x0] =	vst.idx.msk $0xffff, v4  }
0x1f2: {  	[hbm4b:s16+s2] =	stream.linear.scatter [tilespmem:s22], [sflag:$0x1], $0xE200, $0x38;
	[tilespmem:$0xF200] =	vst v63  }
0x1f3: {  	_ =	swait.ge [sflag:s23], $0xE200  }
0x1f4: {  	[sflag:s23] =	ssyncset.done $0x0  }
0x1f5: {  	[sflag:s23] =	ssyncadd.s32 $0xFFFF1E00  }
0x1f6: {  	v5 =	vld.idx.msk [tilespmem:v57+s2+$0x0], $0xffff;
	_ =	sdelay $0x1  }
0x1f7: {  	v9 =	vld.idx.msk [tilespmem:v58+s2+$0x0], $0xffff;
	_ =	sdelay $0x2  }
0x1f8: {  	v5 =	vmul.u32 $0x13, v5;
	_ =	sdelay $0x1  }
0x1f9: {  	v5 =	vadd.s32 v9, v5  }
0x1fa: {  	v9 =	vadd.s32 v6, v5  }
0x1fb: {  	v5 =	vadd.s32 v8, v5;
	_ =	sdelay $0x3  }
0x1fc: {  	[tilespmem:v9+s22+$0x0] =	vst.idx.msk $0xffff, v4  }
0x1fd: {  	[tilespmem:v5+s22+$0x0] =	vst.idx.msk $0xffff, v7  }
0x1fe: {  	v5 =	vld.idx.msk [tilespmem:v59+s2+$0x0], $0xffff;
	_ =	sdelay $0x1  }
0x1ff: {  	v9 =	vld.idx.msk [tilespmem:v60+s2+$0x0], $0xffff;
	_ =	sdelay $0x2  }
0x200: {  	v5 =	vmul.u32 $0x13, v5;
	_ =	sdelay $0x1  }
0x201: {  	v5 =	vadd.s32 v9, v5  }
0x202: {  	v9 =	vadd.s32 v11, v5  }
0x203: {  	v5 =	vadd.s32 v12, v5;
	_ =	sdelay $0x3  }
0x204: {  	[tilespmem:v9+s22+$0x0] =	vst.idx.msk $0xffff, v4  }
0x205: {  	[tilespmem:v5+s22+$0x0] =	vst.idx.msk $0xffff, v7  }
0x206: {  	v5 =	vld.idx.msk [tilespmem:v61+s2+$0x0], $0xffff;
	_ =	sdelay $0x1  }
0x207: {  	v9 =	vld.idx.msk [tilespmem:v62+s2+$0x0], $0xffff;
	_ =	sdelay $0x2  }
0x208: {  	v5 =	vmul.u32 $0x13, v5;
	_ =	sdelay $0x1  }
0x209: {  	v5 =	vadd.s32 v9, v5  }
0x20a: {  	v9 =	vadd.s32 v6, v5  }
0x20b: {  	v5 =	vadd.s32 v8, v5;
	_ =	sdelay $0x2  }
0x20c: {  	v10 =	vor.u32 $0xD81, v1  }
0x20d: {  	[tilespmem:v9+s22+$0x0] =	vst.idx.msk $0xffff, v7  }
0x20e: {  	[tilespmem:v5+s22+$0x0] =	vst.idx.msk $0xffff, v4  }
0x20f: {  	v5 =	vld.idx.msk [tilespmem:v63+s2+$0x0], $0xffff;
	_ =	sdelay $0x1  }
0x210: {  	v9 =	vld.idx.msk [tilespmem:v10+s2+$0x0], $0xffff;
	_ =	sdelay $0x2  }
0x211: {  	v5 =	vmul.u32 $0x13, v5;
	_ =	sdelay $0x1  }
0x212: {  	v5 =	vadd.s32 v9, v5  }
0x213: {  	v9 =	vadd.s32 v11, v5  }
0x214: {  	v5 =	vadd.s32 v12, v5;
	_ =	sdelay $0x3  }
0x215: {  	[tilespmem:v9+s22+$0x0] =	vst.idx.msk $0xffff, v7  }
0x216: {  	[tilespmem:v5+s22+$0x0] =	vst.idx.msk $0xffff, v4  }
0x217: {  	[hbm4b:s17+s2] =	stream.linear.scatter [tilespmem:s22], [sflag:$0x1], $0xE200, $0x38;
	[tilespmem:$0xF200] =	vst v63  }
0x218: {  	_ =	swait.ge [sflag:s23], $0xE200  }
0x219: {  	[sflag:s23] =	ssyncset.done $0x0  }
0x21a: {  	[sflag:s23] =	ssyncadd.s32 $0xFFFF1E00  }
0x21b: {  	v5 =	vld.idx.msk [tilespmem:v61+s2+$0x0], $0xffff;
	_ =	sdelay $0x1  }
0x21c: {  	v9 =	vld.idx.msk [tilespmem:v62+s2+$0x0], $0xffff;
	_ =	sdelay $0x2  }
0x21d: {  	v5 =	vmul.u32 $0x13, v5;
	_ =	sdelay $0x1  }
0x21e: {  	v5 =	vadd.s32 v9, v5  }
0x21f: {  	v9 =	vadd.s32 v6, v5  }
0x220: {  	v5 =	vadd.s32 v8, v5;
	_ =	sdelay $0x3  }
0x221: {  	[tilespmem:v9+s22+$0x0] =	vst.idx.msk $0xffff, v4  }
0x222: {  	[tilespmem:v5+s22+$0x0] =	vst.idx.msk $0xffff, v7  }
0x223: {  	v5 =	vld.idx.msk [tilespmem:v63+s2+$0x0], $0xffff;
	_ =	sdelay $0x1  }
0x224: {  	v9 =	vld.idx.msk [tilespmem:v10+s2+$0x0], $0xffff;
	_ =	sdelay $0x2  }
0x225: {  	v5 =	vmul.u32 $0x13, v5;
	_ =	sdelay $0x1  }
0x226: {  	v5 =	vadd.s32 v9, v5  }
0x227: {  	v9 =	vadd.s32 v11, v5  }
0x228: {  	v5 =	vadd.s32 v12, v5  }
0x229: {  	v10 =	vor.u32 $0xE00, v1;
	_ =	sdelay $0x1  }
0x22a: {  	v13 =	vor.u32 $0xE01, v1  }
0x22b: {  	[tilespmem:v9+s22+$0x0] =	vst.idx.msk $0xffff, v4  }
0x22c: {  	[tilespmem:v5+s22+$0x0] =	vst.idx.msk $0xffff, v7  }
0x22d: {  	v5 =	vld.idx.msk [tilespmem:v10+s2+$0x0], $0xffff;
	_ =	sdelay $0x1  }
0x22e: {  	v9 =	vld.idx.msk [tilespmem:v13+s2+$0x0], $0xffff;
	_ =	sdelay $0x2  }
0x22f: {  	v5 =	vmul.u32 $0x13, v5;
	_ =	sdelay $0x1  }
0x230: {  	v5 =	vadd.s32 v9, v5  }
0x231: {  	v9 =	vadd.s32 v6, v5  }
0x232: {  	v5 =	vadd.s32 v8, v5  }
0x233: {  	v14 =	vor.u32 $0xE80, v1;
	_ =	sdelay $0x1  }
0x234: {  	v15 =	vor.u32 $0xE81, v1  }
0x235: {  	[tilespmem:v9+s22+$0x0] =	vst.idx.msk $0xffff, v7  }
0x236: {  	[tilespmem:v5+s22+$0x0] =	vst.idx.msk $0xffff, v4  }
0x237: {  	v5 =	vld.idx.msk [tilespmem:v14+s2+$0x0], $0xffff;
	_ =	sdelay $0x1  }
0x238: {  	v9 =	vld.idx.msk [tilespmem:v15+s2+$0x0], $0xffff;
	_ =	sdelay $0x2  }
0x239: {  	v5 =	vmul.u32 $0x13, v5;
	_ =	sdelay $0x1  }
0x23a: {  	v5 =	vadd.s32 v9, v5  }
0x23b: {  	v9 =	vadd.s32 v11, v5  }
0x23c: {  	v5 =	vadd.s32 v12, v5;
	_ =	sdelay $0x3  }
0x23d: {  	[tilespmem:v9+s22+$0x0] =	vst.idx.msk $0xffff, v7  }
0x23e: {  	[tilespmem:v5+s22+$0x0] =	vst.idx.msk $0xffff, v4  }
0x23f: {  	[hbm4b:s18+s2] =	stream.linear.scatter [tilespmem:s22], [sflag:$0x1], $0xE200, $0x38;
	[tilespmem:$0xF200] =	vst v63  }
0x240: {  	_ =	swait.ge [sflag:s23], $0xE200  }
0x241: {  	[sflag:s23] =	ssyncset.done $0x0  }
0x242: {  	[sflag:s23] =	ssyncadd.s32 $0xFFFF1E00  }
0x243: {  	v5 =	vld.idx.msk [tilespmem:v10+s2+$0x0], $0xffff;
	_ =	sdelay $0x1  }
0x244: {  	v9 =	vld.idx.msk [tilespmem:v13+s2+$0x0], $0xffff;
	_ =	sdelay $0x2  }
0x245: {  	v5 =	vmul.u32 $0x13, v5;
	_ =	sdelay $0x1  }
0x246: {  	v5 =	vadd.s32 v9, v5  }
0x247: {  	v9 =	vadd.s32 v6, v5  }
0x248: {  	v5 =	vadd.s32 v8, v5;
	_ =	sdelay $0x3  }
0x249: {  	[tilespmem:v9+s22+$0x0] =	vst.idx.msk $0xffff, v4  }
0x24a: {  	[tilespmem:v5+s22+$0x0] =	vst.idx.msk $0xffff, v7  }
0x24b: {  	v5 =	vld.idx.msk [tilespmem:v14+s2+$0x0], $0xffff;
	_ =	sdelay $0x1  }
0x24c: {  	v9 =	vld.idx.msk [tilespmem:v15+s2+$0x0], $0xffff;
	_ =	sdelay $0x2  }
0x24d: {  	v5 =	vmul.u32 $0x13, v5;
	_ =	sdelay $0x1  }
0x24e: {  	v5 =	vadd.s32 v9, v5  }
0x24f: {  	v9 =	vadd.s32 v11, v5  }
0x250: {  	v5 =	vadd.s32 v12, v5  }
0x251: {  	v10 =	vor.u32 $0xF00, v1;
	_ =	sdelay $0x1  }
0x252: {  	v13 =	vor.u32 $0xF01, v1  }
0x253: {  	[tilespmem:v9+s22+$0x0] =	vst.idx.msk $0xffff, v4  }
0x254: {  	[tilespmem:v5+s22+$0x0] =	vst.idx.msk $0xffff, v7  }
0x255: {  	v5 =	vld.idx.msk [tilespmem:v10+s2+$0x0], $0xffff;
	_ =	sdelay $0x1  }
0x256: {  	v9 =	vld.idx.msk [tilespmem:v13+s2+$0x0], $0xffff;
	_ =	sdelay $0x2  }
0x257: {  	v5 =	vmul.u32 $0x13, v5;
	_ =	sdelay $0x1  }
0x258: {  	v5 =	vadd.s32 v9, v5  }
0x259: {  	v9 =	vadd.s32 v6, v5  }
0x25a: {  	v5 =	vadd.s32 v8, v5  }
0x25b: {  	v10 =	vor.u32 $0xF80, v1;
	_ =	sdelay $0x1  }
0x25c: {  	v13 =	vor.u32 $0xF81, v1  }
0x25d: {  	[tilespmem:v9+s22+$0x0] =	vst.idx.msk $0xffff, v7  }
0x25e: {  	[tilespmem:v5+s22+$0x0] =	vst.idx.msk $0xffff, v4  }
0x25f: {  	v5 =	vld.idx.msk [tilespmem:v10+s2+$0x0], $0xffff;
	_ =	sdelay $0x1  }
0x260: {  	v9 =	vld.idx.msk [tilespmem:v13+s2+$0x0], $0xffff;
	_ =	sdelay $0x2  }
0x261: {  	v5 =	vmul.u32 $0x13, v5;
	_ =	sdelay $0x1  }
0x262: {  	v5 =	vadd.s32 v9, v5  }
0x263: {  	v9 =	vadd.s32 v11, v5  }
0x264: {  	v5 =	vadd.s32 v12, v5;
	_ =	sdelay $0x2  }
0x265: {  	s24 =	sadd.s32 $0x1, s24  }
0x266: {  	p0 =	sne.s32 s24, s20;
	[tilespmem:v9+s22+$0x0] =	vst.idx.msk $0xffff, v7  }
.Ltmp2:
0x267: {  	[tilespmem:v5+s22+$0x0] =	vst.idx.msk $0xffff, v4;
	(pc) =	sbr.rel @p0 .LBB2_1-.Ltmp2, $4  }
0x268: {  	[hbm4b:s19+s2] =	stream.linear.scatter [tilespmem:s22], [sflag:$0x1], $0xE200, $0x38;
	[tilespmem:$0xF200] =	vst v63  }
0x269: {  	_ =	swait.ge [sflag:s23], $0xE200  }
0x26a: {  	[sflag:s23] =	ssyncset.done $0x0  }
0x26b: {  	[sflag:s23] =	ssyncadd.s32 $0xFFFF1E00  }
0x26c: {  	_ =	sfence.sel $0x180000  }
0x26d: {  	[bflag:$0x0] =	sbarrier.arrive $0xFFFF  }
0x26e: {  	p0 =	sne.s32 s0, $0x0;
	_ =	strace $0x90000047  }
0x26f: {  	s0 =	sadd.s32 @!p0 $0x100000, s1;
	[bflag:$0x2] =	sbarrier.arrive $0xFFFF  }
0x270: {  	[sflag:s0] =	ssyncadd.tile.s32 @!p0 $0x1;
	_ =	shalt  }
.Lfunc_end2:
_tile_overlayer_lowered:
.L_overlay_start_2:
0x271: {  	(tag) =	ssettag $0x2  }
0x272: {  	s0 =	rddreg [dreg:$0x0];
	s2 =	stileid.u32  }
0x273: {  	s1 =	rddreg [dreg:$0x1];
	p0 =	sne.s32 s2, $0x0  }
0x274: {  	s3 =	rddreg [dreg:$0x2];
	[bflag:$0x3] =	sbarrier.arrive $0xFFFF;
	s2 =	simm.s32 @!p0 $0x1C02  }
0x275: {  	[timem:s3], [sflag:s2] =	dma.local @!p0 [hbm:s0], s1  }
0x276: {  	s0 =	simm.s32 @!p0 $0x2  }
0x277: {  	_ =	swait.ge @!p0 [sflag:s0], s1  }
0x278: {  	s1 =	ssub.s32 @!p0 $0x0, s1;
	[sflag:s0] =	ssyncset.done @!p0 $0x0  }
0x279: {  	[sflag:s0] =	ssyncadd.s32 @!p0 s1  }
0x27a: {  	[bflag:$0x3] =	sbarrier.arrive $0xFFFF  }
0x27b: {  	_ =	shalt  }

// kernel: sparse-core-data-format-call.cloned.1.call-start
scs
called_computation_lowered:
.L_overlay_start_0:
0x0: {  	s2 =	sld [smem:$0x3FD9]  }
0x1: {  	s3 =	sld [smem:$0x3FFE];
	_ =	sdelay $0x1  }
0x2: {  	s1 =	srdreg.scid  }
0x3: {  	s0 =	sand.u32 $0x1, s1  }
0x4: {  	s18 =	sshll.u32 s0, $0xA;
	s2 =	sadd.s32 s3, s2  }
0x5: {  	s2 =	sadd.s32 s2, s18  }
0x6: {  	[smem:$0x3FC7] =	sst s2  }
0x7: {  	_ = 	snop  }
0x8: {  	s2 =	sld [smem:$0x3FD0];
	(tm) =	ssettm $0x1  }
0x9: {  	s19 =	sld [smem:$0x3FFB];
	_ =	sdelay $0x3  }
0xa: {  	_ =	strace s19  }
0xb: {  	s3 =	sld [smem:$0x3FFC];
	_ =	sdelay $0x3  }
0xc: {  	_ =	strace s3  }
0xd: {  	s3 =	sld [smem:$0x3FFD];
	_ =	sdelay $0x3  }
0xe: {  	_ =	strace s3  }
0xf: {  	_ =	strace $0x8FFFFFFF  }
0x10: {  	s20 =	sld [smem:$0x3FDB];
	_ =	sdelay $0x1  }
0x11: {  	s4 =	simm.s32 $_scs_section_size  }
0x12: {  	s5 =	simm.s32 $_size__tile_overlayer_lowered;
	s6 =	simm.s32 $_tile_overlayer_lowered  }
0x13: {  	s23 =	simm.s32 $0x1BFF;
	s22 =	sshll.u32 s6, $0x1;
	s3 =	sadd.s32 s4, s20  }
0x14: {  	s7 =	simm.s32 $0x0;
	s21 =	sshll.u32 s5, $0x1;
	s5 =	sadd.s32 s22, s3  }
0x15: {  	[timem:s7], [sflag:s23] =	dma.local [hbm:s5], s21  }
0x16: {  	_ =	swait.ge [sflag:s23], s21  }
0x17: {  	s4 =	ssub.s32 $0x0, s21;
	[sflag:s23] =	ssyncset.done $0x0  }
0x18: {  	[sflag:s23] =	ssyncadd.s32 s4;
	_ =	sdelay $0x1  }
0x19: {  	s24 =	simm.s32 $0x1B8B  }
0x1a: {  	_ =	swait.ge [sflag:s24], $0x1  }
0x1b: {  	[sflag:s24] =	ssyncset.done $0x0  }
0x1c: {  	s26 =	simm.s32 $0x1B8E;
	s25 =	sld [smem:$0x3FFE];
	[sflag:s24] =	ssyncadd.s32 $0xFFFFFFFF  }
0x1d: {  	s27 =	simm.s32 $execute0_lowered;
	[smem:$0x3FD2] =	sst s26  }
0x1e: {  	s5 =	sshll.u32 s27, $0x1;
	_ =	strace $0x80000049;
	[dreg:$0x1] =	wrdreg $0xFFFFFFFF  }
0x1f: {  	s28 =	simm.s32 $_size_execute0_lowered;
	s3 =	sadd.s32 s3, s5;
	[dreg:$0x0] =	wrdreg $0x0  }
0x20: {  	s5 =	sshll.u32 s28, $0x1;
	[dreg:$0x2] =	wrdreg s3  }
0x21: {  	[dreg:$0x3] =	wrdreg s5  }
0x22: {  	[dreg:$0x4] =	wrdreg $0xC0  }
0x23: {  	_ =	task [dreg:s7], $0x5FFFF  }
0x24: {  	[dreg:$0x1] =	wrdreg $0xFFFFFFFF  }
0x25: {  	[dreg:$0x0] =	wrdreg $0x60  }
0x26: {  	[dreg:$0x2] =	wrdreg s2  }
0x27: {  	[dreg:$0x3] =	wrdreg s25  }
0x28: {  	[dreg:$0x4] =	wrdreg $0x9  }
0x29: {  	_ =	task.clear_ibuf [dreg:s7], $0x5FFFF;
	_ =	strace $0x90000049  }
0x2a: {  	s29 =	simm.s32 $0x9;
	_ =	strace $0x8000004B  }
0x2b: {  	_ =	swait.ge [sflag:s29], $0x1  }
0x2c: {  	[sflag:s29] =	ssyncadd.s32 $0xFFFFFFFF  }
0x2d: {  	_ =	strace $0x9000004B  }
0x2e: {  	_ =	sfence  }
0x2f: {  	s30 =	sld [smem:$0x0];
	_ =	sdelay $0x2  }
0x30: {  	s31 =	sshll.u32 s1, $0xD;
	s1 =	sshrl.u32 s1, $0x2  }
0x31: {  	s3 =	sand.u32 $0x4000, s31;
	s1 =	sadd.s32 s1, s30  }
0x32: {  	s0 =	sor.u32 s3, s0;
	s1 =	sshll.u32 s1, $0x11  }
0x33: {  	s0 =	sor.u32 s1, s0  }
0x34: {  	s0 =	sadd.s32 $0x8F2B, s0  }
0x35: {  	[sflag:s0] =	ssyncadd.remote.s32 $0x1  }
0x36: {  	_ =	sfence.sel $0xFFFF  }
0x37: {  	[dreg:$0x0] =	wrdreg $0xFFFFFFFF;
	(pc) =	sbr.abs _section_cstart, $3  }
0x38: {  	[dreg:$0x1] =	wrdreg $0xFFFFFFFF  }
0x39: {  	_ =	task.clear_ibuf [dreg:s7], $0x2FFFF;
	_ =	strace $0x9FFFFFFF  }
0x3a: {  	(tm) =	ssettm $0x7FFFFFFF  }
0x3b: {  	_ =	shalt  }
tec
execute0_lowered:
.L_overlay_start_1:
0x0: {  	(tag) =	ssettag $0x1  }
0x1: {  	s0 =	srdreg.scid  }
0x2: {  	s1 =	sshll.u32 s0, $0x4  }
0x3: {  	s3 =	rddreg [dreg:$0x0];
	s0 =	stileid.u32;
	s1 =	sand.u32 $0x10, s1  }
0x4: {  	s6 =	rddreg [dreg:$0x1];
	s1 =	sor.u32 s0, s1  }
0x5: {  	s5 =	simm.s32 $0x1;
	s31 =	simm.s32 $0x2;
	s2 =	sshll.u32 s1, $0x7  }
0x6: {  	s15 =	simm.s32 $0x0;
	s8 =	simm.s32 $0x20000;
	s4 =	ssub.s32 $0x4000, s2  }
0x7: {  	s14 =	simm.s32 $0x0;
	s9 =	simm.s32 $0x0;
	s30 =	sand.u32 $0xF80, s4  }
0x8: {  	s10 =	simm.s32 $0x0;
	s11 =	simm.s32 $0x0;
	p0 =	sne.s32 s30, $0x0  }
.Ltmp0:
0x9: {  	s7 =	sshrl.u32 s4, $0xC;
	s5 =	simm.s32 @!p0 $0x0;
	(pc) =	sbr.rel .LBB1_1-.Ltmp0, $4  }
0xa: {  	s13 =	simm.s32 $0x0;
	s1 =	rddreg [dreg:$0x2];
	s5 =	sadd.s32 s5, s7  }
0xb: {  	_ =	strace $0x8000004A;
	s4 =	simm.s32 $0x1;
	s5 =	smul.u32 $0xF, s5  }
0xc: {  	s6 =	sadd.s32 $0x800, s6;
	s12 =	smov.u32 s2;
	[sflag:s4] =	ssyncpa.u1 $0x0  }
0xd: {  	[sflag:s31] =	ssyncpa.u1 $0x0;
	p0 =	por $0x0, $0x0;
	s7 =	sadd.s32 $0x1, s5  }
.LBB1_4:
0xe: {  	s20 =	sshra.s32 s20, $0x2  }
0xf: {  	s28 =	sand.u32 $0x78, s10;
	s21 =	sshll.u32 s9, $0xE;
	s22 =	sshll.u32 s10, $0x3  }
0x10: {  	s24 =	sshll.u32 s9, $0x7;
	p1 =	sgt.s32 s9, $0x690;
	s30 =	sshra.s32 s9, $0x1F  }
0x11: {  	s26 =	sshra.s32 s10, $0x1F;
	s19 =	sadd.s32 s20, s19;
	s21 =	sand.u32 $0xFFFE0000, s21  }
0x12: {  	v5 =	vld [tilespmem:s17+$0xFFFFFFD0];
	[tilespmem:s18+$0x2040 ss:$0x81] =	vst.msk $0xffff, v4;
	s23 =	sand.u32 $0xFFFFFC00, s22;
	s29 =	sand.u32 $0x380, s24;
	s22 =	sand.u32 $0x3C00, s22  }
0x13: {  	v58 =	vld [tilespmem:s17+$0xFFFFFFE0];
	[tilespmem:s18+$0x2850 ss:$0x81] =	vst.msk $0xffff, v3;
	s21 =	sadd.s32 s23, s21;
	s20 =	sor.u32 s28, s22;
	s22 =	smov.u32 s9  }
0x14: {  	v59 =	vld [tilespmem:s17+$0xFFFFFFF0];
	[tilespmem:s18+$0x3060 ss:$0x81] =	vst.msk $0xffff, v2;
	s24 =	sand.u32 s30, s9;
	s21 =	sshrl.u32 s21, $0xE;
	s22 =	simm.s32 @!p1 $0x690  }
0x15: {  	v60 =	vld [tilespmem:s17+$0x0];
	[tilespmem:s18+$0x0 ss:$0x81] =	vst.msk $0xffff, v1;
	p1 =	sgt.s32 s10, $0x3F80;
	s31 =	ssub.s32 s22, s24;
	s22 =	smov.u32 s10  }
0x16: {  	v61 =	vld [tilespmem:s17+$0x10];
	[tilespmem:s19+$0x3870 ss:$0x81] =	vst.msk $0xffff, v0;
	s25 =	smulhi.u32 $0x243F70, s21;
	s24 =	sand.u32 s26, s10;
	s22 =	simm.s32 @!p1 $0x3F80  }
0x17: {  	v62 =	vld [tilespmem:s17+$0x20];
	s20 =	sor.u32 s29, s20;
	[tilespmem:s19+$0x810 ss:$0x81] =	vst.msk $0xffff, v5;
	s27 =	sadd.s32 $0xFFFFF970, s31;
	s22 =	ssub.s32 s22, s24  }
0x18: {  	v63 =	vld [tilespmem:s17+$0xFFFFFFC0];
	[tilespmem:s19+$0x1020 ss:$0x81] =	vst.msk $0xffff, v58;
	s18 =	ssub.s32 $0x710, s31;
	s28 =	smul.u32 $0x710, s25;
	s29 =	sadd.s32 $0xFFFFC080, s22  }
0x19: {  	[tilespmem:s19+$0x1830 ss:$0x81] =	vst.msk $0xffff, v59;
	p1 =	sgt.s32 s27, $0x7F;
	s22 =	ssub.s32 $0x4000, s22;
	p2 =	sgt.s32 s29, $0x7F  }
0x1a: {  	s30 =	sand.u32 $0x7, s10;
	[tilespmem:s19+$0x2040 ss:$0x81] =	vst.msk $0xffff, v60;
	s18 =	simm.s32 @p1 $0x0;
	s22 =	simm.s32 @p2 $0x0  }
0x1b: {  	s20 =	sshrl.u32 s20, $0x3;
	[tilespmem:s19+$0x2850 ss:$0x81] =	vst.msk $0xffff, v61;
	s17 =	ssub.s32 s21, s28;
	s18 =	smul.u32 s22, s18  }
0x1c: {  	[tilespmem:s19+$0x3060 ss:$0x81] =	vst.msk $0xffff, v62;
	s20 =	sadd.s32 s6, s20;
	s21 =	sshll.u32 s30, $0x12;
	s17 =	sshll.u32 s17, $0xB  }
0x1d: {  	[tilespmem:s19+$0x0 ss:$0x81] =	vst.msk $0xffff, v63;
	s31 =	sor.u32 $0x400, s21;
	s17 =	sadd.s32 s17, s20;
	s18 =	sand.u32 $0x3FFFFFFF, s18  }
0x1e: {  	[hbm4b:s17+s31] =	stream.strided.scatter [tilespmem:s16], [sflag:$0x2], s18, s8, s31, $0x20;
	[tilespmem:$0x10100] =	vst v63  }
.LBB1_5:
0x1f: {  	p1 =	slt.u32 s13, $0x2  }
0x20: {  	s17 =	smov.u32 s15;
	p2 =	sgt.s32 @!p1 s15, $0x690;
	s16 =	sshra.s32 @!p1 s15, $0x1F  }
0x21: {  	p3 =	sgt.s32 @!p1 s14, $0x3F80;
	s18 =	sshra.s32 @!p1 s14, $0x1F;
	p2 =	por !p2, p1  }
0x22: {  	s15 =	sand.u32 @!p1 s16, s15;
	p3 =	por !p3, p1;
	s16 =	smov.u32 s14  }
0x23: {  	s14 =	sand.u32 @!p1 s18, s14;
	s17 =	simm.s32 @p2 $0x690;
	s16 =	simm.s32 @p3 $0x3F80  }
0x24: {  	s15 =	ssub.s32 @!p1 s17, s15;
	s14 =	ssub.s32 @!p1 s16, s14  }
0x25: {  	s18 =	smov.u32 s12;
	s16 =	sadd.s32 @!p1 $0xFFFFF970, s15;
	s17 =	sadd.s32 @!p1 $0xFFFFC080, s14  }
0x26: {  	s15 =	ssub.s32 @!p1 $0x710, s15;
	p2 =	sgt.s32 @!p1 s16, $0x7F;
	p3 =	sgt.s32 @!p1 s17, $0x7F  }
0x27: {  	s14 =	ssub.s32 @!p1 $0x4000, s14;
	p2 =	por !p2, p1;
	p3 =	por !p3, p1  }
0x28: {  	s16 =	sadd.s32 $0x80, s11;
	s15 =	simm.s32 @!p2 $0x0;
	s14 =	simm.s32 @!p3 $0x0  }
0x29: {  	p2 =	sgt.s32 s16, $0x70C;
	s14 =	smul.u32 @!p1 s14, s15;
	s15 =	sadd.s32 $0x1000, s12  }
0x2a: {  	s18 =	smov.u32 @p2 s15  }
0x2b: {  	s16 =	simm.s32 @p2 $0x0;
	p2 =	sgt.s32 s18, $0x3FFF  }
0x2c: {  	s18 =	smov.u32 @p2 s2;
	p2 =	sne.s32 s13, s7  }
.Ltmp1:
0x2d: {  	p0 =	por !p0, !p0;
	s17 =	simm.s32 @!p1 $0x2;
	(pc) =	sbr.rel @!p2 .LBB1_6-.Ltmp1, $4  }
0x2e: {  	s15 =	smov.u32 s9;
	s9 =	smov.u32 s11;
	s14 =	sand.u32 @!p1 $0x3FFFFFFF, s14  }
0x2f: {  	s11 =	smov.u32 s16;
	_ =	swait.ge @!p1 [sflag:s17], s14;
	s19 =	ssub.s32 @!p1 $0x0, s14  }
0x30: {  	s14 =	smov.u32 s10;
	s13 =	sadd.s32 $0x1, s13;
	[sflag:s17] =	ssyncset.done @!p1 $0x0  }
0x31: {  	s10 =	smov.u32 s12;
	s12 =	smov.u32 s18;
	[sflag:s17] =	ssyncadd.s32 @!p1 s19  }
.LBB1_1:
0x32: {  	p1 =	sge.u32 s13, s5  }
0x33: {  	s16 =	sshrl.u32 @!p1 s12, $0x3  }
0x34: {  	s17 =	sshll.u32 @!p1 s11, $0x3;
	s16 =	smul.u32 @!p1 $0x3C00, s16  }
0x35: {  	s18 =	sshll.u32 @!p1 s12, $0x7;
	s17 =	sand.u32 @!p1 $0xFFFFFC00, s17  }
0x36: {  	s16 =	sadd.s32 @!p1 s16, s17;
	s17 =	sand.u32 @!p1 $0x380, s18  }
0x37: {  	s18 =	sand.u32 @!p1 $0x7F, s11;
	s16 =	sor.u32 @!p1 s17, s16  }
0x38: {  	s17 =	sor.u32 @!p1 s18, s16  }
0x39: {  	s18 =	smulhi.u32 @!p1 $0x88888889, s17;
	_ =	sdelay $0x1  }
0x3a: {  	s16 =	smulhi.u32 @!p1 $0x88888889, s16;
	s18 =	sshrl.u32 @!p1 s18, $0xA  }
0x3b: {  	s18 =	smul.u32 @!p1 $0x780, s18  }
0x3c: {  	s31 =	sadd.s32 $0xFFFFFFFF, s13;
	s19 =	sxor.u32 @!p1 $0xFFFFFFFF, s13;
	s16 =	sshrl.u32 @!p1 s16, $0xA  }
0x3d: {  	s19 =	sshll.u32 @!p1 s19, $0xE;
	s16 =	sand.u32 @!p1 $0x3FFF, s16;
	s17 =	ssub.s32 @!p1 s17, s18  }
0x3e: {  	s16 =	smul.u32 @!p1 $0xF0, s16;
	s18 =	sshrl.u32 @!p1 s17, $0x3;
	s17 =	sand.u32 @!p1 $0x7, s17  }
0x3f: {  	s19 =	sand.u32 @!p1 $0x4000, s19;
	s18 =	sadd.s32 @!p1 s3, s18;
	s17 =	sshll.u32 @!p1 s17, $0x12  }
0x40: {  	s16 =	sadd.s32 @!p1 s16, s18;
	s17 =	sor.u32 @!p1 $0x400, s17;
	s18 =	simm.s32 @!p1 $0x3C00  }
0x41: {  	[tilespmem:s19], [sflag:$0x1] =	stream.strided.gather @!p1 [hbm4b:s16+s17], $0x4000, s18, s17, $0x38;
	[tilespmem:$0x10100] =	vst v63  }
0x42: {  	p1 =	sge.u32 s31, s5  }
.Ltmp2:
0x43: {  	_ = 	snop;
	(pc) =	sbr.rel @p1 .LBB1_5-.Ltmp2, $1  }
0x44: {  	_ =	sdelay $0x3  }
0x45: {  	s16 =	simm.s32 $0x1  }
0x46: {  	_ =	swait.ge [sflag:s4], $0x4000;
	s16 =	simm.s32 @!p0 $0x0  }
0x47: {  	[sflag:s4] =	ssyncset.done $0x0;
	s17 =	sshll.u32 s16, $0xE  }
0x48: {  	[sflag:s4] =	ssyncadd.s32 $0xFFFFC000;
	s17 =	sor.u32 $0x40, s17  }
0x49: {  	s16 =	smul.u32 $0x10200, s16;
	v0 =	vld [tilespmem:s17+$0x30]  }
0x4a: {  	v1 =	vld [tilespmem:s17+$0xFFFFFFD0]  }
0x4b: {  	s16 =	sshrl.u32 s16, $0x2;
	v5 =	vld [tilespmem:s17+$0xFFFFFFE0]  }
0x4c: {  	v6 =	vld [tilespmem:s17+$0xFFFFFFF0];
	s19 =	sor.u32 $0x8000, s16  }
0x4d: {  	s31 =	sand.u32 $0x1, s13;
	v4 =	vld [tilespmem:s17+$0x0];
	s18 =	sadd.s32 $0x0, s19  }
0x4e: {  	v3 =	vld [tilespmem:s17+$0x10];
	s16 =	smul.u32 $0x10200, s31;
	[tilespmem:s18+$0x3870 ss:$0x81] =	vst.msk $0xffff, v0  }
0x4f: {  	v2 =	vld [tilespmem:s17+$0x20];
	[tilespmem:s18+$0x810 ss:$0x81] =	vst.msk $0xffff, v1  }
0x50: {  	s16 =	sshrl.u32 s16, $0x2;
	v1 =	vld [tilespmem:s17+$0xFFFFFFC0];
	[tilespmem:s18+$0x1020 ss:$0x81] =	vst.msk $0xffff, v5;
	s17 =	sadd.s32 $0x80, s17  }
0x51: {  	s20 =	simm.s32 $0x4;
	s21 =	simm.s32 $0x8;
	s16 =	sor.u32 $0x8000, s16;
	[tilespmem:s18+$0x1830 ss:$0x81] =	vst.msk $0xffff, v6;
	v0 =	vld [tilespmem:s17+$0x30]  }
.LBB1_3:
0x52: {  	p1 =	sne.s32 s21, $0x1FC;
	v5 =	vld [tilespmem:s17+$0xFFFFFFD0];
	[tilespmem:s18+$0x2040 ss:$0x81] =	vst.msk $0xffff, v4  }
0x53: {  	v6 =	vld [tilespmem:s17+$0xFFFFFFE0];
	[tilespmem:s18+$0x2850 ss:$0x81] =	vst.msk $0xffff, v3  }
0x54: {  	s22 =	sshra.s32 s20, $0x2;
	s20 =	smov.u32 s21;
	v7 =	vld [tilespmem:s17+$0xFFFFFFF0];
	[tilespmem:s18+$0x3060 ss:$0x81] =	vst.msk $0xffff, v2  }
.Ltmp3:
0x55: {  	v4 =	vld [tilespmem:s17+$0x0];
	[tilespmem:s18+$0x0 ss:$0x81] =	vst.msk $0xffff, v1;
	s18 =	sadd.s32 s22, s19;
	(pc) =	sbr.rel @p1 .LBB1_3-.Ltmp3, $4  }
0x56: {  	v3 =	vld [tilespmem:s17+$0x10];
	[tilespmem:s18+$0x3870 ss:$0x81] =	vst.msk $0xffff, v0  }
0x57: {  	[tilespmem:s18+$0x810 ss:$0x81] =	vst.msk $0xffff, v5;
	v2 =	vld [tilespmem:s17+$0x20]  }
0x58: {  	v1 =	vld [tilespmem:s17+$0xFFFFFFC0];
	[tilespmem:s18+$0x1020 ss:$0x81] =	vst.msk $0xffff, v6;
	s17 =	sadd.s32 $0x80, s17  }
0x59: {  	s21 =	sadd.s32 $0x4, s21;
	v0 =	vld [tilespmem:s17+$0x30];
	[tilespmem:s18+$0x1830 ss:$0x81] =	vst.msk $0xffff, v7  }
.Ltmp4:
0x5a: {  	_ = 	snop;
	(pc) =	sbr.rel .LBB1_4-.Ltmp4, $1  }
0x5b: {  	_ =	sdelay $0x3  }
.LBB1_6:
0x5c: {  	_ =	sfence.sel $0x180000  }
0x5d: {  	s2 =	simm.s32 $0x1;
	[bflag:$0x0] =	sbarrier.arrive $0xFFFF  }
0x5e: {  	s31 =	simm.s32 $0x2;
	[sflag:s2] =	ssyncpa.u1 $0x1  }
0x5f: {  	[sflag:s31] =	ssyncpa.u1 $0x1  }
0x60: {  	p0 =	sne.s32 s0, $0x0;
	_ =	strace $0x9000004A  }
0x61: {  	s0 =	sadd.s32 @!p0 $0x100000, s1;
	[bflag:$0x2] =	sbarrier.arrive $0xFFFF  }
0x62: {  	[sflag:s0] =	ssyncadd.tile.s32 @!p0 $0x1;
	_ =	shalt  }
.Lfunc_end1:
_tile_overlayer_lowered:
.L_overlay_start_2:
0x63: {  	(tag) =	ssettag $0x2  }
0x64: {  	s0 =	rddreg [dreg:$0x0];
	s2 =	stileid.u32  }
0x65: {  	s1 =	rddreg [dreg:$0x1];
	p0 =	sne.s32 s2, $0x0  }
0x66: {  	s3 =	rddreg [dreg:$0x2];
	[bflag:$0x3] =	sbarrier.arrive $0xFFFF;
	s2 =	simm.s32 @!p0 $0x1C01  }
0x67: {  	[timem:s3], [sflag:s2] =	dma.local @!p0 [hbm:s0], s1  }
0x68: {  	s0 =	simm.s32 @!p0 $0x1  }
0x69: {  	_ =	swait.ge @!p0 [sflag:s0], s1  }
0x6a: {  	s1 =	ssub.s32 @!p0 $0x0, s1;
	[sflag:s0] =	ssyncset.done @!p0 $0x0  }
0x6b: {  	[sflag:s0] =	ssyncadd.s32 @!p0 s1  }
0x6c: {  	[bflag:$0x3] =	sbarrier.arrive $0xFFFF  }
0x6d: {  	_ =	shalt  }

</sc_bundles>
